<compile_context>
chip_gen: v7x
topology: tpu7x:2x2x1
jax: 0.10.2.dev20260603
libtpu: 0.0.44.dev20260713+nightly
codegen_flags: <defaults>
</compile_context>

<pallas_src>
import jax
import jax.numpy as jnp
from jax import lax
from jax.experimental import pallas as pl
from jax.experimental.pallas import tpu as pltpu
from jax.experimental.pallas import tpu_sc as plsc

NC = 2
NS = 16
NW = NC * NS
CHUNK = 128
NBUF = 5


def _build_call(B, S, V, H):
    rows_per_w = B * S // NW
    n_chunks = rows_per_w // CHUNK
    n_groups = n_chunks // NBUF
    mesh = plsc.VectorSubcoreMesh(core_axis_name="c", subcore_axis_name="s")

    def body(idx_hbm, tok_hbm, pos_hbm, out_hbm, idx_v, pos_v,
             d0, d1, d2, d3, d4, g0, g1, g2, g3, g4,
             s0, s1, s2, s3, s4, p0, p1, p2, p3, p4):
        sid = lax.axis_index("s")
        wid = sid * NC + lax.axis_index("c")
        base = wid * rows_per_w

        pltpu.sync_copy(idx_hbm.at[wid], idx_v)

        @pl.when(sid == 0)
        def _():
            pltpu.sync_copy(pos_hbm, pos_v)
        plsc.subcore_barrier()

        bufs = (d0, d1, d2, d3, d4)
        gs = (g0, g1, g2, g3, g4)
        ss = (s0, s1, s2, s3, s4)
        ps = (p0, p1, p2, p3, p4)

        def p_cp(j, b):
            j = lax.rem(j + sid * 13, n_chunks)
            off = pl.multiple_of(lax.rem(j * CHUNK, S), 8)
            return pltpu.make_async_copy(
                pos_v.at[pl.ds(off, CHUNK)], bufs[b], ps[b])

        def g_cps(j, b):
            j = lax.rem(j + sid * 13, n_chunks)
            return [pltpu.make_async_copy(
                tok_hbm.at[idx_v.at[j, pl.ds(h * (CHUNK // 2), CHUNK // 2)]],
                bufs[b].at[pl.ds(h * (CHUNK // 2), CHUNK // 2)],
                gs[b]) for h in range(2)]

        def s_cp(j, b):
            j = lax.rem(j + sid * 13, n_chunks)
            off = pl.multiple_of(base + j * CHUNK, 8)
            return pltpu.make_async_copy(
                bufs[b], out_hbm.at[pl.ds(off, CHUNK)], ss[b])

        def step(j, b, skip_s_wait=False, fire_p=True, fire_g=True):
            for cp in g_cps(j, b):
                cp.wait()
            if fire_g:
                p_cp(j + 2, (b + 2) % NBUF).wait()
                for cp in g_cps(j + 2, (b + 2) % NBUF):
                    cp.start(add=True)
            s_cp(j, b).start()
            if not skip_s_wait:
                s_cp(j - 2, (b - 2) % NBUF).wait()
            if fire_p:
                p_cp(j + 3, (b + 3) % NBUF).start()

        p_cp(0, 0).start()
        p_cp(1, 1).start()
        p_cp(2, 2).start()
        p_cp(0, 0).wait()
        for cp in g_cps(0, 0):
            cp.start(add=True)
        p_cp(1, 1).wait()
        for cp in g_cps(1, 1):
            cp.start(add=True)

        for b in range(NBUF):
            step(b, b, skip_s_wait=b < 2)

        def group(k, _):
            for b in range(NBUF):
                step(NBUF * k + b, b)
            return 0

        lax.fori_loop(1, n_groups - 1, group, 0)

        for b in range(NBUF):
            j = NBUF * (n_groups - 1) + b
            step(j, b, fire_p=j + 3 < n_chunks, fire_g=j + 2 < n_chunks)

        s_cp(n_chunks - 2, (NBUF - 2) % NBUF).wait()
        s_cp(n_chunks - 1, (NBUF - 1) % NBUF).wait()

    return pl.kernel(
        body,
        out_type=jax.ShapeDtypeStruct((B * S, H), jnp.float32),
        mesh=mesh,
        scratch_types=[
            pltpu.VMEM((n_chunks, CHUNK), jnp.int32),
            pltpu.VMEM_SHARED((S + CHUNK, H), jnp.float32),
            pltpu.VMEM((CHUNK, H), jnp.float32),
            pltpu.VMEM((CHUNK, H), jnp.float32),
            pltpu.VMEM((CHUNK, H), jnp.float32),
            pltpu.VMEM((CHUNK, H), jnp.float32),
            pltpu.VMEM((CHUNK, H), jnp.float32),
        ] + [pltpu.SemaphoreType.DMA] * 15,
    )


@jax.jit
def kernel(input_ids, token_table, pos_table):
    B, S = input_ids.shape
    V, H = token_table.shape
    idx_r = input_ids.reshape(NW, -1, CHUNK).astype(jnp.int32)
    pos_ext = jnp.concatenate([pos_table[:S], pos_table[:CHUNK]], axis=0)
    out = _build_call(B, S, V, H)(idx_r, token_table, pos_ext)
    return out.reshape(B, S, H)

# --- scband reference (transcript-rebuilt; emitter-appended) ---
"""Pipeline reference for scband-token-and-position-embedding-43215960932879 (READ-ONLY COPY).

The authoritative reference and input builder live on the scoring server;
editing this copy changes nothing except your own understanding.
"""

import jax, jax.numpy as jnp
import numpy as np

VOCAB = 100000
HIDDEN = 128
MAX_POS = 512
B, S = 4096, 200

def setup_inputs(seed: int = 0) -> dict:
    key = jax.random.key(seed)
    k1, k2, k3 = jax.random.split(key, 3)
    input_ids = jax.random.randint(k1, (B, S), 0, VOCAB, dtype=jnp.int64 if jax.config.jax_enable_x64 else jnp.int32)
    token_table = jax.random.normal(k2, (VOCAB, HIDDEN), dtype=jnp.float32) * 0.02
    pos_table = jax.random.normal(k3, (MAX_POS, HIDDEN), dtype=jnp.float32) * 0.02
    return {"input_ids": input_ids, "token_table": token_table, "pos_table": pos_table}

def reference(input_ids, token_table, pos_table):
    batch_size, seq_len = input_ids.shape
    # token embedding gather
    token_emb = jnp.take(token_table, input_ids, axis=0)  # [B, S, H]
    # default position ids: arange(seq_len) broadcast over batch
    position_ids = jnp.broadcast_to(jnp.arange(seq_len)[None, :], (batch_size, seq_len))
    pos_emb = jnp.take(pos_table, position_ids, axis=0)  # [B, S, H]
    embeddings = token_emb + pos_emb
    # dropout with p=0.0 (eval / identity)
    return embeddings

if __name__ == "__main__":
    import jax
    _d = setup_inputs()
    print(jax.jit(kernel)(*tuple(_d.values())))

</pallas_src>

<mosaic_0001>
#map = affine_map<(d0, d1) -> (0, 0, 0)>
#map1 = affine_map<(d0, d1) -> (0, 0)>
module attributes {stable_mosaic.version = 14 : i64} {
  func.func @body(%arg0: i32, %arg1: i32, %arg2: memref<32x200x128xi32, #tpu.memory_space<hbm>>, %arg3: memref<100000x128xf32, #tpu.memory_space<hbm>>, %arg4: memref<328x128xf32, #tpu.memory_space<hbm>>, %arg5: memref<819200x128xf32, #tpu.memory_space<hbm>>, %arg6: memref<200x128xi32, #tpu.memory_space<vmem>>, %arg7: memref<328x128xf32, #tpu.memory_space<vmem_shared>>, %arg8: memref<128x128xf32, #tpu.memory_space<vmem>>, %arg9: memref<128x128xf32, #tpu.memory_space<vmem>>, %arg10: memref<128x128xf32, #tpu.memory_space<vmem>>, %arg11: memref<128x128xf32, #tpu.memory_space<vmem>>, %arg12: memref<128x128xf32, #tpu.memory_space<vmem>>, %arg13: memref<!tpu.dma_semaphore, #tpu.memory_space<semaphore_mem>>, %arg14: memref<!tpu.dma_semaphore, #tpu.memory_space<semaphore_mem>>, %arg15: memref<!tpu.dma_semaphore, #tpu.memory_space<semaphore_mem>>, %arg16: memref<!tpu.dma_semaphore, #tpu.memory_space<semaphore_mem>>, %arg17: memref<!tpu.dma_semaphore, #tpu.memory_space<semaphore_mem>>, %arg18: memref<!tpu.dma_semaphore, #tpu.memory_space<semaphore_mem>>, %arg19: memref<!tpu.dma_semaphore, #tpu.memory_space<semaphore_mem>>, %arg20: memref<!tpu.dma_semaphore, #tpu.memory_space<semaphore_mem>>, %arg21: memref<!tpu.dma_semaphore, #tpu.memory_space<semaphore_mem>>, %arg22: memref<!tpu.dma_semaphore, #tpu.memory_space<semaphore_mem>>, %arg23: memref<!tpu.dma_semaphore, #tpu.memory_space<semaphore_mem>>, %arg24: memref<!tpu.dma_semaphore, #tpu.memory_space<semaphore_mem>>, %arg25: memref<!tpu.dma_semaphore, #tpu.memory_space<semaphore_mem>>, %arg26: memref<!tpu.dma_semaphore, #tpu.memory_space<semaphore_mem>>, %arg27: memref<!tpu.dma_semaphore, #tpu.memory_space<semaphore_mem>>) attributes {dimension_semantics = [#tpu.dimension_semantics<core_parallel>, #tpu.dimension_semantics<subcore_parallel>], iteration_bounds = array<i64: 2, 16>, scalar_prefetch = 0 : i64, scratch_operands = 22 : i64, tpu.core_type = #tpu.core_type<sc_vector_subcore>, window_params = [{transform_indices = #map}, {transform_indices = #map1}, {transform_indices = #map1}, {transform_indices = #map1}]} {
    %mul3A = arith.constant 2 : i32
    %mul3A_0 = arith.muli %arg1, %mul3A : i32
    %add3A = arith.addi %mul3A_0, %arg0 : i32
    %mul3A_1 = arith.constant 25600 : i32
    %mul3A_2 = arith.muli %add3A, %mul3A_1 : i32
    "tpu.region"() ({
      %run_scoped3A = tpu.sem_alloc : memref<!tpu.dma_semaphore, #tpu.memory_space<semaphore_mem>>
      %dma_start3A_1067 = arith.constant 0 : i32
      %dma_start3A_1068 = arith.constant 0 : i32
      %dma_start3A_1069 = tpu.memref_slice %arg2[%add3A, %dma_start3A_1067, %dma_start3A_1068] : memref<32x200x128xi32, #tpu.memory_space<hbm>> -> memref<1x200x128xi32, #tpu.memory_space<hbm>>
      %dma_start3A_1070 = tpu.memref_squeeze %dma_start3A_1069 : memref<1x200x128xi32, #tpu.memory_space<hbm>> -> memref<200x128xi32, #tpu.memory_space<hbm>>
      %dma_start3A_1071 = arith.constant 0 : i32
      %dma_start3A_1072 = arith.constant 0 : i32
      %dma_start3A_1073 = tpu.memref_slice %arg2[%add3A, %dma_start3A_1071, %dma_start3A_1072] : memref<32x200x128xi32, #tpu.memory_space<hbm>> -> memref<1x200x128xi32, #tpu.memory_space<hbm>>
      %dma_start3A_1074 = tpu.memref_squeeze %dma_start3A_1073 : memref<1x200x128xi32, #tpu.memory_space<hbm>> -> memref<200x128xi32, #tpu.memory_space<hbm>>
      tpu.enqueue_dma source(%dma_start3A_1074 : memref<200x128xi32, #tpu.memory_space<hbm>>) target(%arg6 : memref<200x128xi32, #tpu.memory_space<vmem>>) target_semaphore(%run_scoped3A : memref<!tpu.dma_semaphore, #tpu.memory_space<semaphore_mem>>)
      %dma_wait3A_1075 = arith.constant 0 : i32
      %dma_wait3A_1076 = arith.constant 0 : i32
      %dma_wait3A_1077 = tpu.memref_slice %arg2[%add3A, %dma_wait3A_1075, %dma_wait3A_1076] : memref<32x200x128xi32, #tpu.memory_space<hbm>> -> memref<1x200x128xi32, #tpu.memory_space<hbm>>
      %dma_wait3A_1078 = tpu.memref_squeeze %dma_wait3A_1077 : memref<1x200x128xi32, #tpu.memory_space<hbm>> -> memref<200x128xi32, #tpu.memory_space<hbm>>
      %dma_wait3A_1079 = arith.constant 0 : i32
      %dma_wait3A_1080 = arith.constant 0 : i32
      %dma_wait3A_1081 = tpu.memref_slice %arg2[%add3A, %dma_wait3A_1079, %dma_wait3A_1080] : memref<32x200x128xi32, #tpu.memory_space<hbm>> -> memref<1x200x128xi32, #tpu.memory_space<hbm>>
      %dma_wait3A_1082 = tpu.memref_squeeze %dma_wait3A_1081 : memref<1x200x128xi32, #tpu.memory_space<hbm>> -> memref<200x128xi32, #tpu.memory_space<hbm>>
      tpu.wait_dma2 semaphore(%run_scoped3A : memref<!tpu.dma_semaphore, #tpu.memory_space<semaphore_mem>>) src(%dma_wait3A_1082 : memref<200x128xi32, #tpu.memory_space<hbm>>) dst(%arg6 : memref<200x128xi32, #tpu.memory_space<vmem>>)
      tpu.yield
    }) : () -> ()
    %eq3A = arith.constant 0 : i32
    %eq3A_3 = arith.cmpi eq, %arg1, %eq3A : i32
    %convert_element_type3A = arith.extui %eq3A_3 : i1 to i32
    %cond3A = arith.constant 0 : i32
    %cond3A_4 = arith.cmpi ne, %convert_element_type3A, %cond3A : i32
    scf.if %cond3A_4 {
      "tpu.region"() ({
        %run_scoped3A = tpu.sem_alloc : memref<!tpu.dma_semaphore, #tpu.memory_space<semaphore_mem>>
        tpu.enqueue_dma source(%arg4 : memref<328x128xf32, #tpu.memory_space<hbm>>) target(%arg7 : memref<328x128xf32, #tpu.memory_space<vmem_shared>>) target_semaphore(%run_scoped3A : memref<!tpu.dma_semaphore, #tpu.memory_space<semaphore_mem>>)
        tpu.wait_dma2 semaphore(%run_scoped3A : memref<!tpu.dma_semaphore, #tpu.memory_space<semaphore_mem>>) src(%arg4 : memref<328x128xf32, #tpu.memory_space<hbm>>) dst(%arg7 : memref<328x128xf32, #tpu.memory_space<vmem_shared>>)
        tpu.yield
      }) : () -> ()
    } else {
    }
    %barrier3A = arith.constant 0 : index
    tpu.barrier barrier_id(%barrier3A)
    %mul3A_5 = arith.constant 13 : i32
    %mul3A_6 = arith.muli %arg1, %mul3A_5 : i32
    %add3A_7 = arith.constant 0 : i32
    %add3A_8 = arith.addi %add3A_7, %mul3A_6 : i32
    %rem3A = arith.constant 200 : i32
    %rem3A_9 = arith.remsi %add3A_8, %rem3A : i32
    %mul3A_10 = arith.constant 128 : i32
    %mul3A_11 = arith.muli %rem3A_9, %mul3A_10 : i32
    %rem3A_12 = arith.constant 200 : i32
    %rem3A_13 = arith.remsi %mul3A_11, %rem3A_12 : i32
    %multiple_of3A = tpu.assume_multiple %rem3A_13, 8 : i32
    %dma_start3A = arith.constant 0 : i32
    %dma_start3A_14 = tpu.memref_slice %arg7[%multiple_of3A, %dma_start3A] : memref<328x128xf32, #tpu.memory_space<vmem_shared>> -> memref<128x128xf32, #tpu.memory_space<vmem_shared>>
    %dma_start3A_15 = arith.constant 0 : i32
    %dma_start3A_16 = tpu.memref_slice %arg7[%multiple_of3A, %dma_start3A_15] : memref<328x128xf32, #tpu.memory_space<vmem_shared>> -> memref<128x128xf32, #tpu.memory_space<vmem_shared>>
    tpu.enqueue_dma source(%dma_start3A_16 : memref<128x128xf32, #tpu.memory_space<vmem_shared>>) target(%arg8 : memref<128x128xf32, #tpu.memory_space<vmem>>) target_semaphore(%arg23 : memref<!tpu.dma_semaphore, #tpu.memory_space<semaphore_mem>>)
    %mul3A_17 = arith.constant 13 : i32
    %mul3A_18 = arith.muli %arg1, %mul3A_17 : i32
    %add3A_19 = arith.constant 1 : i32
    %add3A_20 = arith.addi %add3A_19, %mul3A_18 : i32
    %rem3A_21 = arith.constant 200 : i32
    %rem3A_22 = arith.remsi %add3A_20, %rem3A_21 : i32
    %mul3A_23 = arith.constant 128 : i32
    %mul3A_24 = arith.muli %rem3A_22, %mul3A_23 : i32
    %rem3A_25 = arith.constant 200 : i32
    %rem3A_26 = arith.remsi %mul3A_24, %rem3A_25 : i32
    %multiple_of3A_27 = tpu.assume_multiple %rem3A_26, 8 : i32
    %dma_start3A_28 = arith.constant 0 : i32
    %dma_start3A_29 = tpu.memref_slice %arg7[%multiple_of3A_27, %dma_start3A_28] : memref<328x128xf32, #tpu.memory_space<vmem_shared>> -> memref<128x128xf32, #tpu.memory_space<vmem_shared>>
    %dma_start3A_30 = arith.constant 0 : i32
    %dma_start3A_31 = tpu.memref_slice %arg7[%multiple_of3A_27, %dma_start3A_30] : memref<328x128xf32, #tpu.memory_space<vmem_shared>> -> memref<128x128xf32, #tpu.memory_space<vmem_shared>>
    tpu.enqueue_dma source(%dma_start3A_31 : memref<128x128xf32, #tpu.memory_space<vmem_shared>>) target(%arg9 : memref<128x128xf32, #tpu.memory_space<vmem>>) target_semaphore(%arg24 : memref<!tpu.dma_semaphore, #tpu.memory_space<semaphore_mem>>)
    %mul3A_32 = arith.constant 13 : i32
    %mul3A_33 = arith.muli %arg1, %mul3A_32 : i32
    %add3A_34 = arith.constant 2 : i32
    %add3A_35 = arith.addi %add3A_34, %mul3A_33 : i32
    %rem3A_36 = arith.constant 200 : i32
    %rem3A_37 = arith.remsi %add3A_35, %rem3A_36 : i32
    %mul3A_38 = arith.constant 128 : i32
    %mul3A_39 = arith.muli %rem3A_37, %mul3A_38 : i32
    %rem3A_40 = arith.constant 200 : i32
    %rem3A_41 = arith.remsi %mul3A_39, %rem3A_40 : i32
    %multiple_of3A_42 = tpu.assume_multiple %rem3A_41, 8 : i32
    %dma_start3A_43 = arith.constant 0 : i32
    %dma_start3A_44 = tpu.memref_slice %arg7[%multiple_of3A_42, %dma_start3A_43] : memref<328x128xf32, #tpu.memory_space<vmem_shared>> -> memref<128x128xf32, #tpu.memory_space<vmem_shared>>
    %dma_start3A_45 = arith.constant 0 : i32
    %dma_start3A_46 = tpu.memref_slice %arg7[%multiple_of3A_42, %dma_start3A_45] : memref<328x128xf32, #tpu.memory_space<vmem_shared>> -> memref<128x128xf32, #tpu.memory_space<vmem_shared>>
    tpu.enqueue_dma source(%dma_start3A_46 : memref<128x128xf32, #tpu.memory_space<vmem_shared>>) target(%arg10 : memref<128x128xf32, #tpu.memory_space<vmem>>) target_semaphore(%arg25 : memref<!tpu.dma_semaphore, #tpu.memory_space<semaphore_mem>>)
    %mul3A_47 = arith.constant 13 : i32
    %mul3A_48 = arith.muli %arg1, %mul3A_47 : i32
    %add3A_49 = arith.constant 0 : i32
    %add3A_50 = arith.addi %add3A_49, %mul3A_48 : i32
    %rem3A_51 = arith.constant 200 : i32
    %rem3A_52 = arith.remsi %add3A_50, %rem3A_51 : i32
    %mul3A_53 = arith.constant 128 : i32
    %mul3A_54 = arith.muli %rem3A_52, %mul3A_53 : i32
    %rem3A_55 = arith.constant 200 : i32
    %rem3A_56 = arith.remsi %mul3A_54, %rem3A_55 : i32
    %multiple_of3A_57 = tpu.assume_multiple %rem3A_56, 8 : i32
    %dma_wait3A = arith.constant 0 : i32
    %dma_wait3A_58 = tpu.memref_slice %arg7[%multiple_of3A_57, %dma_wait3A] : memref<328x128xf32, #tpu.memory_space<vmem_shared>> -> memref<128x128xf32, #tpu.memory_space<vmem_shared>>
    %dma_wait3A_59 = arith.constant 0 : i32
    %dma_wait3A_60 = tpu.memref_slice %arg7[%multiple_of3A_57, %dma_wait3A_59] : memref<328x128xf32, #tpu.memory_space<vmem_shared>> -> memref<128x128xf32, #tpu.memory_space<vmem_shared>>
    tpu.wait_dma2 semaphore(%arg23 : memref<!tpu.dma_semaphore, #tpu.memory_space<semaphore_mem>>) src(%dma_wait3A_60 : memref<128x128xf32, #tpu.memory_space<vmem_shared>>) dst(%arg8 : memref<128x128xf32, #tpu.memory_space<vmem>>)
    %mul3A_61 = arith.constant 13 : i32
    %mul3A_62 = arith.muli %arg1, %mul3A_61 : i32
    %add3A_63 = arith.constant 0 : i32
    %add3A_64 = arith.addi %add3A_63, %mul3A_62 : i32
    %rem3A_65 = arith.constant 200 : i32
    %rem3A_66 = arith.remsi %add3A_64, %rem3A_65 : i32
    %dma_start3A_67 = arith.constant 0 : i32
    %dma_start3A_68 = arith.constant 0 : i32
    %dma_start3A_69 = tpu.memref_slice %arg8[%dma_start3A_67, %dma_start3A_68] : memref<128x128xf32, #tpu.memory_space<vmem>> -> memref<64x128xf32, #tpu.memory_space<vmem>>
    %dma_start3A_70 = arith.constant 0 : i32
    %dma_start3A_71 = tpu.memref_slice %arg6[%rem3A_66, %dma_start3A_70] : memref<200x128xi32, #tpu.memory_space<vmem>> -> memref<1x64xi32, #tpu.memory_space<vmem>>
    %dma_start3A_72 = tpu.memref_squeeze %dma_start3A_71 : memref<1x64xi32, #tpu.memory_space<vmem>> -> memref<64xi32, #tpu.memory_space<vmem>>
    %dma_start3A_73 = arith.constant 0 : i32
    %dma_start3A_74 = arith.constant 0 : i32
    %dma_start3A_75 = tpu.memref_slice %arg3[%dma_start3A_73, %dma_start3A_74] : memref<100000x128xf32, #tpu.memory_space<hbm>> -> memref<100000x128xf32, #tpu.memory_space<hbm>>
    tpu.enqueue_indirect_dma source(%dma_start3A_75 : memref<100000x128xf32, #tpu.memory_space<hbm>>) target(%dma_start3A_69 : memref<64x128xf32, #tpu.memory_space<vmem>>) offsets(%dma_start3A_72 : memref<64xi32, #tpu.memory_space<vmem>>) semaphore(%arg13 : memref<!tpu.dma_semaphore, #tpu.memory_space<semaphore_mem>>) {add = true}
    %dma_start3A_76 = arith.constant 64 : i32
    %dma_start3A_77 = arith.constant 0 : i32
    %dma_start3A_78 = tpu.memref_slice %arg8[%dma_start3A_76, %dma_start3A_77] : memref<128x128xf32, #tpu.memory_space<vmem>> -> memref<64x128xf32, #tpu.memory_space<vmem>>
    %dma_start3A_79 = arith.constant 64 : i32
    %dma_start3A_80 = tpu.memref_slice %arg6[%rem3A_66, %dma_start3A_79] : memref<200x128xi32, #tpu.memory_space<vmem>> -> memref<1x64xi32, #tpu.memory_space<vmem>>
    %dma_start3A_81 = tpu.memref_squeeze %dma_start3A_80 : memref<1x64xi32, #tpu.memory_space<vmem>> -> memref<64xi32, #tpu.memory_space<vmem>>
    %dma_start3A_82 = arith.constant 0 : i32
    %dma_start3A_83 = arith.constant 0 : i32
    %dma_start3A_84 = tpu.memref_slice %arg3[%dma_start3A_82, %dma_start3A_83] : memref<100000x128xf32, #tpu.memory_space<hbm>> -> memref<100000x128xf32, #tpu.memory_space<hbm>>
    tpu.enqueue_indirect_dma source(%dma_start3A_84 : memref<100000x128xf32, #tpu.memory_space<hbm>>) target(%dma_start3A_78 : memref<64x128xf32, #tpu.memory_space<vmem>>) offsets(%dma_start3A_81 : memref<64xi32, #tpu.memory_space<vmem>>) semaphore(%arg13 : memref<!tpu.dma_semaphore, #tpu.memory_space<semaphore_mem>>) {add = true}
    %mul3A_85 = arith.constant 13 : i32
    %mul3A_86 = arith.muli %arg1, %mul3A_85 : i32
    %add3A_87 = arith.constant 1 : i32
    %add3A_88 = arith.addi %add3A_87, %mul3A_86 : i32
    %rem3A_89 = arith.constant 200 : i32
    %rem3A_90 = arith.remsi %add3A_88, %rem3A_89 : i32
    %mul3A_91 = arith.constant 128 : i32
    %mul3A_92 = arith.muli %rem3A_90, %mul3A_91 : i32
    %rem3A_93 = arith.constant 200 : i32
    %rem3A_94 = arith.remsi %mul3A_92, %rem3A_93 : i32
    %multiple_of3A_95 = tpu.assume_multiple %rem3A_94, 8 : i32
    %dma_wait3A_96 = arith.constant 0 : i32
    %dma_wait3A_97 = tpu.memref_slice %arg7[%multiple_of3A_95, %dma_wait3A_96] : memref<328x128xf32, #tpu.memory_space<vmem_shared>> -> memref<128x128xf32, #tpu.memory_space<vmem_shared>>
    %dma_wait3A_98 = arith.constant 0 : i32
    %dma_wait3A_99 = tpu.memref_slice %arg7[%multiple_of3A_95, %dma_wait3A_98] : memref<328x128xf32, #tpu.memory_space<vmem_shared>> -> memref<128x128xf32, #tpu.memory_space<vmem_shared>>
    tpu.wait_dma2 semaphore(%arg24 : memref<!tpu.dma_semaphore, #tpu.memory_space<semaphore_mem>>) src(%dma_wait3A_99 : memref<128x128xf32, #tpu.memory_space<vmem_shared>>) dst(%arg9 : memref<128x128xf32, #tpu.memory_space<vmem>>)
    %mul3A_100 = arith.constant 13 : i32
    %mul3A_101 = arith.muli %arg1, %mul3A_100 : i32
    %add3A_102 = arith.constant 1 : i32
    %add3A_103 = arith.addi %add3A_102, %mul3A_101 : i32
    %rem3A_104 = arith.constant 200 : i32
    %rem3A_105 = arith.remsi %add3A_103, %rem3A_104 : i32
    %dma_start3A_106 = arith.constant 0 : i32
    %dma_start3A_107 = arith.constant 0 : i32
    %dma_start3A_108 = tpu.memref_slice %arg9[%dma_start3A_106, %dma_start3A_107] : memref<128x128xf32, #tpu.memory_space<vmem>> -> memref<64x128xf32, #tpu.memory_space<vmem>>
    %dma_start3A_109 = arith.constant 0 : i32
    %dma_start3A_110 = tpu.memref_slice %arg6[%rem3A_105, %dma_start3A_109] : memref<200x128xi32, #tpu.memory_space<vmem>> -> memref<1x64xi32, #tpu.memory_space<vmem>>
    %dma_start3A_111 = tpu.memref_squeeze %dma_start3A_110 : memref<1x64xi32, #tpu.memory_space<vmem>> -> memref<64xi32, #tpu.memory_space<vmem>>
    %dma_start3A_112 = arith.constant 0 : i32
    %dma_start3A_113 = arith.constant 0 : i32
    %dma_start3A_114 = tpu.memref_slice %arg3[%dma_start3A_112, %dma_start3A_113] : memref<100000x128xf32, #tpu.memory_space<hbm>> -> memref<100000x128xf32, #tpu.memory_space<hbm>>
    tpu.enqueue_indirect_dma source(%dma_start3A_114 : memref<100000x128xf32, #tpu.memory_space<hbm>>) target(%dma_start3A_108 : memref<64x128xf32, #tpu.memory_space<vmem>>) offsets(%dma_start3A_111 : memref<64xi32, #tpu.memory_space<vmem>>) semaphore(%arg14 : memref<!tpu.dma_semaphore, #tpu.memory_space<semaphore_mem>>) {add = true}
    %dma_start3A_115 = arith.constant 64 : i32
    %dma_start3A_116 = arith.constant 0 : i32
    %dma_start3A_117 = tpu.memref_slice %arg9[%dma_start3A_115, %dma_start3A_116] : memref<128x128xf32, #tpu.memory_space<vmem>> -> memref<64x128xf32, #tpu.memory_space<vmem>>
    %dma_start3A_118 = arith.constant 64 : i32
    %dma_start3A_119 = tpu.memref_slice %arg6[%rem3A_105, %dma_start3A_118] : memref<200x128xi32, #tpu.memory_space<vmem>> -> memref<1x64xi32, #tpu.memory_space<vmem>>
    %dma_start3A_120 = tpu.memref_squeeze %dma_start3A_119 : memref<1x64xi32, #tpu.memory_space<vmem>> -> memref<64xi32, #tpu.memory_space<vmem>>
    %dma_start3A_121 = arith.constant 0 : i32
    %dma_start3A_122 = arith.constant 0 : i32
    %dma_start3A_123 = tpu.memref_slice %arg3[%dma_start3A_121, %dma_start3A_122] : memref<100000x128xf32, #tpu.memory_space<hbm>> -> memref<100000x128xf32, #tpu.memory_space<hbm>>
    tpu.enqueue_indirect_dma source(%dma_start3A_123 : memref<100000x128xf32, #tpu.memory_space<hbm>>) target(%dma_start3A_117 : memref<64x128xf32, #tpu.memory_space<vmem>>) offsets(%dma_start3A_120 : memref<64xi32, #tpu.memory_space<vmem>>) semaphore(%arg14 : memref<!tpu.dma_semaphore, #tpu.memory_space<semaphore_mem>>) {add = true}
    %mul3A_124 = arith.constant 13 : i32
    %mul3A_125 = arith.muli %arg1, %mul3A_124 : i32
    %add3A_126 = arith.constant 0 : i32
    %add3A_127 = arith.addi %add3A_126, %mul3A_125 : i32
    %rem3A_128 = arith.constant 200 : i32
    %rem3A_129 = arith.remsi %add3A_127, %rem3A_128 : i32
    %dma_wait3A_130 = arith.constant 0 : i32
    %dma_wait3A_131 = arith.constant 0 : i32
    %dma_wait3A_132 = tpu.memref_slice %arg8[%dma_wait3A_130, %dma_wait3A_131] : memref<128x128xf32, #tpu.memory_space<vmem>> -> memref<64x128xf32, #tpu.memory_space<vmem>>
    %dma_wait3A_133 = arith.constant 0 : i32
    %dma_wait3A_134 = tpu.memref_slice %arg6[%rem3A_129, %dma_wait3A_133] : memref<200x128xi32, #tpu.memory_space<vmem>> -> memref<1x64xi32, #tpu.memory_space<vmem>>
    %dma_wait3A_135 = tpu.memref_squeeze %dma_wait3A_134 : memref<1x64xi32, #tpu.memory_space<vmem>> -> memref<64xi32, #tpu.memory_space<vmem>>
    %dma_wait3A_136 = arith.constant 0 : i32
    %dma_wait3A_137 = arith.constant 0 : i32
    %dma_wait3A_138 = tpu.memref_slice %arg3[%dma_wait3A_136, %dma_wait3A_137] : memref<100000x128xf32, #tpu.memory_space<hbm>> -> memref<100000x128xf32, #tpu.memory_space<hbm>>
    tpu.wait_indirect_dma semaphore(%arg13 : memref<!tpu.dma_semaphore, #tpu.memory_space<semaphore_mem>>) src(%dma_wait3A_138 : memref<100000x128xf32, #tpu.memory_space<hbm>>) dst(%dma_wait3A_132 : memref<64x128xf32, #tpu.memory_space<vmem>>)
    %dma_wait3A_139 = arith.constant 64 : i32
    %dma_wait3A_140 = arith.constant 0 : i32
    %dma_wait3A_141 = tpu.memref_slice %arg8[%dma_wait3A_139, %dma_wait3A_140] : memref<128x128xf32, #tpu.memory_space<vmem>> -> memref<64x128xf32, #tpu.memory_space<vmem>>
    %dma_wait3A_142 = arith.constant 64 : i32
    %dma_wait3A_143 = tpu.memref_slice %arg6[%rem3A_129, %dma_wait3A_142] : memref<200x128xi32, #tpu.memory_space<vmem>> -> memref<1x64xi32, #tpu.memory_space<vmem>>
    %dma_wait3A_144 = tpu.memref_squeeze %dma_wait3A_143 : memref<1x64xi32, #tpu.memory_space<vmem>> -> memref<64xi32, #tpu.memory_space<vmem>>
    %dma_wait3A_145 = arith.constant 0 : i32
    %dma_wait3A_146 = arith.constant 0 : i32
    %dma_wait3A_147 = tpu.memref_slice %arg3[%dma_wait3A_145, %dma_wait3A_146] : memref<100000x128xf32, #tpu.memory_space<hbm>> -> memref<100000x128xf32, #tpu.memory_space<hbm>>
    tpu.wait_indirect_dma semaphore(%arg13 : memref<!tpu.dma_semaphore, #tpu.memory_space<semaphore_mem>>) src(%dma_wait3A_147 : memref<100000x128xf32, #tpu.memory_space<hbm>>) dst(%dma_wait3A_141 : memref<64x128xf32, #tpu.memory_space<vmem>>)
    %mul3A_148 = arith.constant 13 : i32
    %mul3A_149 = arith.muli %arg1, %mul3A_148 : i32
    %add3A_150 = arith.constant 2 : i32
    %add3A_151 = arith.addi %add3A_150, %mul3A_149 : i32
    %rem3A_152 = arith.constant 200 : i32
    %rem3A_153 = arith.remsi %add3A_151, %rem3A_152 : i32
    %mul3A_154 = arith.constant 128 : i32
    %mul3A_155 = arith.muli %rem3A_153, %mul3A_154 : i32
    %rem3A_156 = arith.constant 200 : i32
    %rem3A_157 = arith.remsi %mul3A_155, %rem3A_156 : i32
    %multiple_of3A_158 = tpu.assume_multiple %rem3A_157, 8 : i32
    %dma_wait3A_159 = arith.constant 0 : i32
    %dma_wait3A_160 = tpu.memref_slice %arg7[%multiple_of3A_158, %dma_wait3A_159] : memref<328x128xf32, #tpu.memory_space<vmem_shared>> -> memref<128x128xf32, #tpu.memory_space<vmem_shared>>
    %dma_wait3A_161 = arith.constant 0 : i32
    %dma_wait3A_162 = tpu.memref_slice %arg7[%multiple_of3A_158, %dma_wait3A_161] : memref<328x128xf32, #tpu.memory_space<vmem_shared>> -> memref<128x128xf32, #tpu.memory_space<vmem_shared>>
    tpu.wait_dma2 semaphore(%arg25 : memref<!tpu.dma_semaphore, #tpu.memory_space<semaphore_mem>>) src(%dma_wait3A_162 : memref<128x128xf32, #tpu.memory_space<vmem_shared>>) dst(%arg10 : memref<128x128xf32, #tpu.memory_space<vmem>>)
    %mul3A_163 = arith.constant 13 : i32
    %mul3A_164 = arith.muli %arg1, %mul3A_163 : i32
    %add3A_165 = arith.constant 2 : i32
    %add3A_166 = arith.addi %add3A_165, %mul3A_164 : i32
    %rem3A_167 = arith.constant 200 : i32
    %rem3A_168 = arith.remsi %add3A_166, %rem3A_167 : i32
    %dma_start3A_169 = arith.constant 0 : i32
    %dma_start3A_170 = arith.constant 0 : i32
    %dma_start3A_171 = tpu.memref_slice %arg10[%dma_start3A_169, %dma_start3A_170] : memref<128x128xf32, #tpu.memory_space<vmem>> -> memref<64x128xf32, #tpu.memory_space<vmem>>
    %dma_start3A_172 = arith.constant 0 : i32
    %dma_start3A_173 = tpu.memref_slice %arg6[%rem3A_168, %dma_start3A_172] : memref<200x128xi32, #tpu.memory_space<vmem>> -> memref<1x64xi32, #tpu.memory_space<vmem>>
    %dma_start3A_174 = tpu.memref_squeeze %dma_start3A_173 : memref<1x64xi32, #tpu.memory_space<vmem>> -> memref<64xi32, #tpu.memory_space<vmem>>
    %dma_start3A_175 = arith.constant 0 : i32
    %dma_start3A_176 = arith.constant 0 : i32
    %dma_start3A_177 = tpu.memref_slice %arg3[%dma_start3A_175, %dma_start3A_176] : memref<100000x128xf32, #tpu.memory_space<hbm>> -> memref<100000x128xf32, #tpu.memory_space<hbm>>
    tpu.enqueue_indirect_dma source(%dma_start3A_177 : memref<100000x128xf32, #tpu.memory_space<hbm>>) target(%dma_start3A_171 : memref<64x128xf32, #tpu.memory_space<vmem>>) offsets(%dma_start3A_174 : memref<64xi32, #tpu.memory_space<vmem>>) semaphore(%arg15 : memref<!tpu.dma_semaphore, #tpu.memory_space<semaphore_mem>>) {add = true}
    %dma_start3A_178 = arith.constant 64 : i32
    %dma_start3A_179 = arith.constant 0 : i32
    %dma_start3A_180 = tpu.memref_slice %arg10[%dma_start3A_178, %dma_start3A_179] : memref<128x128xf32, #tpu.memory_space<vmem>> -> memref<64x128xf32, #tpu.memory_space<vmem>>
    %dma_start3A_181 = arith.constant 64 : i32
    %dma_start3A_182 = tpu.memref_slice %arg6[%rem3A_168, %dma_start3A_181] : memref<200x128xi32, #tpu.memory_space<vmem>> -> memref<1x64xi32, #tpu.memory_space<vmem>>
    %dma_start3A_183 = tpu.memref_squeeze %dma_start3A_182 : memref<1x64xi32, #tpu.memory_space<vmem>> -> memref<64xi32, #tpu.memory_space<vmem>>
    %dma_start3A_184 = arith.constant 0 : i32
    %dma_start3A_185 = arith.constant 0 : i32
    %dma_start3A_186 = tpu.memref_slice %arg3[%dma_start3A_184, %dma_start3A_185] : memref<100000x128xf32, #tpu.memory_space<hbm>> -> memref<100000x128xf32, #tpu.memory_space<hbm>>
    tpu.enqueue_indirect_dma source(%dma_start3A_186 : memref<100000x128xf32, #tpu.memory_space<hbm>>) target(%dma_start3A_180 : memref<64x128xf32, #tpu.memory_space<vmem>>) offsets(%dma_start3A_183 : memref<64xi32, #tpu.memory_space<vmem>>) semaphore(%arg15 : memref<!tpu.dma_semaphore, #tpu.memory_space<semaphore_mem>>) {add = true}
    %mul3A_187 = arith.constant 13 : i32
    %mul3A_188 = arith.muli %arg1, %mul3A_187 : i32
    %add3A_189 = arith.constant 0 : i32
    %add3A_190 = arith.addi %add3A_189, %mul3A_188 : i32
    %rem3A_191 = arith.constant 200 : i32
    %rem3A_192 = arith.remsi %add3A_190, %rem3A_191 : i32
    %mul3A_193 = arith.constant 128 : i32
    %mul3A_194 = arith.muli %rem3A_192, %mul3A_193 : i32
    %add3A_195 = arith.addi %mul3A_2, %mul3A_194 : i32
    %multiple_of3A_196 = tpu.assume_multiple %add3A_195, 8 : i32
    %dma_start3A_197 = arith.constant 0 : i32
    %dma_start3A_198 = tpu.memref_slice %arg5[%multiple_of3A_196, %dma_start3A_197] : memref<819200x128xf32, #tpu.memory_space<hbm>> -> memref<128x128xf32, #tpu.memory_space<hbm>>
    %dma_start3A_199 = arith.constant 0 : i32
    %dma_start3A_200 = tpu.memref_slice %arg5[%multiple_of3A_196, %dma_start3A_199] : memref<819200x128xf32, #tpu.memory_space<hbm>> -> memref<128x128xf32, #tpu.memory_space<hbm>>
    tpu.enqueue_dma source(%arg8 : memref<128x128xf32, #tpu.memory_space<vmem>>) target(%dma_start3A_200 : memref<128x128xf32, #tpu.memory_space<hbm>>) target_semaphore(%arg18 : memref<!tpu.dma_semaphore, #tpu.memory_space<semaphore_mem>>)
    %mul3A_201 = arith.constant 13 : i32
    %mul3A_202 = arith.muli %arg1, %mul3A_201 : i32
    %add3A_203 = arith.constant 3 : i32
    %add3A_204 = arith.addi %add3A_203, %mul3A_202 : i32
    %rem3A_205 = arith.constant 200 : i32
    %rem3A_206 = arith.remsi %add3A_204, %rem3A_205 : i32
    %mul3A_207 = arith.constant 128 : i32
    %mul3A_208 = arith.muli %rem3A_206, %mul3A_207 : i32
    %rem3A_209 = arith.constant 200 : i32
    %rem3A_210 = arith.remsi %mul3A_208, %rem3A_209 : i32
    %multiple_of3A_211 = tpu.assume_multiple %rem3A_210, 8 : i32
    %dma_start3A_212 = arith.constant 0 : i32
    %dma_start3A_213 = tpu.memref_slice %arg7[%multiple_of3A_211, %dma_start3A_212] : memref<328x128xf32, #tpu.memory_space<vmem_shared>> -> memref<128x128xf32, #tpu.memory_space<vmem_shared>>
    %dma_start3A_214 = arith.constant 0 : i32
    %dma_start3A_215 = tpu.memref_slice %arg7[%multiple_of3A_211, %dma_start3A_214] : memref<328x128xf32, #tpu.memory_space<vmem_shared>> -> memref<128x128xf32, #tpu.memory_space<vmem_shared>>
    tpu.enqueue_dma source(%dma_start3A_215 : memref<128x128xf32, #tpu.memory_space<vmem_shared>>) target(%arg11 : memref<128x128xf32, #tpu.memory_space<vmem>>) target_semaphore(%arg26 : memref<!tpu.dma_semaphore, #tpu.memory_space<semaphore_mem>>)
    %mul3A_216 = arith.constant 13 : i32
    %mul3A_217 = arith.muli %arg1, %mul3A_216 : i32
    %add3A_218 = arith.constant 1 : i32
    %add3A_219 = arith.addi %add3A_218, %mul3A_217 : i32
    %rem3A_220 = arith.constant 200 : i32
    %rem3A_221 = arith.remsi %add3A_219, %rem3A_220 : i32
    %dma_wait3A_222 = arith.constant 0 : i32
    %dma_wait3A_223 = arith.constant 0 : i32
    %dma_wait3A_224 = tpu.memref_slice %arg9[%dma_wait3A_222, %dma_wait3A_223] : memref<128x128xf32, #tpu.memory_space<vmem>> -> memref<64x128xf32, #tpu.memory_space<vmem>>
    %dma_wait3A_225 = arith.constant 0 : i32
    %dma_wait3A_226 = tpu.memref_slice %arg6[%rem3A_221, %dma_wait3A_225] : memref<200x128xi32, #tpu.memory_space<vmem>> -> memref<1x64xi32, #tpu.memory_space<vmem>>
    %dma_wait3A_227 = tpu.memref_squeeze %dma_wait3A_226 : memref<1x64xi32, #tpu.memory_space<vmem>> -> memref<64xi32, #tpu.memory_space<vmem>>
    %dma_wait3A_228 = arith.constant 0 : i32
    %dma_wait3A_229 = arith.constant 0 : i32
    %dma_wait3A_230 = tpu.memref_slice %arg3[%dma_wait3A_228, %dma_wait3A_229] : memref<100000x128xf32, #tpu.memory_space<hbm>> -> memref<100000x128xf32, #tpu.memory_space<hbm>>
    tpu.wait_indirect_dma semaphore(%arg14 : memref<!tpu.dma_semaphore, #tpu.memory_space<semaphore_mem>>) src(%dma_wait3A_230 : memref<100000x128xf32, #tpu.memory_space<hbm>>) dst(%dma_wait3A_224 : memref<64x128xf32, #tpu.memory_space<vmem>>)
    %dma_wait3A_231 = arith.constant 64 : i32
    %dma_wait3A_232 = arith.constant 0 : i32
    %dma_wait3A_233 = tpu.memref_slice %arg9[%dma_wait3A_231, %dma_wait3A_232] : memref<128x128xf32, #tpu.memory_space<vmem>> -> memref<64x128xf32, #tpu.memory_space<vmem>>
    %dma_wait3A_234 = arith.constant 64 : i32
    %dma_wait3A_235 = tpu.memref_slice %arg6[%rem3A_221, %dma_wait3A_234] : memref<200x128xi32, #tpu.memory_space<vmem>> -> memref<1x64xi32, #tpu.memory_space<vmem>>
    %dma_wait3A_236 = tpu.memref_squeeze %dma_wait3A_235 : memref<1x64xi32, #tpu.memory_space<vmem>> -> memref<64xi32, #tpu.memory_space<vmem>>
    %dma_wait3A_237 = arith.constant 0 : i32
    %dma_wait3A_238 = arith.constant 0 : i32
    %dma_wait3A_239 = tpu.memref_slice %arg3[%dma_wait3A_237, %dma_wait3A_238] : memref<100000x128xf32, #tpu.memory_space<hbm>> -> memref<100000x128xf32, #tpu.memory_space<hbm>>
    tpu.wait_indirect_dma semaphore(%arg14 : memref<!tpu.dma_semaphore, #tpu.memory_space<semaphore_mem>>) src(%dma_wait3A_239 : memref<100000x128xf32, #tpu.memory_space<hbm>>) dst(%dma_wait3A_233 : memref<64x128xf32, #tpu.memory_space<vmem>>)
    %mul3A_240 = arith.constant 13 : i32
    %mul3A_241 = arith.muli %arg1, %mul3A_240 : i32
    %add3A_242 = arith.constant 3 : i32
    %add3A_243 = arith.addi %add3A_242, %mul3A_241 : i32
    %rem3A_244 = arith.constant 200 : i32
    %rem3A_245 = arith.remsi %add3A_243, %rem3A_244 : i32
    %mul3A_246 = arith.constant 128 : i32
    %mul3A_247 = arith.muli %rem3A_245, %mul3A_246 : i32
    %rem3A_248 = arith.constant 200 : i32
    %rem3A_249 = arith.remsi %mul3A_247, %rem3A_248 : i32
    %multiple_of3A_250 = tpu.assume_multiple %rem3A_249, 8 : i32
    %dma_wait3A_251 = arith.constant 0 : i32
    %dma_wait3A_252 = tpu.memref_slice %arg7[%multiple_of3A_250, %dma_wait3A_251] : memref<328x128xf32, #tpu.memory_space<vmem_shared>> -> memref<128x128xf32, #tpu.memory_space<vmem_shared>>
    %dma_wait3A_253 = arith.constant 0 : i32
    %dma_wait3A_254 = tpu.memref_slice %arg7[%multiple_of3A_250, %dma_wait3A_253] : memref<328x128xf32, #tpu.memory_space<vmem_shared>> -> memref<128x128xf32, #tpu.memory_space<vmem_shared>>
    tpu.wait_dma2 semaphore(%arg26 : memref<!tpu.dma_semaphore, #tpu.memory_space<semaphore_mem>>) src(%dma_wait3A_254 : memref<128x128xf32, #tpu.memory_space<vmem_shared>>) dst(%arg11 : memref<128x128xf32, #tpu.memory_space<vmem>>)
    %mul3A_255 = arith.constant 13 : i32
    %mul3A_256 = arith.muli %arg1, %mul3A_255 : i32
    %add3A_257 = arith.constant 3 : i32
    %add3A_258 = arith.addi %add3A_257, %mul3A_256 : i32
    %rem3A_259 = arith.constant 200 : i32
    %rem3A_260 = arith.remsi %add3A_258, %rem3A_259 : i32
    %dma_start3A_261 = arith.constant 0 : i32
    %dma_start3A_262 = arith.constant 0 : i32
    %dma_start3A_263 = tpu.memref_slice %arg11[%dma_start3A_261, %dma_start3A_262] : memref<128x128xf32, #tpu.memory_space<vmem>> -> memref<64x128xf32, #tpu.memory_space<vmem>>
    %dma_start3A_264 = arith.constant 0 : i32
    %dma_start3A_265 = tpu.memref_slice %arg6[%rem3A_260, %dma_start3A_264] : memref<200x128xi32, #tpu.memory_space<vmem>> -> memref<1x64xi32, #tpu.memory_space<vmem>>
    %dma_start3A_266 = tpu.memref_squeeze %dma_start3A_265 : memref<1x64xi32, #tpu.memory_space<vmem>> -> memref<64xi32, #tpu.memory_space<vmem>>
    %dma_start3A_267 = arith.constant 0 : i32
    %dma_start3A_268 = arith.constant 0 : i32
    %dma_start3A_269 = tpu.memref_slice %arg3[%dma_start3A_267, %dma_start3A_268] : memref<100000x128xf32, #tpu.memory_space<hbm>> -> memref<100000x128xf32, #tpu.memory_space<hbm>>
    tpu.enqueue_indirect_dma source(%dma_start3A_269 : memref<100000x128xf32, #tpu.memory_space<hbm>>) target(%dma_start3A_263 : memref<64x128xf32, #tpu.memory_space<vmem>>) offsets(%dma_start3A_266 : memref<64xi32, #tpu.memory_space<vmem>>) semaphore(%arg16 : memref<!tpu.dma_semaphore, #tpu.memory_space<semaphore_mem>>) {add = true}
    %dma_start3A_270 = arith.constant 64 : i32
    %dma_start3A_271 = arith.constant 0 : i32
    %dma_start3A_272 = tpu.memref_slice %arg11[%dma_start3A_270, %dma_start3A_271] : memref<128x128xf32, #tpu.memory_space<vmem>> -> memref<64x128xf32, #tpu.memory_space<vmem>>
    %dma_start3A_273 = arith.constant 64 : i32
    %dma_start3A_274 = tpu.memref_slice %arg6[%rem3A_260, %dma_start3A_273] : memref<200x128xi32, #tpu.memory_space<vmem>> -> memref<1x64xi32, #tpu.memory_space<vmem>>
    %dma_start3A_275 = tpu.memref_squeeze %dma_start3A_274 : memref<1x64xi32, #tpu.memory_space<vmem>> -> memref<64xi32, #tpu.memory_space<vmem>>
    %dma_start3A_276 = arith.constant 0 : i32
    %dma_start3A_277 = arith.constant 0 : i32
    %dma_start3A_278 = tpu.memref_slice %arg3[%dma_start3A_276, %dma_start3A_277] : memref<100000x128xf32, #tpu.memory_space<hbm>> -> memref<100000x128xf32, #tpu.memory_space<hbm>>
    tpu.enqueue_indirect_dma source(%dma_start3A_278 : memref<100000x128xf32, #tpu.memory_space<hbm>>) target(%dma_start3A_272 : memref<64x128xf32, #tpu.memory_space<vmem>>) offsets(%dma_start3A_275 : memref<64xi32, #tpu.memory_space<vmem>>) semaphore(%arg16 : memref<!tpu.dma_semaphore, #tpu.memory_space<semaphore_mem>>) {add = true}
    %mul3A_279 = arith.constant 13 : i32
    %mul3A_280 = arith.muli %arg1, %mul3A_279 : i32
    %add3A_281 = arith.constant 1 : i32
    %add3A_282 = arith.addi %add3A_281, %mul3A_280 : i32
    %rem3A_283 = arith.constant 200 : i32
    %rem3A_284 = arith.remsi %add3A_282, %rem3A_283 : i32
    %mul3A_285 = arith.constant 128 : i32
    %mul3A_286 = arith.muli %rem3A_284, %mul3A_285 : i32
    %add3A_287 = arith.addi %mul3A_2, %mul3A_286 : i32
    %multiple_of3A_288 = tpu.assume_multiple %add3A_287, 8 : i32
    %dma_start3A_289 = arith.constant 0 : i32
    %dma_start3A_290 = tpu.memref_slice %arg5[%multiple_of3A_288, %dma_start3A_289] : memref<819200x128xf32, #tpu.memory_space<hbm>> -> memref<128x128xf32, #tpu.memory_space<hbm>>
    %dma_start3A_291 = arith.constant 0 : i32
    %dma_start3A_292 = tpu.memref_slice %arg5[%multiple_of3A_288, %dma_start3A_291] : memref<819200x128xf32, #tpu.memory_space<hbm>> -> memref<128x128xf32, #tpu.memory_space<hbm>>
    tpu.enqueue_dma source(%arg9 : memref<128x128xf32, #tpu.memory_space<vmem>>) target(%dma_start3A_292 : memref<128x128xf32, #tpu.memory_space<hbm>>) target_semaphore(%arg19 : memref<!tpu.dma_semaphore, #tpu.memory_space<semaphore_mem>>)
    %mul3A_293 = arith.constant 13 : i32
    %mul3A_294 = arith.muli %arg1, %mul3A_293 : i32
    %add3A_295 = arith.constant 4 : i32
    %add3A_296 = arith.addi %add3A_295, %mul3A_294 : i32
    %rem3A_297 = arith.constant 200 : i32
    %rem3A_298 = arith.remsi %add3A_296, %rem3A_297 : i32
    %mul3A_299 = arith.constant 128 : i32
    %mul3A_300 = arith.muli %rem3A_298, %mul3A_299 : i32
    %rem3A_301 = arith.constant 200 : i32
    %rem3A_302 = arith.remsi %mul3A_300, %rem3A_301 : i32
    %multiple_of3A_303 = tpu.assume_multiple %rem3A_302, 8 : i32
    %dma_start3A_304 = arith.constant 0 : i32
    %dma_start3A_305 = tpu.memref_slice %arg7[%multiple_of3A_303, %dma_start3A_304] : memref<328x128xf32, #tpu.memory_space<vmem_shared>> -> memref<128x128xf32, #tpu.memory_space<vmem_shared>>
    %dma_start3A_306 = arith.constant 0 : i32
    %dma_start3A_307 = tpu.memref_slice %arg7[%multiple_of3A_303, %dma_start3A_306] : memref<328x128xf32, #tpu.memory_space<vmem_shared>> -> memref<128x128xf32, #tpu.memory_space<vmem_shared>>
    tpu.enqueue_dma source(%dma_start3A_307 : memref<128x128xf32, #tpu.memory_space<vmem_shared>>) target(%arg12 : memref<128x128xf32, #tpu.memory_space<vmem>>) target_semaphore(%arg27 : memref<!tpu.dma_semaphore, #tpu.memory_space<semaphore_mem>>)
    %mul3A_308 = arith.constant 13 : i32
    %mul3A_309 = arith.muli %arg1, %mul3A_308 : i32
    %add3A_310 = arith.constant 2 : i32
    %add3A_311 = arith.addi %add3A_310, %mul3A_309 : i32
    %rem3A_312 = arith.constant 200 : i32
    %rem3A_313 = arith.remsi %add3A_311, %rem3A_312 : i32
    %dma_wait3A_314 = arith.constant 0 : i32
    %dma_wait3A_315 = arith.constant 0 : i32
    %dma_wait3A_316 = tpu.memref_slice %arg10[%dma_wait3A_314, %dma_wait3A_315] : memref<128x128xf32, #tpu.memory_space<vmem>> -> memref<64x128xf32, #tpu.memory_space<vmem>>
    %dma_wait3A_317 = arith.constant 0 : i32
    %dma_wait3A_318 = tpu.memref_slice %arg6[%rem3A_313, %dma_wait3A_317] : memref<200x128xi32, #tpu.memory_space<vmem>> -> memref<1x64xi32, #tpu.memory_space<vmem>>
    %dma_wait3A_319 = tpu.memref_squeeze %dma_wait3A_318 : memref<1x64xi32, #tpu.memory_space<vmem>> -> memref<64xi32, #tpu.memory_space<vmem>>
    %dma_wait3A_320 = arith.constant 0 : i32
    %dma_wait3A_321 = arith.constant 0 : i32
    %dma_wait3A_322 = tpu.memref_slice %arg3[%dma_wait3A_320, %dma_wait3A_321] : memref<100000x128xf32, #tpu.memory_space<hbm>> -> memref<100000x128xf32, #tpu.memory_space<hbm>>
    tpu.wait_indirect_dma semaphore(%arg15 : memref<!tpu.dma_semaphore, #tpu.memory_space<semaphore_mem>>) src(%dma_wait3A_322 : memref<100000x128xf32, #tpu.memory_space<hbm>>) dst(%dma_wait3A_316 : memref<64x128xf32, #tpu.memory_space<vmem>>)
    %dma_wait3A_323 = arith.constant 64 : i32
    %dma_wait3A_324 = arith.constant 0 : i32
    %dma_wait3A_325 = tpu.memref_slice %arg10[%dma_wait3A_323, %dma_wait3A_324] : memref<128x128xf32, #tpu.memory_space<vmem>> -> memref<64x128xf32, #tpu.memory_space<vmem>>
    %dma_wait3A_326 = arith.constant 64 : i32
    %dma_wait3A_327 = tpu.memref_slice %arg6[%rem3A_313, %dma_wait3A_326] : memref<200x128xi32, #tpu.memory_space<vmem>> -> memref<1x64xi32, #tpu.memory_space<vmem>>
    %dma_wait3A_328 = tpu.memref_squeeze %dma_wait3A_327 : memref<1x64xi32, #tpu.memory_space<vmem>> -> memref<64xi32, #tpu.memory_space<vmem>>
    %dma_wait3A_329 = arith.constant 0 : i32
    %dma_wait3A_330 = arith.constant 0 : i32
    %dma_wait3A_331 = tpu.memref_slice %arg3[%dma_wait3A_329, %dma_wait3A_330] : memref<100000x128xf32, #tpu.memory_space<hbm>> -> memref<100000x128xf32, #tpu.memory_space<hbm>>
    tpu.wait_indirect_dma semaphore(%arg15 : memref<!tpu.dma_semaphore, #tpu.memory_space<semaphore_mem>>) src(%dma_wait3A_331 : memref<100000x128xf32, #tpu.memory_space<hbm>>) dst(%dma_wait3A_325 : memref<64x128xf32, #tpu.memory_space<vmem>>)
    %mul3A_332 = arith.constant 13 : i32
    %mul3A_333 = arith.muli %arg1, %mul3A_332 : i32
    %add3A_334 = arith.constant 4 : i32
    %add3A_335 = arith.addi %add3A_334, %mul3A_333 : i32
    %rem3A_336 = arith.constant 200 : i32
    %rem3A_337 = arith.remsi %add3A_335, %rem3A_336 : i32
    %mul3A_338 = arith.constant 128 : i32
    %mul3A_339 = arith.muli %rem3A_337, %mul3A_338 : i32
    %rem3A_340 = arith.constant 200 : i32
    %rem3A_341 = arith.remsi %mul3A_339, %rem3A_340 : i32
    %multiple_of3A_342 = tpu.assume_multiple %rem3A_341, 8 : i32
    %dma_wait3A_343 = arith.constant 0 : i32
    %dma_wait3A_344 = tpu.memref_slice %arg7[%multiple_of3A_342, %dma_wait3A_343] : memref<328x128xf32, #tpu.memory_space<vmem_shared>> -> memref<128x128xf32, #tpu.memory_space<vmem_shared>>
    %dma_wait3A_345 = arith.constant 0 : i32
    %dma_wait3A_346 = tpu.memref_slice %arg7[%multiple_of3A_342, %dma_wait3A_345] : memref<328x128xf32, #tpu.memory_space<vmem_shared>> -> memref<128x128xf32, #tpu.memory_space<vmem_shared>>
    tpu.wait_dma2 semaphore(%arg27 : memref<!tpu.dma_semaphore, #tpu.memory_space<semaphore_mem>>) src(%dma_wait3A_346 : memref<128x128xf32, #tpu.memory_space<vmem_shared>>) dst(%arg12 : memref<128x128xf32, #tpu.memory_space<vmem>>)
    %mul3A_347 = arith.constant 13 : i32
    %mul3A_348 = arith.muli %arg1, %mul3A_347 : i32
    %add3A_349 = arith.constant 4 : i32
    %add3A_350 = arith.addi %add3A_349, %mul3A_348 : i32
    %rem3A_351 = arith.constant 200 : i32
    %rem3A_352 = arith.remsi %add3A_350, %rem3A_351 : i32
    %dma_start3A_353 = arith.constant 0 : i32
    %dma_start3A_354 = arith.constant 0 : i32
    %dma_start3A_355 = tpu.memref_slice %arg12[%dma_start3A_353, %dma_start3A_354] : memref<128x128xf32, #tpu.memory_space<vmem>> -> memref<64x128xf32, #tpu.memory_space<vmem>>
    %dma_start3A_356 = arith.constant 0 : i32
    %dma_start3A_357 = tpu.memref_slice %arg6[%rem3A_352, %dma_start3A_356] : memref<200x128xi32, #tpu.memory_space<vmem>> -> memref<1x64xi32, #tpu.memory_space<vmem>>
    %dma_start3A_358 = tpu.memref_squeeze %dma_start3A_357 : memref<1x64xi32, #tpu.memory_space<vmem>> -> memref<64xi32, #tpu.memory_space<vmem>>
    %dma_start3A_359 = arith.constant 0 : i32
    %dma_start3A_360 = arith.constant 0 : i32
    %dma_start3A_361 = tpu.memref_slice %arg3[%dma_start3A_359, %dma_start3A_360] : memref<100000x128xf32, #tpu.memory_space<hbm>> -> memref<100000x128xf32, #tpu.memory_space<hbm>>
    tpu.enqueue_indirect_dma source(%dma_start3A_361 : memref<100000x128xf32, #tpu.memory_space<hbm>>) target(%dma_start3A_355 : memref<64x128xf32, #tpu.memory_space<vmem>>) offsets(%dma_start3A_358 : memref<64xi32, #tpu.memory_space<vmem>>) semaphore(%arg17 : memref<!tpu.dma_semaphore, #tpu.memory_space<semaphore_mem>>) {add = true}
    %dma_start3A_362 = arith.constant 64 : i32
    %dma_start3A_363 = arith.constant 0 : i32
    %dma_start3A_364 = tpu.memref_slice %arg12[%dma_start3A_362, %dma_start3A_363] : memref<128x128xf32, #tpu.memory_space<vmem>> -> memref<64x128xf32, #tpu.memory_space<vmem>>
    %dma_start3A_365 = arith.constant 64 : i32
    %dma_start3A_366 = tpu.memref_slice %arg6[%rem3A_352, %dma_start3A_365] : memref<200x128xi32, #tpu.memory_space<vmem>> -> memref<1x64xi32, #tpu.memory_space<vmem>>
    %dma_start3A_367 = tpu.memref_squeeze %dma_start3A_366 : memref<1x64xi32, #tpu.memory_space<vmem>> -> memref<64xi32, #tpu.memory_space<vmem>>
    %dma_start3A_368 = arith.constant 0 : i32
    %dma_start3A_369 = arith.constant 0 : i32
    %dma_start3A_370 = tpu.memref_slice %arg3[%dma_start3A_368, %dma_start3A_369] : memref<100000x128xf32, #tpu.memory_space<hbm>> -> memref<100000x128xf32, #tpu.memory_space<hbm>>
    tpu.enqueue_indirect_dma source(%dma_start3A_370 : memref<100000x128xf32, #tpu.memory_space<hbm>>) target(%dma_start3A_364 : memref<64x128xf32, #tpu.memory_space<vmem>>) offsets(%dma_start3A_367 : memref<64xi32, #tpu.memory_space<vmem>>) semaphore(%arg17 : memref<!tpu.dma_semaphore, #tpu.memory_space<semaphore_mem>>) {add = true}
    %mul3A_371 = arith.constant 13 : i32
    %mul3A_372 = arith.muli %arg1, %mul3A_371 : i32
    %add3A_373 = arith.constant 2 : i32
    %add3A_374 = arith.addi %add3A_373, %mul3A_372 : i32
    %rem3A_375 = arith.constant 200 : i32
    %rem3A_376 = arith.remsi %add3A_374, %rem3A_375 : i32
    %mul3A_377 = arith.constant 128 : i32
    %mul3A_378 = arith.muli %rem3A_376, %mul3A_377 : i32
    %add3A_379 = arith.addi %mul3A_2, %mul3A_378 : i32
    %multiple_of3A_380 = tpu.assume_multiple %add3A_379, 8 : i32
    %dma_start3A_381 = arith.constant 0 : i32
    %dma_start3A_382 = tpu.memref_slice %arg5[%multiple_of3A_380, %dma_start3A_381] : memref<819200x128xf32, #tpu.memory_space<hbm>> -> memref<128x128xf32, #tpu.memory_space<hbm>>
    %dma_start3A_383 = arith.constant 0 : i32
    %dma_start3A_384 = tpu.memref_slice %arg5[%multiple_of3A_380, %dma_start3A_383] : memref<819200x128xf32, #tpu.memory_space<hbm>> -> memref<128x128xf32, #tpu.memory_space<hbm>>
    tpu.enqueue_dma source(%arg10 : memref<128x128xf32, #tpu.memory_space<vmem>>) target(%dma_start3A_384 : memref<128x128xf32, #tpu.memory_space<hbm>>) target_semaphore(%arg20 : memref<!tpu.dma_semaphore, #tpu.memory_space<semaphore_mem>>)
    %mul3A_385 = arith.constant 13 : i32
    %mul3A_386 = arith.muli %arg1, %mul3A_385 : i32
    %add3A_387 = arith.constant 0 : i32
    %add3A_388 = arith.addi %add3A_387, %mul3A_386 : i32
    %rem3A_389 = arith.constant 200 : i32
    %rem3A_390 = arith.remsi %add3A_388, %rem3A_389 : i32
    %mul3A_391 = arith.constant 128 : i32
    %mul3A_392 = arith.muli %rem3A_390, %mul3A_391 : i32
    %add3A_393 = arith.addi %mul3A_2, %mul3A_392 : i32
    %multiple_of3A_394 = tpu.assume_multiple %add3A_393, 8 : i32
    %dma_wait3A_395 = arith.constant 0 : i32
    %dma_wait3A_396 = tpu.memref_slice %arg5[%multiple_of3A_394, %dma_wait3A_395] : memref<819200x128xf32, #tpu.memory_space<hbm>> -> memref<128x128xf32, #tpu.memory_space<hbm>>
    %dma_wait3A_397 = arith.constant 0 : i32
    %dma_wait3A_398 = tpu.memref_slice %arg5[%multiple_of3A_394, %dma_wait3A_397] : memref<819200x128xf32, #tpu.memory_space<hbm>> -> memref<128x128xf32, #tpu.memory_space<hbm>>
    tpu.wait_dma2 semaphore(%arg18 : memref<!tpu.dma_semaphore, #tpu.memory_space<semaphore_mem>>) src(%arg8 : memref<128x128xf32, #tpu.memory_space<vmem>>) dst(%dma_wait3A_398 : memref<128x128xf32, #tpu.memory_space<hbm>>)
    %mul3A_399 = arith.constant 13 : i32
    %mul3A_400 = arith.muli %arg1, %mul3A_399 : i32
    %add3A_401 = arith.constant 5 : i32
    %add3A_402 = arith.addi %add3A_401, %mul3A_400 : i32
    %rem3A_403 = arith.constant 200 : i32
    %rem3A_404 = arith.remsi %add3A_402, %rem3A_403 : i32
    %mul3A_405 = arith.constant 128 : i32
    %mul3A_406 = arith.muli %rem3A_404, %mul3A_405 : i32
    %rem3A_407 = arith.constant 200 : i32
    %rem3A_408 = arith.remsi %mul3A_406, %rem3A_407 : i32
    %multiple_of3A_409 = tpu.assume_multiple %rem3A_408, 8 : i32
    %dma_start3A_410 = arith.constant 0 : i32
    %dma_start3A_411 = tpu.memref_slice %arg7[%multiple_of3A_409, %dma_start3A_410] : memref<328x128xf32, #tpu.memory_space<vmem_shared>> -> memref<128x128xf32, #tpu.memory_space<vmem_shared>>
    %dma_start3A_412 = arith.constant 0 : i32
    %dma_start3A_413 = tpu.memref_slice %arg7[%multiple_of3A_409, %dma_start3A_412] : memref<328x128xf32, #tpu.memory_space<vmem_shared>> -> memref<128x128xf32, #tpu.memory_space<vmem_shared>>
    tpu.enqueue_dma source(%dma_start3A_413 : memref<128x128xf32, #tpu.memory_space<vmem_shared>>) target(%arg8 : memref<128x128xf32, #tpu.memory_space<vmem>>) target_semaphore(%arg23 : memref<!tpu.dma_semaphore, #tpu.memory_space<semaphore_mem>>)
    %mul3A_414 = arith.constant 13 : i32
    %mul3A_415 = arith.muli %arg1, %mul3A_414 : i32
    %add3A_416 = arith.constant 3 : i32
    %add3A_417 = arith.addi %add3A_416, %mul3A_415 : i32
    %rem3A_418 = arith.constant 200 : i32
    %rem3A_419 = arith.remsi %add3A_417, %rem3A_418 : i32
    %dma_wait3A_420 = arith.constant 0 : i32
    %dma_wait3A_421 = arith.constant 0 : i32
    %dma_wait3A_422 = tpu.memref_slice %arg11[%dma_wait3A_420, %dma_wait3A_421] : memref<128x128xf32, #tpu.memory_space<vmem>> -> memref<64x128xf32, #tpu.memory_space<vmem>>
    %dma_wait3A_423 = arith.constant 0 : i32
    %dma_wait3A_424 = tpu.memref_slice %arg6[%rem3A_419, %dma_wait3A_423] : memref<200x128xi32, #tpu.memory_space<vmem>> -> memref<1x64xi32, #tpu.memory_space<vmem>>
    %dma_wait3A_425 = tpu.memref_squeeze %dma_wait3A_424 : memref<1x64xi32, #tpu.memory_space<vmem>> -> memref<64xi32, #tpu.memory_space<vmem>>
    %dma_wait3A_426 = arith.constant 0 : i32
    %dma_wait3A_427 = arith.constant 0 : i32
    %dma_wait3A_428 = tpu.memref_slice %arg3[%dma_wait3A_426, %dma_wait3A_427] : memref<100000x128xf32, #tpu.memory_space<hbm>> -> memref<100000x128xf32, #tpu.memory_space<hbm>>
    tpu.wait_indirect_dma semaphore(%arg16 : memref<!tpu.dma_semaphore, #tpu.memory_space<semaphore_mem>>) src(%dma_wait3A_428 : memref<100000x128xf32, #tpu.memory_space<hbm>>) dst(%dma_wait3A_422 : memref<64x128xf32, #tpu.memory_space<vmem>>)
    %dma_wait3A_429 = arith.constant 64 : i32
    %dma_wait3A_430 = arith.constant 0 : i32
    %dma_wait3A_431 = tpu.memref_slice %arg11[%dma_wait3A_429, %dma_wait3A_430] : memref<128x128xf32, #tpu.memory_space<vmem>> -> memref<64x128xf32, #tpu.memory_space<vmem>>
    %dma_wait3A_432 = arith.constant 64 : i32
    %dma_wait3A_433 = tpu.memref_slice %arg6[%rem3A_419, %dma_wait3A_432] : memref<200x128xi32, #tpu.memory_space<vmem>> -> memref<1x64xi32, #tpu.memory_space<vmem>>
    %dma_wait3A_434 = tpu.memref_squeeze %dma_wait3A_433 : memref<1x64xi32, #tpu.memory_space<vmem>> -> memref<64xi32, #tpu.memory_space<vmem>>
    %dma_wait3A_435 = arith.constant 0 : i32
    %dma_wait3A_436 = arith.constant 0 : i32
    %dma_wait3A_437 = tpu.memref_slice %arg3[%dma_wait3A_435, %dma_wait3A_436] : memref<100000x128xf32, #tpu.memory_space<hbm>> -> memref<100000x128xf32, #tpu.memory_space<hbm>>
    tpu.wait_indirect_dma semaphore(%arg16 : memref<!tpu.dma_semaphore, #tpu.memory_space<semaphore_mem>>) src(%dma_wait3A_437 : memref<100000x128xf32, #tpu.memory_space<hbm>>) dst(%dma_wait3A_431 : memref<64x128xf32, #tpu.memory_space<vmem>>)
    %mul3A_438 = arith.constant 13 : i32
    %mul3A_439 = arith.muli %arg1, %mul3A_438 : i32
    %add3A_440 = arith.constant 5 : i32
    %add3A_441 = arith.addi %add3A_440, %mul3A_439 : i32
    %rem3A_442 = arith.constant 200 : i32
    %rem3A_443 = arith.remsi %add3A_441, %rem3A_442 : i32
    %mul3A_444 = arith.constant 128 : i32
    %mul3A_445 = arith.muli %rem3A_443, %mul3A_444 : i32
    %rem3A_446 = arith.constant 200 : i32
    %rem3A_447 = arith.remsi %mul3A_445, %rem3A_446 : i32
    %multiple_of3A_448 = tpu.assume_multiple %rem3A_447, 8 : i32
    %dma_wait3A_449 = arith.constant 0 : i32
    %dma_wait3A_450 = tpu.memref_slice %arg7[%multiple_of3A_448, %dma_wait3A_449] : memref<328x128xf32, #tpu.memory_space<vmem_shared>> -> memref<128x128xf32, #tpu.memory_space<vmem_shared>>
    %dma_wait3A_451 = arith.constant 0 : i32
    %dma_wait3A_452 = tpu.memref_slice %arg7[%multiple_of3A_448, %dma_wait3A_451] : memref<328x128xf32, #tpu.memory_space<vmem_shared>> -> memref<128x128xf32, #tpu.memory_space<vmem_shared>>
    tpu.wait_dma2 semaphore(%arg23 : memref<!tpu.dma_semaphore, #tpu.memory_space<semaphore_mem>>) src(%dma_wait3A_452 : memref<128x128xf32, #tpu.memory_space<vmem_shared>>) dst(%arg8 : memref<128x128xf32, #tpu.memory_space<vmem>>)
    %mul3A_453 = arith.constant 13 : i32
    %mul3A_454 = arith.muli %arg1, %mul3A_453 : i32
    %add3A_455 = arith.constant 5 : i32
    %add3A_456 = arith.addi %add3A_455, %mul3A_454 : i32
    %rem3A_457 = arith.constant 200 : i32
    %rem3A_458 = arith.remsi %add3A_456, %rem3A_457 : i32
    %dma_start3A_459 = arith.constant 0 : i32
    %dma_start3A_460 = arith.constant 0 : i32
    %dma_start3A_461 = tpu.memref_slice %arg8[%dma_start3A_459, %dma_start3A_460] : memref<128x128xf32, #tpu.memory_space<vmem>> -> memref<64x128xf32, #tpu.memory_space<vmem>>
    %dma_start3A_462 = arith.constant 0 : i32
    %dma_start3A_463 = tpu.memref_slice %arg6[%rem3A_458, %dma_start3A_462] : memref<200x128xi32, #tpu.memory_space<vmem>> -> memref<1x64xi32, #tpu.memory_space<vmem>>
    %dma_start3A_464 = tpu.memref_squeeze %dma_start3A_463 : memref<1x64xi32, #tpu.memory_space<vmem>> -> memref<64xi32, #tpu.memory_space<vmem>>
    %dma_start3A_465 = arith.constant 0 : i32
    %dma_start3A_466 = arith.constant 0 : i32
    %dma_start3A_467 = tpu.memref_slice %arg3[%dma_start3A_465, %dma_start3A_466] : memref<100000x128xf32, #tpu.memory_space<hbm>> -> memref<100000x128xf32, #tpu.memory_space<hbm>>
    tpu.enqueue_indirect_dma source(%dma_start3A_467 : memref<100000x128xf32, #tpu.memory_space<hbm>>) target(%dma_start3A_461 : memref<64x128xf32, #tpu.memory_space<vmem>>) offsets(%dma_start3A_464 : memref<64xi32, #tpu.memory_space<vmem>>) semaphore(%arg13 : memref<!tpu.dma_semaphore, #tpu.memory_space<semaphore_mem>>) {add = true}
    %dma_start3A_468 = arith.constant 64 : i32
    %dma_start3A_469 = arith.constant 0 : i32
    %dma_start3A_470 = tpu.memref_slice %arg8[%dma_start3A_468, %dma_start3A_469] : memref<128x128xf32, #tpu.memory_space<vmem>> -> memref<64x128xf32, #tpu.memory_space<vmem>>
    %dma_start3A_471 = arith.constant 64 : i32
    %dma_start3A_472 = tpu.memref_slice %arg6[%rem3A_458, %dma_start3A_471] : memref<200x128xi32, #tpu.memory_space<vmem>> -> memref<1x64xi32, #tpu.memory_space<vmem>>
    %dma_start3A_473 = tpu.memref_squeeze %dma_start3A_472 : memref<1x64xi32, #tpu.memory_space<vmem>> -> memref<64xi32, #tpu.memory_space<vmem>>
    %dma_start3A_474 = arith.constant 0 : i32
    %dma_start3A_475 = arith.constant 0 : i32
    %dma_start3A_476 = tpu.memref_slice %arg3[%dma_start3A_474, %dma_start3A_475] : memref<100000x128xf32, #tpu.memory_space<hbm>> -> memref<100000x128xf32, #tpu.memory_space<hbm>>
    tpu.enqueue_indirect_dma source(%dma_start3A_476 : memref<100000x128xf32, #tpu.memory_space<hbm>>) target(%dma_start3A_470 : memref<64x128xf32, #tpu.memory_space<vmem>>) offsets(%dma_start3A_473 : memref<64xi32, #tpu.memory_space<vmem>>) semaphore(%arg13 : memref<!tpu.dma_semaphore, #tpu.memory_space<semaphore_mem>>) {add = true}
    %mul3A_477 = arith.constant 13 : i32
    %mul3A_478 = arith.muli %arg1, %mul3A_477 : i32
    %add3A_479 = arith.constant 3 : i32
    %add3A_480 = arith.addi %add3A_479, %mul3A_478 : i32
    %rem3A_481 = arith.constant 200 : i32
    %rem3A_482 = arith.remsi %add3A_480, %rem3A_481 : i32
    %mul3A_483 = arith.constant 128 : i32
    %mul3A_484 = arith.muli %rem3A_482, %mul3A_483 : i32
    %add3A_485 = arith.addi %mul3A_2, %mul3A_484 : i32
    %multiple_of3A_486 = tpu.assume_multiple %add3A_485, 8 : i32
    %dma_start3A_487 = arith.constant 0 : i32
    %dma_start3A_488 = tpu.memref_slice %arg5[%multiple_of3A_486, %dma_start3A_487] : memref<819200x128xf32, #tpu.memory_space<hbm>> -> memref<128x128xf32, #tpu.memory_space<hbm>>
    %dma_start3A_489 = arith.constant 0 : i32
    %dma_start3A_490 = tpu.memref_slice %arg5[%multiple_of3A_486, %dma_start3A_489] : memref<819200x128xf32, #tpu.memory_space<hbm>> -> memref<128x128xf32, #tpu.memory_space<hbm>>
    tpu.enqueue_dma source(%arg11 : memref<128x128xf32, #tpu.memory_space<vmem>>) target(%dma_start3A_490 : memref<128x128xf32, #tpu.memory_space<hbm>>) target_semaphore(%arg21 : memref<!tpu.dma_semaphore, #tpu.memory_space<semaphore_mem>>)
    %mul3A_491 = arith.constant 13 : i32
    %mul3A_492 = arith.muli %arg1, %mul3A_491 : i32
    %add3A_493 = arith.constant 1 : i32
    %add3A_494 = arith.addi %add3A_493, %mul3A_492 : i32
    %rem3A_495 = arith.constant 200 : i32
    %rem3A_496 = arith.remsi %add3A_494, %rem3A_495 : i32
    %mul3A_497 = arith.constant 128 : i32
    %mul3A_498 = arith.muli %rem3A_496, %mul3A_497 : i32
    %add3A_499 = arith.addi %mul3A_2, %mul3A_498 : i32
    %multiple_of3A_500 = tpu.assume_multiple %add3A_499, 8 : i32
    %dma_wait3A_501 = arith.constant 0 : i32
    %dma_wait3A_502 = tpu.memref_slice %arg5[%multiple_of3A_500, %dma_wait3A_501] : memref<819200x128xf32, #tpu.memory_space<hbm>> -> memref<128x128xf32, #tpu.memory_space<hbm>>
    %dma_wait3A_503 = arith.constant 0 : i32
    %dma_wait3A_504 = tpu.memref_slice %arg5[%multiple_of3A_500, %dma_wait3A_503] : memref<819200x128xf32, #tpu.memory_space<hbm>> -> memref<128x128xf32, #tpu.memory_space<hbm>>
    tpu.wait_dma2 semaphore(%arg19 : memref<!tpu.dma_semaphore, #tpu.memory_space<semaphore_mem>>) src(%arg9 : memref<128x128xf32, #tpu.memory_space<vmem>>) dst(%dma_wait3A_504 : memref<128x128xf32, #tpu.memory_space<hbm>>)
    %mul3A_505 = arith.constant 13 : i32
    %mul3A_506 = arith.muli %arg1, %mul3A_505 : i32
    %add3A_507 = arith.constant 6 : i32
    %add3A_508 = arith.addi %add3A_507, %mul3A_506 : i32
    %rem3A_509 = arith.constant 200 : i32
    %rem3A_510 = arith.remsi %add3A_508, %rem3A_509 : i32
    %mul3A_511 = arith.constant 128 : i32
    %mul3A_512 = arith.muli %rem3A_510, %mul3A_511 : i32
    %rem3A_513 = arith.constant 200 : i32
    %rem3A_514 = arith.remsi %mul3A_512, %rem3A_513 : i32
    %multiple_of3A_515 = tpu.assume_multiple %rem3A_514, 8 : i32
    %dma_start3A_516 = arith.constant 0 : i32
    %dma_start3A_517 = tpu.memref_slice %arg7[%multiple_of3A_515, %dma_start3A_516] : memref<328x128xf32, #tpu.memory_space<vmem_shared>> -> memref<128x128xf32, #tpu.memory_space<vmem_shared>>
    %dma_start3A_518 = arith.constant 0 : i32
    %dma_start3A_519 = tpu.memref_slice %arg7[%multiple_of3A_515, %dma_start3A_518] : memref<328x128xf32, #tpu.memory_space<vmem_shared>> -> memref<128x128xf32, #tpu.memory_space<vmem_shared>>
    tpu.enqueue_dma source(%dma_start3A_519 : memref<128x128xf32, #tpu.memory_space<vmem_shared>>) target(%arg9 : memref<128x128xf32, #tpu.memory_space<vmem>>) target_semaphore(%arg24 : memref<!tpu.dma_semaphore, #tpu.memory_space<semaphore_mem>>)
    %mul3A_520 = arith.constant 13 : i32
    %mul3A_521 = arith.muli %arg1, %mul3A_520 : i32
    %add3A_522 = arith.constant 4 : i32
    %add3A_523 = arith.addi %add3A_522, %mul3A_521 : i32
    %rem3A_524 = arith.constant 200 : i32
    %rem3A_525 = arith.remsi %add3A_523, %rem3A_524 : i32
    %dma_wait3A_526 = arith.constant 0 : i32
    %dma_wait3A_527 = arith.constant 0 : i32
    %dma_wait3A_528 = tpu.memref_slice %arg12[%dma_wait3A_526, %dma_wait3A_527] : memref<128x128xf32, #tpu.memory_space<vmem>> -> memref<64x128xf32, #tpu.memory_space<vmem>>
    %dma_wait3A_529 = arith.constant 0 : i32
    %dma_wait3A_530 = tpu.memref_slice %arg6[%rem3A_525, %dma_wait3A_529] : memref<200x128xi32, #tpu.memory_space<vmem>> -> memref<1x64xi32, #tpu.memory_space<vmem>>
    %dma_wait3A_531 = tpu.memref_squeeze %dma_wait3A_530 : memref<1x64xi32, #tpu.memory_space<vmem>> -> memref<64xi32, #tpu.memory_space<vmem>>
    %dma_wait3A_532 = arith.constant 0 : i32
    %dma_wait3A_533 = arith.constant 0 : i32
    %dma_wait3A_534 = tpu.memref_slice %arg3[%dma_wait3A_532, %dma_wait3A_533] : memref<100000x128xf32, #tpu.memory_space<hbm>> -> memref<100000x128xf32, #tpu.memory_space<hbm>>
    tpu.wait_indirect_dma semaphore(%arg17 : memref<!tpu.dma_semaphore, #tpu.memory_space<semaphore_mem>>) src(%dma_wait3A_534 : memref<100000x128xf32, #tpu.memory_space<hbm>>) dst(%dma_wait3A_528 : memref<64x128xf32, #tpu.memory_space<vmem>>)
    %dma_wait3A_535 = arith.constant 64 : i32
    %dma_wait3A_536 = arith.constant 0 : i32
    %dma_wait3A_537 = tpu.memref_slice %arg12[%dma_wait3A_535, %dma_wait3A_536] : memref<128x128xf32, #tpu.memory_space<vmem>> -> memref<64x128xf32, #tpu.memory_space<vmem>>
    %dma_wait3A_538 = arith.constant 64 : i32
    %dma_wait3A_539 = tpu.memref_slice %arg6[%rem3A_525, %dma_wait3A_538] : memref<200x128xi32, #tpu.memory_space<vmem>> -> memref<1x64xi32, #tpu.memory_space<vmem>>
    %dma_wait3A_540 = tpu.memref_squeeze %dma_wait3A_539 : memref<1x64xi32, #tpu.memory_space<vmem>> -> memref<64xi32, #tpu.memory_space<vmem>>
    %dma_wait3A_541 = arith.constant 0 : i32
    %dma_wait3A_542 = arith.constant 0 : i32
    %dma_wait3A_543 = tpu.memref_slice %arg3[%dma_wait3A_541, %dma_wait3A_542] : memref<100000x128xf32, #tpu.memory_space<hbm>> -> memref<100000x128xf32, #tpu.memory_space<hbm>>
    tpu.wait_indirect_dma semaphore(%arg17 : memref<!tpu.dma_semaphore, #tpu.memory_space<semaphore_mem>>) src(%dma_wait3A_543 : memref<100000x128xf32, #tpu.memory_space<hbm>>) dst(%dma_wait3A_537 : memref<64x128xf32, #tpu.memory_space<vmem>>)
    %mul3A_544 = arith.constant 13 : i32
    %mul3A_545 = arith.muli %arg1, %mul3A_544 : i32
    %add3A_546 = arith.constant 6 : i32
    %add3A_547 = arith.addi %add3A_546, %mul3A_545 : i32
    %rem3A_548 = arith.constant 200 : i32
    %rem3A_549 = arith.remsi %add3A_547, %rem3A_548 : i32
    %mul3A_550 = arith.constant 128 : i32
    %mul3A_551 = arith.muli %rem3A_549, %mul3A_550 : i32
    %rem3A_552 = arith.constant 200 : i32
    %rem3A_553 = arith.remsi %mul3A_551, %rem3A_552 : i32
    %multiple_of3A_554 = tpu.assume_multiple %rem3A_553, 8 : i32
    %dma_wait3A_555 = arith.constant 0 : i32
    %dma_wait3A_556 = tpu.memref_slice %arg7[%multiple_of3A_554, %dma_wait3A_555] : memref<328x128xf32, #tpu.memory_space<vmem_shared>> -> memref<128x128xf32, #tpu.memory_space<vmem_shared>>
    %dma_wait3A_557 = arith.constant 0 : i32
    %dma_wait3A_558 = tpu.memref_slice %arg7[%multiple_of3A_554, %dma_wait3A_557] : memref<328x128xf32, #tpu.memory_space<vmem_shared>> -> memref<128x128xf32, #tpu.memory_space<vmem_shared>>
    tpu.wait_dma2 semaphore(%arg24 : memref<!tpu.dma_semaphore, #tpu.memory_space<semaphore_mem>>) src(%dma_wait3A_558 : memref<128x128xf32, #tpu.memory_space<vmem_shared>>) dst(%arg9 : memref<128x128xf32, #tpu.memory_space<vmem>>)
    %mul3A_559 = arith.constant 13 : i32
    %mul3A_560 = arith.muli %arg1, %mul3A_559 : i32
    %add3A_561 = arith.constant 6 : i32
    %add3A_562 = arith.addi %add3A_561, %mul3A_560 : i32
    %rem3A_563 = arith.constant 200 : i32
    %rem3A_564 = arith.remsi %add3A_562, %rem3A_563 : i32
    %dma_start3A_565 = arith.constant 0 : i32
    %dma_start3A_566 = arith.constant 0 : i32
    %dma_start3A_567 = tpu.memref_slice %arg9[%dma_start3A_565, %dma_start3A_566] : memref<128x128xf32, #tpu.memory_space<vmem>> -> memref<64x128xf32, #tpu.memory_space<vmem>>
    %dma_start3A_568 = arith.constant 0 : i32
    %dma_start3A_569 = tpu.memref_slice %arg6[%rem3A_564, %dma_start3A_568] : memref<200x128xi32, #tpu.memory_space<vmem>> -> memref<1x64xi32, #tpu.memory_space<vmem>>
    %dma_start3A_570 = tpu.memref_squeeze %dma_start3A_569 : memref<1x64xi32, #tpu.memory_space<vmem>> -> memref<64xi32, #tpu.memory_space<vmem>>
    %dma_start3A_571 = arith.constant 0 : i32
    %dma_start3A_572 = arith.constant 0 : i32
    %dma_start3A_573 = tpu.memref_slice %arg3[%dma_start3A_571, %dma_start3A_572] : memref<100000x128xf32, #tpu.memory_space<hbm>> -> memref<100000x128xf32, #tpu.memory_space<hbm>>
    tpu.enqueue_indirect_dma source(%dma_start3A_573 : memref<100000x128xf32, #tpu.memory_space<hbm>>) target(%dma_start3A_567 : memref<64x128xf32, #tpu.memory_space<vmem>>) offsets(%dma_start3A_570 : memref<64xi32, #tpu.memory_space<vmem>>) semaphore(%arg14 : memref<!tpu.dma_semaphore, #tpu.memory_space<semaphore_mem>>) {add = true}
    %dma_start3A_574 = arith.constant 64 : i32
    %dma_start3A_575 = arith.constant 0 : i32
    %dma_start3A_576 = tpu.memref_slice %arg9[%dma_start3A_574, %dma_start3A_575] : memref<128x128xf32, #tpu.memory_space<vmem>> -> memref<64x128xf32, #tpu.memory_space<vmem>>
    %dma_start3A_577 = arith.constant 64 : i32
    %dma_start3A_578 = tpu.memref_slice %arg6[%rem3A_564, %dma_start3A_577] : memref<200x128xi32, #tpu.memory_space<vmem>> -> memref<1x64xi32, #tpu.memory_space<vmem>>
    %dma_start3A_579 = tpu.memref_squeeze %dma_start3A_578 : memref<1x64xi32, #tpu.memory_space<vmem>> -> memref<64xi32, #tpu.memory_space<vmem>>
    %dma_start3A_580 = arith.constant 0 : i32
    %dma_start3A_581 = arith.constant 0 : i32
    %dma_start3A_582 = tpu.memref_slice %arg3[%dma_start3A_580, %dma_start3A_581] : memref<100000x128xf32, #tpu.memory_space<hbm>> -> memref<100000x128xf32, #tpu.memory_space<hbm>>
    tpu.enqueue_indirect_dma source(%dma_start3A_582 : memref<100000x128xf32, #tpu.memory_space<hbm>>) target(%dma_start3A_576 : memref<64x128xf32, #tpu.memory_space<vmem>>) offsets(%dma_start3A_579 : memref<64xi32, #tpu.memory_space<vmem>>) semaphore(%arg14 : memref<!tpu.dma_semaphore, #tpu.memory_space<semaphore_mem>>) {add = true}
    %mul3A_583 = arith.constant 13 : i32
    %mul3A_584 = arith.muli %arg1, %mul3A_583 : i32
    %add3A_585 = arith.constant 4 : i32
    %add3A_586 = arith.addi %add3A_585, %mul3A_584 : i32
    %rem3A_587 = arith.constant 200 : i32
    %rem3A_588 = arith.remsi %add3A_586, %rem3A_587 : i32
    %mul3A_589 = arith.constant 128 : i32
    %mul3A_590 = arith.muli %rem3A_588, %mul3A_589 : i32
    %add3A_591 = arith.addi %mul3A_2, %mul3A_590 : i32
    %multiple_of3A_592 = tpu.assume_multiple %add3A_591, 8 : i32
    %dma_start3A_593 = arith.constant 0 : i32
    %dma_start3A_594 = tpu.memref_slice %arg5[%multiple_of3A_592, %dma_start3A_593] : memref<819200x128xf32, #tpu.memory_space<hbm>> -> memref<128x128xf32, #tpu.memory_space<hbm>>
    %dma_start3A_595 = arith.constant 0 : i32
    %dma_start3A_596 = tpu.memref_slice %arg5[%multiple_of3A_592, %dma_start3A_595] : memref<819200x128xf32, #tpu.memory_space<hbm>> -> memref<128x128xf32, #tpu.memory_space<hbm>>
    tpu.enqueue_dma source(%arg12 : memref<128x128xf32, #tpu.memory_space<vmem>>) target(%dma_start3A_596 : memref<128x128xf32, #tpu.memory_space<hbm>>) target_semaphore(%arg22 : memref<!tpu.dma_semaphore, #tpu.memory_space<semaphore_mem>>)
    %mul3A_597 = arith.constant 13 : i32
    %mul3A_598 = arith.muli %arg1, %mul3A_597 : i32
    %add3A_599 = arith.constant 2 : i32
    %add3A_600 = arith.addi %add3A_599, %mul3A_598 : i32
    %rem3A_601 = arith.constant 200 : i32
    %rem3A_602 = arith.remsi %add3A_600, %rem3A_601 : i32
    %mul3A_603 = arith.constant 128 : i32
    %mul3A_604 = arith.muli %rem3A_602, %mul3A_603 : i32
    %add3A_605 = arith.addi %mul3A_2, %mul3A_604 : i32
    %multiple_of3A_606 = tpu.assume_multiple %add3A_605, 8 : i32
    %dma_wait3A_607 = arith.constant 0 : i32
    %dma_wait3A_608 = tpu.memref_slice %arg5[%multiple_of3A_606, %dma_wait3A_607] : memref<819200x128xf32, #tpu.memory_space<hbm>> -> memref<128x128xf32, #tpu.memory_space<hbm>>
    %dma_wait3A_609 = arith.constant 0 : i32
    %dma_wait3A_610 = tpu.memref_slice %arg5[%multiple_of3A_606, %dma_wait3A_609] : memref<819200x128xf32, #tpu.memory_space<hbm>> -> memref<128x128xf32, #tpu.memory_space<hbm>>
    tpu.wait_dma2 semaphore(%arg20 : memref<!tpu.dma_semaphore, #tpu.memory_space<semaphore_mem>>) src(%arg10 : memref<128x128xf32, #tpu.memory_space<vmem>>) dst(%dma_wait3A_610 : memref<128x128xf32, #tpu.memory_space<hbm>>)
    %mul3A_611 = arith.constant 13 : i32
    %mul3A_612 = arith.muli %arg1, %mul3A_611 : i32
    %add3A_613 = arith.constant 7 : i32
    %add3A_614 = arith.addi %add3A_613, %mul3A_612 : i32
    %rem3A_615 = arith.constant 200 : i32
    %rem3A_616 = arith.remsi %add3A_614, %rem3A_615 : i32
    %mul3A_617 = arith.constant 128 : i32
    %mul3A_618 = arith.muli %rem3A_616, %mul3A_617 : i32
    %rem3A_619 = arith.constant 200 : i32
    %rem3A_620 = arith.remsi %mul3A_618, %rem3A_619 : i32
    %multiple_of3A_621 = tpu.assume_multiple %rem3A_620, 8 : i32
    %dma_start3A_622 = arith.constant 0 : i32
    %dma_start3A_623 = tpu.memref_slice %arg7[%multiple_of3A_621, %dma_start3A_622] : memref<328x128xf32, #tpu.memory_space<vmem_shared>> -> memref<128x128xf32, #tpu.memory_space<vmem_shared>>
    %dma_start3A_624 = arith.constant 0 : i32
    %dma_start3A_625 = tpu.memref_slice %arg7[%multiple_of3A_621, %dma_start3A_624] : memref<328x128xf32, #tpu.memory_space<vmem_shared>> -> memref<128x128xf32, #tpu.memory_space<vmem_shared>>
    tpu.enqueue_dma source(%dma_start3A_625 : memref<128x128xf32, #tpu.memory_space<vmem_shared>>) target(%arg10 : memref<128x128xf32, #tpu.memory_space<vmem>>) target_semaphore(%arg25 : memref<!tpu.dma_semaphore, #tpu.memory_space<semaphore_mem>>)
    %scan3A = arith.constant 0 : i32
    %scan3A_626 = arith.constant 1 : i32
    %scan3A_627 = arith.constant 38 : i32
    %scan3A_628 = arith.addi %scan3A_626, %scan3A_627 : i32
    %scan3A_629 = arith.constant 1 : i32
    %scan3A_630 = scf.for %scan3A_1067 = %scan3A_626 to %scan3A_628 step %scan3A_629 iter_args(%scan3A_1068 = %scan3A) -> (i32)  : i32 {
      %mul3A_1069 = arith.constant 5 : i32
      %mul3A_1070 = arith.muli %mul3A_1069, %scan3A_1067 : i32
      %add3A_1071 = arith.constant 0 : i32
      %add3A_1072 = arith.addi %mul3A_1070, %add3A_1071 : i32
      %mul3A_1073 = arith.constant 13 : i32
      %mul3A_1074 = arith.muli %arg1, %mul3A_1073 : i32
      %add3A_1075 = arith.addi %add3A_1072, %mul3A_1074 : i32
      %rem3A_1076 = arith.constant 200 : i32
      %rem3A_1077 = arith.remsi %add3A_1075, %rem3A_1076 : i32
      %dma_wait3A_1078 = arith.constant 0 : i32
      %dma_wait3A_1079 = arith.constant 0 : i32
      %dma_wait3A_1080 = tpu.memref_slice %arg8[%dma_wait3A_1078, %dma_wait3A_1079] : memref<128x128xf32, #tpu.memory_space<vmem>> -> memref<64x128xf32, #tpu.memory_space<vmem>>
      %dma_wait3A_1081 = arith.constant 0 : i32
      %dma_wait3A_1082 = tpu.memref_slice %arg6[%rem3A_1077, %dma_wait3A_1081] : memref<200x128xi32, #tpu.memory_space<vmem>> -> memref<1x64xi32, #tpu.memory_space<vmem>>
      %dma_wait3A_1083 = tpu.memref_squeeze %dma_wait3A_1082 : memref<1x64xi32, #tpu.memory_space<vmem>> -> memref<64xi32, #tpu.memory_space<vmem>>
      %dma_wait3A_1084 = arith.constant 0 : i32
      %dma_wait3A_1085 = arith.constant 0 : i32
      %dma_wait3A_1086 = tpu.memref_slice %arg3[%dma_wait3A_1084, %dma_wait3A_1085] : memref<100000x128xf32, #tpu.memory_space<hbm>> -> memref<100000x128xf32, #tpu.memory_space<hbm>>
      tpu.wait_indirect_dma semaphore(%arg13 : memref<!tpu.dma_semaphore, #tpu.memory_space<semaphore_mem>>) src(%dma_wait3A_1086 : memref<100000x128xf32, #tpu.memory_space<hbm>>) dst(%dma_wait3A_1080 : memref<64x128xf32, #tpu.memory_space<vmem>>)
      %dma_wait3A_1087 = arith.constant 64 : i32
      %dma_wait3A_1088 = arith.constant 0 : i32
      %dma_wait3A_1089 = tpu.memref_slice %arg8[%dma_wait3A_1087, %dma_wait3A_1088] : memref<128x128xf32, #tpu.memory_space<vmem>> -> memref<64x128xf32, #tpu.memory_space<vmem>>
      %dma_wait3A_1090 = arith.constant 64 : i32
      %dma_wait3A_1091 = tpu.memref_slice %arg6[%rem3A_1077, %dma_wait3A_1090] : memref<200x128xi32, #tpu.memory_space<vmem>> -> memref<1x64xi32, #tpu.memory_space<vmem>>
      %dma_wait3A_1092 = tpu.memref_squeeze %dma_wait3A_1091 : memref<1x64xi32, #tpu.memory_space<vmem>> -> memref<64xi32, #tpu.memory_space<vmem>>
      %dma_wait3A_1093 = arith.constant 0 : i32
      %dma_wait3A_1094 = arith.constant 0 : i32
      %dma_wait3A_1095 = tpu.memref_slice %arg3[%dma_wait3A_1093, %dma_wait3A_1094] : memref<100000x128xf32, #tpu.memory_space<hbm>> -> memref<100000x128xf32, #tpu.memory_space<hbm>>
      tpu.wait_indirect_dma semaphore(%arg13 : memref<!tpu.dma_semaphore, #tpu.memory_space<semaphore_mem>>) src(%dma_wait3A_1095 : memref<100000x128xf32, #tpu.memory_space<hbm>>) dst(%dma_wait3A_1089 : memref<64x128xf32, #tpu.memory_space<vmem>>)
      %add3A_1096 = arith.constant 2 : i32
      %add3A_1097 = arith.addi %add3A_1072, %add3A_1096 : i32
      %mul3A_1098 = arith.constant 13 : i32
      %mul3A_1099 = arith.muli %arg1, %mul3A_1098 : i32
      %add3A_1100 = arith.addi %add3A_1097, %mul3A_1099 : i32
      %rem3A_1101 = arith.constant 200 : i32
      %rem3A_1102 = arith.remsi %add3A_1100, %rem3A_1101 : i32
      %mul3A_1103 = arith.constant 128 : i32
      %mul3A_1104 = arith.muli %rem3A_1102, %mul3A_1103 : i32
      %rem3A_1105 = arith.constant 200 : i32
      %rem3A_1106 = arith.remsi %mul3A_1104, %rem3A_1105 : i32
      %multiple_of3A_1107 = tpu.assume_multiple %rem3A_1106, 8 : i32
      %dma_wait3A_1108 = arith.constant 0 : i32
      %dma_wait3A_1109 = tpu.memref_slice %arg7[%multiple_of3A_1107, %dma_wait3A_1108] : memref<328x128xf32, #tpu.memory_space<vmem_shared>> -> memref<128x128xf32, #tpu.memory_space<vmem_shared>>
      %dma_wait3A_1110 = arith.constant 0 : i32
      %dma_wait3A_1111 = tpu.memref_slice %arg7[%multiple_of3A_1107, %dma_wait3A_1110] : memref<328x128xf32, #tpu.memory_space<vmem_shared>> -> memref<128x128xf32, #tpu.memory_space<vmem_shared>>
      tpu.wait_dma2 semaphore(%arg25 : memref<!tpu.dma_semaphore, #tpu.memory_space<semaphore_mem>>) src(%dma_wait3A_1111 : memref<128x128xf32, #tpu.memory_space<vmem_shared>>) dst(%arg10 : memref<128x128xf32, #tpu.memory_space<vmem>>)
      %add3A_1112 = arith.constant 2 : i32
      %add3A_1113 = arith.addi %add3A_1072, %add3A_1112 : i32
      %mul3A_1114 = arith.constant 13 : i32
      %mul3A_1115 = arith.muli %arg1, %mul3A_1114 : i32
      %add3A_1116 = arith.addi %add3A_1113, %mul3A_1115 : i32
      %rem3A_1117 = arith.constant 200 : i32
      %rem3A_1118 = arith.remsi %add3A_1116, %rem3A_1117 : i32
      %dma_start3A_1119 = arith.constant 0 : i32
      %dma_start3A_1120 = arith.constant 0 : i32
      %dma_start3A_1121 = tpu.memref_slice %arg10[%dma_start3A_1119, %dma_start3A_1120] : memref<128x128xf32, #tpu.memory_space<vmem>> -> memref<64x128xf32, #tpu.memory_space<vmem>>
      %dma_start3A_1122 = arith.constant 0 : i32
      %dma_start3A_1123 = tpu.memref_slice %arg6[%rem3A_1118, %dma_start3A_1122] : memref<200x128xi32, #tpu.memory_space<vmem>> -> memref<1x64xi32, #tpu.memory_space<vmem>>
      %dma_start3A_1124 = tpu.memref_squeeze %dma_start3A_1123 : memref<1x64xi32, #tpu.memory_space<vmem>> -> memref<64xi32, #tpu.memory_space<vmem>>
      %dma_start3A_1125 = arith.constant 0 : i32
      %dma_start3A_1126 = arith.constant 0 : i32
      %dma_start3A_1127 = tpu.memref_slice %arg3[%dma_start3A_1125, %dma_start3A_1126] : memref<100000x128xf32, #tpu.memory_space<hbm>> -> memref<100000x128xf32, #tpu.memory_space<hbm>>
      tpu.enqueue_indirect_dma source(%dma_start3A_1127 : memref<100000x128xf32, #tpu.memory_space<hbm>>) target(%dma_start3A_1121 : memref<64x128xf32, #tpu.memory_space<vmem>>) offsets(%dma_start3A_1124 : memref<64xi32, #tpu.memory_space<vmem>>) semaphore(%arg15 : memref<!tpu.dma_semaphore, #tpu.memory_space<semaphore_mem>>) {add = true}
      %dma_start3A_1128 = arith.constant 64 : i32
      %dma_start3A_1129 = arith.constant 0 : i32
      %dma_start3A_1130 = tpu.memref_slice %arg10[%dma_start3A_1128, %dma_start3A_1129] : memref<128x128xf32, #tpu.memory_space<vmem>> -> memref<64x128xf32, #tpu.memory_space<vmem>>
      %dma_start3A_1131 = arith.constant 64 : i32
      %dma_start3A_1132 = tpu.memref_slice %arg6[%rem3A_1118, %dma_start3A_1131] : memref<200x128xi32, #tpu.memory_space<vmem>> -> memref<1x64xi32, #tpu.memory_space<vmem>>
      %dma_start3A_1133 = tpu.memref_squeeze %dma_start3A_1132 : memref<1x64xi32, #tpu.memory_space<vmem>> -> memref<64xi32, #tpu.memory_space<vmem>>
      %dma_start3A_1134 = arith.constant 0 : i32
      %dma_start3A_1135 = arith.constant 0 : i32
      %dma_start3A_1136 = tpu.memref_slice %arg3[%dma_start3A_1134, %dma_start3A_1135] : memref<100000x128xf32, #tpu.memory_space<hbm>> -> memref<100000x128xf32, #tpu.memory_space<hbm>>
      tpu.enqueue_indirect_dma source(%dma_start3A_1136 : memref<100000x128xf32, #tpu.memory_space<hbm>>) target(%dma_start3A_1130 : memref<64x128xf32, #tpu.memory_space<vmem>>) offsets(%dma_start3A_1133 : memref<64xi32, #tpu.memory_space<vmem>>) semaphore(%arg15 : memref<!tpu.dma_semaphore, #tpu.memory_space<semaphore_mem>>) {add = true}
      %mul3A_1137 = arith.constant 13 : i32
      %mul3A_1138 = arith.muli %arg1, %mul3A_1137 : i32
      %add3A_1139 = arith.addi %add3A_1072, %mul3A_1138 : i32
      %rem3A_1140 = arith.constant 200 : i32
      %rem3A_1141 = arith.remsi %add3A_1139, %rem3A_1140 : i32
      %mul3A_1142 = arith.constant 128 : i32
      %mul3A_1143 = arith.muli %rem3A_1141, %mul3A_1142 : i32
      %add3A_1144 = arith.addi %mul3A_2, %mul3A_1143 : i32
      %multiple_of3A_1145 = tpu.assume_multiple %add3A_1144, 8 : i32
      %dma_start3A_1146 = arith.constant 0 : i32
      %dma_start3A_1147 = tpu.memref_slice %arg5[%multiple_of3A_1145, %dma_start3A_1146] : memref<819200x128xf32, #tpu.memory_space<hbm>> -> memref<128x128xf32, #tpu.memory_space<hbm>>
      %dma_start3A_1148 = arith.constant 0 : i32
      %dma_start3A_1149 = tpu.memref_slice %arg5[%multiple_of3A_1145, %dma_start3A_1148] : memref<819200x128xf32, #tpu.memory_space<hbm>> -> memref<128x128xf32, #tpu.memory_space<hbm>>
      tpu.enqueue_dma source(%arg8 : memref<128x128xf32, #tpu.memory_space<vmem>>) target(%dma_start3A_1149 : memref<128x128xf32, #tpu.memory_space<hbm>>) target_semaphore(%arg18 : memref<!tpu.dma_semaphore, #tpu.memory_space<semaphore_mem>>)
      %sub3A = arith.constant 2 : i32
      %sub3A_1150 = arith.subi %add3A_1072, %sub3A : i32
      %mul3A_1151 = arith.constant 13 : i32
      %mul3A_1152 = arith.muli %arg1, %mul3A_1151 : i32
      %add3A_1153 = arith.addi %sub3A_1150, %mul3A_1152 : i32
      %rem3A_1154 = arith.constant 200 : i32
      %rem3A_1155 = arith.remsi %add3A_1153, %rem3A_1154 : i32
      %mul3A_1156 = arith.constant 128 : i32
      %mul3A_1157 = arith.muli %rem3A_1155, %mul3A_1156 : i32
      %add3A_1158 = arith.addi %mul3A_2, %mul3A_1157 : i32
      %multiple_of3A_1159 = tpu.assume_multiple %add3A_1158, 8 : i32
      %dma_wait3A_1160 = arith.constant 0 : i32
      %dma_wait3A_1161 = tpu.memref_slice %arg5[%multiple_of3A_1159, %dma_wait3A_1160] : memref<819200x128xf32, #tpu.memory_space<hbm>> -> memref<128x128xf32, #tpu.memory_space<hbm>>
      %dma_wait3A_1162 = arith.constant 0 : i32
      %dma_wait3A_1163 = tpu.memref_slice %arg5[%multiple_of3A_1159, %dma_wait3A_1162] : memref<819200x128xf32, #tpu.memory_space<hbm>> -> memref<128x128xf32, #tpu.memory_space<hbm>>
      tpu.wait_dma2 semaphore(%arg21 : memref<!tpu.dma_semaphore, #tpu.memory_space<semaphore_mem>>) src(%arg11 : memref<128x128xf32, #tpu.memory_space<vmem>>) dst(%dma_wait3A_1163 : memref<128x128xf32, #tpu.memory_space<hbm>>)
      %add3A_1164 = arith.constant 3 : i32
      %add3A_1165 = arith.addi %add3A_1072, %add3A_1164 : i32
      %mul3A_1166 = arith.constant 13 : i32
      %mul3A_1167 = arith.muli %arg1, %mul3A_1166 : i32
      %add3A_1168 = arith.addi %add3A_1165, %mul3A_1167 : i32
      %rem3A_1169 = arith.constant 200 : i32
      %rem3A_1170 = arith.remsi %add3A_1168, %rem3A_1169 : i32
      %mul3A_1171 = arith.constant 128 : i32
      %mul3A_1172 = arith.muli %rem3A_1170, %mul3A_1171 : i32
      %rem3A_1173 = arith.constant 200 : i32
      %rem3A_1174 = arith.remsi %mul3A_1172, %rem3A_1173 : i32
      %multiple_of3A_1175 = tpu.assume_multiple %rem3A_1174, 8 : i32
      %dma_start3A_1176 = arith.constant 0 : i32
      %dma_start3A_1177 = tpu.memref_slice %arg7[%multiple_of3A_1175, %dma_start3A_1176] : memref<328x128xf32, #tpu.memory_space<vmem_shared>> -> memref<128x128xf32, #tpu.memory_space<vmem_shared>>
      %dma_start3A_1178 = arith.constant 0 : i32
      %dma_start3A_1179 = tpu.memref_slice %arg7[%multiple_of3A_1175, %dma_start3A_1178] : memref<328x128xf32, #tpu.memory_space<vmem_shared>> -> memref<128x128xf32, #tpu.memory_space<vmem_shared>>
      tpu.enqueue_dma source(%dma_start3A_1179 : memref<128x128xf32, #tpu.memory_space<vmem_shared>>) target(%arg11 : memref<128x128xf32, #tpu.memory_space<vmem>>) target_semaphore(%arg26 : memref<!tpu.dma_semaphore, #tpu.memory_space<semaphore_mem>>)
      %mul3A_1180 = arith.constant 5 : i32
      %mul3A_1181 = arith.muli %mul3A_1180, %scan3A_1067 : i32
      %add3A_1182 = arith.constant 1 : i32
      %add3A_1183 = arith.addi %mul3A_1181, %add3A_1182 : i32
      %mul3A_1184 = arith.constant 13 : i32
      %mul3A_1185 = arith.muli %arg1, %mul3A_1184 : i32
      %add3A_1186 = arith.addi %add3A_1183, %mul3A_1185 : i32
      %rem3A_1187 = arith.constant 200 : i32
      %rem3A_1188 = arith.remsi %add3A_1186, %rem3A_1187 : i32
      %dma_wait3A_1189 = arith.constant 0 : i32
      %dma_wait3A_1190 = arith.constant 0 : i32
      %dma_wait3A_1191 = tpu.memref_slice %arg9[%dma_wait3A_1189, %dma_wait3A_1190] : memref<128x128xf32, #tpu.memory_space<vmem>> -> memref<64x128xf32, #tpu.memory_space<vmem>>
      %dma_wait3A_1192 = arith.constant 0 : i32
      %dma_wait3A_1193 = tpu.memref_slice %arg6[%rem3A_1188, %dma_wait3A_1192] : memref<200x128xi32, #tpu.memory_space<vmem>> -> memref<1x64xi32, #tpu.memory_space<vmem>>
      %dma_wait3A_1194 = tpu.memref_squeeze %dma_wait3A_1193 : memref<1x64xi32, #tpu.memory_space<vmem>> -> memref<64xi32, #tpu.memory_space<vmem>>
      %dma_wait3A_1195 = arith.constant 0 : i32
      %dma_wait3A_1196 = arith.constant 0 : i32
      %dma_wait3A_1197 = tpu.memref_slice %arg3[%dma_wait3A_1195, %dma_wait3A_1196] : memref<100000x128xf32, #tpu.memory_space<hbm>> -> memref<100000x128xf32, #tpu.memory_space<hbm>>
      tpu.wait_indirect_dma semaphore(%arg14 : memref<!tpu.dma_semaphore, #tpu.memory_space<semaphore_mem>>) src(%dma_wait3A_1197 : memref<100000x128xf32, #tpu.memory_space<hbm>>) dst(%dma_wait3A_1191 : memref<64x128xf32, #tpu.memory_space<vmem>>)
      %dma_wait3A_1198 = arith.constant 64 : i32
      %dma_wait3A_1199 = arith.constant 0 : i32
      %dma_wait3A_1200 = tpu.memref_slice %arg9[%dma_wait3A_1198, %dma_wait3A_1199] : memref<128x128xf32, #tpu.memory_space<vmem>> -> memref<64x128xf32, #tpu.memory_space<vmem>>
      %dma_wait3A_1201 = arith.constant 64 : i32
      %dma_wait3A_1202 = tpu.memref_slice %arg6[%rem3A_1188, %dma_wait3A_1201] : memref<200x128xi32, #tpu.memory_space<vmem>> -> memref<1x64xi32, #tpu.memory_space<vmem>>
      %dma_wait3A_1203 = tpu.memref_squeeze %dma_wait3A_1202 : memref<1x64xi32, #tpu.memory_space<vmem>> -> memref<64xi32, #tpu.memory_space<vmem>>
      %dma_wait3A_1204 = arith.constant 0 : i32
      %dma_wait3A_1205 = arith.constant 0 : i32
      %dma_wait3A_1206 = tpu.memref_slice %arg3[%dma_wait3A_1204, %dma_wait3A_1205] : memref<100000x128xf32, #tpu.memory_space<hbm>> -> memref<100000x128xf32, #tpu.memory_space<hbm>>
      tpu.wait_indirect_dma semaphore(%arg14 : memref<!tpu.dma_semaphore, #tpu.memory_space<semaphore_mem>>) src(%dma_wait3A_1206 : memref<100000x128xf32, #tpu.memory_space<hbm>>) dst(%dma_wait3A_1200 : memref<64x128xf32, #tpu.memory_space<vmem>>)
      %add3A_1207 = arith.constant 2 : i32
      %add3A_1208 = arith.addi %add3A_1183, %add3A_1207 : i32
      %mul3A_1209 = arith.constant 13 : i32
      %mul3A_1210 = arith.muli %arg1, %mul3A_1209 : i32
      %add3A_1211 = arith.addi %add3A_1208, %mul3A_1210 : i32
      %rem3A_1212 = arith.constant 200 : i32
      %rem3A_1213 = arith.remsi %add3A_1211, %rem3A_1212 : i32
      %mul3A_1214 = arith.constant 128 : i32
      %mul3A_1215 = arith.muli %rem3A_1213, %mul3A_1214 : i32
      %rem3A_1216 = arith.constant 200 : i32
      %rem3A_1217 = arith.remsi %mul3A_1215, %rem3A_1216 : i32
      %multiple_of3A_1218 = tpu.assume_multiple %rem3A_1217, 8 : i32
      %dma_wait3A_1219 = arith.constant 0 : i32
      %dma_wait3A_1220 = tpu.memref_slice %arg7[%multiple_of3A_1218, %dma_wait3A_1219] : memref<328x128xf32, #tpu.memory_space<vmem_shared>> -> memref<128x128xf32, #tpu.memory_space<vmem_shared>>
      %dma_wait3A_1221 = arith.constant 0 : i32
      %dma_wait3A_1222 = tpu.memref_slice %arg7[%multiple_of3A_1218, %dma_wait3A_1221] : memref<328x128xf32, #tpu.memory_space<vmem_shared>> -> memref<128x128xf32, #tpu.memory_space<vmem_shared>>
      tpu.wait_dma2 semaphore(%arg26 : memref<!tpu.dma_semaphore, #tpu.memory_space<semaphore_mem>>) src(%dma_wait3A_1222 : memref<128x128xf32, #tpu.memory_space<vmem_shared>>) dst(%arg11 : memref<128x128xf32, #tpu.memory_space<vmem>>)
      %add3A_1223 = arith.constant 2 : i32
      %add3A_1224 = arith.addi %add3A_1183, %add3A_1223 : i32
      %mul3A_1225 = arith.constant 13 : i32
      %mul3A_1226 = arith.muli %arg1, %mul3A_1225 : i32
      %add3A_1227 = arith.addi %add3A_1224, %mul3A_1226 : i32
      %rem3A_1228 = arith.constant 200 : i32
      %rem3A_1229 = arith.remsi %add3A_1227, %rem3A_1228 : i32
      %dma_start3A_1230 = arith.constant 0 : i32
      %dma_start3A_1231 = arith.constant 0 : i32
      %dma_start3A_1232 = tpu.memref_slice %arg11[%dma_start3A_1230, %dma_start3A_1231] : memref<128x128xf32, #tpu.memory_space<vmem>> -> memref<64x128xf32, #tpu.memory_space<vmem>>
      %dma_start3A_1233 = arith.constant 0 : i32
      %dma_start3A_1234 = tpu.memref_slice %arg6[%rem3A_1229, %dma_start3A_1233] : memref<200x128xi32, #tpu.memory_space<vmem>> -> memref<1x64xi32, #tpu.memory_space<vmem>>
      %dma_start3A_1235 = tpu.memref_squeeze %dma_start3A_1234 : memref<1x64xi32, #tpu.memory_space<vmem>> -> memref<64xi32, #tpu.memory_space<vmem>>
      %dma_start3A_1236 = arith.constant 0 : i32
      %dma_start3A_1237 = arith.constant 0 : i32
      %dma_start3A_1238 = tpu.memref_slice %arg3[%dma_start3A_1236, %dma_start3A_1237] : memref<100000x128xf32, #tpu.memory_space<hbm>> -> memref<100000x128xf32, #tpu.memory_space<hbm>>
      tpu.enqueue_indirect_dma source(%dma_start3A_1238 : memref<100000x128xf32, #tpu.memory_space<hbm>>) target(%dma_start3A_1232 : memref<64x128xf32, #tpu.memory_space<vmem>>) offsets(%dma_start3A_1235 : memref<64xi32, #tpu.memory_space<vmem>>) semaphore(%arg16 : memref<!tpu.dma_semaphore, #tpu.memory_space<semaphore_mem>>) {add = true}
      %dma_start3A_1239 = arith.constant 64 : i32
      %dma_start3A_1240 = arith.constant 0 : i32
      %dma_start3A_1241 = tpu.memref_slice %arg11[%dma_start3A_1239, %dma_start3A_1240] : memref<128x128xf32, #tpu.memory_space<vmem>> -> memref<64x128xf32, #tpu.memory_space<vmem>>
      %dma_start3A_1242 = arith.constant 64 : i32
      %dma_start3A_1243 = tpu.memref_slice %arg6[%rem3A_1229, %dma_start3A_1242] : memref<200x128xi32, #tpu.memory_space<vmem>> -> memref<1x64xi32, #tpu.memory_space<vmem>>
      %dma_start3A_1244 = tpu.memref_squeeze %dma_start3A_1243 : memref<1x64xi32, #tpu.memory_space<vmem>> -> memref<64xi32, #tpu.memory_space<vmem>>
      %dma_start3A_1245 = arith.constant 0 : i32
      %dma_start3A_1246 = arith.constant 0 : i32
      %dma_start3A_1247 = tpu.memref_slice %arg3[%dma_start3A_1245, %dma_start3A_1246] : memref<100000x128xf32, #tpu.memory_space<hbm>> -> memref<100000x128xf32, #tpu.memory_space<hbm>>
      tpu.enqueue_indirect_dma source(%dma_start3A_1247 : memref<100000x128xf32, #tpu.memory_space<hbm>>) target(%dma_start3A_1241 : memref<64x128xf32, #tpu.memory_space<vmem>>) offsets(%dma_start3A_1244 : memref<64xi32, #tpu.memory_space<vmem>>) semaphore(%arg16 : memref<!tpu.dma_semaphore, #tpu.memory_space<semaphore_mem>>) {add = true}
      %mul3A_1248 = arith.constant 13 : i32
      %mul3A_1249 = arith.muli %arg1, %mul3A_1248 : i32
      %add3A_1250 = arith.addi %add3A_1183, %mul3A_1249 : i32
      %rem3A_1251 = arith.constant 200 : i32
      %rem3A_1252 = arith.remsi %add3A_1250, %rem3A_1251 : i32
      %mul3A_1253 = arith.constant 128 : i32
      %mul3A_1254 = arith.muli %rem3A_1252, %mul3A_1253 : i32
      %add3A_1255 = arith.addi %mul3A_2, %mul3A_1254 : i32
      %multiple_of3A_1256 = tpu.assume_multiple %add3A_1255, 8 : i32
      %dma_start3A_1257 = arith.constant 0 : i32
      %dma_start3A_1258 = tpu.memref_slice %arg5[%multiple_of3A_1256, %dma_start3A_1257] : memref<819200x128xf32, #tpu.memory_space<hbm>> -> memref<128x128xf32, #tpu.memory_space<hbm>>
      %dma_start3A_1259 = arith.constant 0 : i32
      %dma_start3A_1260 = tpu.memref_slice %arg5[%multiple_of3A_1256, %dma_start3A_1259] : memref<819200x128xf32, #tpu.memory_space<hbm>> -> memref<128x128xf32, #tpu.memory_space<hbm>>
      tpu.enqueue_dma source(%arg9 : memref<128x128xf32, #tpu.memory_space<vmem>>) target(%dma_start3A_1260 : memref<128x128xf32, #tpu.memory_space<hbm>>) target_semaphore(%arg19 : memref<!tpu.dma_semaphore, #tpu.memory_space<semaphore_mem>>)
      %sub3A_1261 = arith.constant 2 : i32
      %sub3A_1262 = arith.subi %add3A_1183, %sub3A_1261 : i32
      %mul3A_1263 = arith.constant 13 : i32
      %mul3A_1264 = arith.muli %arg1, %mul3A_1263 : i32
      %add3A_1265 = arith.addi %sub3A_1262, %mul3A_1264 : i32
      %rem3A_1266 = arith.constant 200 : i32
      %rem3A_1267 = arith.remsi %add3A_1265, %rem3A_1266 : i32
      %mul3A_1268 = arith.constant 128 : i32
      %mul3A_1269 = arith.muli %rem3A_1267, %mul3A_1268 : i32
      %add3A_1270 = arith.addi %mul3A_2, %mul3A_1269 : i32
      %multiple_of3A_1271 = tpu.assume_multiple %add3A_1270, 8 : i32
      %dma_wait3A_1272 = arith.constant 0 : i32
      %dma_wait3A_1273 = tpu.memref_slice %arg5[%multiple_of3A_1271, %dma_wait3A_1272] : memref<819200x128xf32, #tpu.memory_space<hbm>> -> memref<128x128xf32, #tpu.memory_space<hbm>>
      %dma_wait3A_1274 = arith.constant 0 : i32
      %dma_wait3A_1275 = tpu.memref_slice %arg5[%multiple_of3A_1271, %dma_wait3A_1274] : memref<819200x128xf32, #tpu.memory_space<hbm>> -> memref<128x128xf32, #tpu.memory_space<hbm>>
      tpu.wait_dma2 semaphore(%arg22 : memref<!tpu.dma_semaphore, #tpu.memory_space<semaphore_mem>>) src(%arg12 : memref<128x128xf32, #tpu.memory_space<vmem>>) dst(%dma_wait3A_1275 : memref<128x128xf32, #tpu.memory_space<hbm>>)
      %add3A_1276 = arith.constant 3 : i32
      %add3A_1277 = arith.addi %add3A_1183, %add3A_1276 : i32
      %mul3A_1278 = arith.constant 13 : i32
      %mul3A_1279 = arith.muli %arg1, %mul3A_1278 : i32
      %add3A_1280 = arith.addi %add3A_1277, %mul3A_1279 : i32
      %rem3A_1281 = arith.constant 200 : i32
      %rem3A_1282 = arith.remsi %add3A_1280, %rem3A_1281 : i32
      %mul3A_1283 = arith.constant 128 : i32
      %mul3A_1284 = arith.muli %rem3A_1282, %mul3A_1283 : i32
      %rem3A_1285 = arith.constant 200 : i32
      %rem3A_1286 = arith.remsi %mul3A_1284, %rem3A_1285 : i32
      %multiple_of3A_1287 = tpu.assume_multiple %rem3A_1286, 8 : i32
      %dma_start3A_1288 = arith.constant 0 : i32
      %dma_start3A_1289 = tpu.memref_slice %arg7[%multiple_of3A_1287, %dma_start3A_1288] : memref<328x128xf32, #tpu.memory_space<vmem_shared>> -> memref<128x128xf32, #tpu.memory_space<vmem_shared>>
      %dma_start3A_1290 = arith.constant 0 : i32
      %dma_start3A_1291 = tpu.memref_slice %arg7[%multiple_of3A_1287, %dma_start3A_1290] : memref<328x128xf32, #tpu.memory_space<vmem_shared>> -> memref<128x128xf32, #tpu.memory_space<vmem_shared>>
      tpu.enqueue_dma source(%dma_start3A_1291 : memref<128x128xf32, #tpu.memory_space<vmem_shared>>) target(%arg12 : memref<128x128xf32, #tpu.memory_space<vmem>>) target_semaphore(%arg27 : memref<!tpu.dma_semaphore, #tpu.memory_space<semaphore_mem>>)
      %mul3A_1292 = arith.constant 5 : i32
      %mul3A_1293 = arith.muli %mul3A_1292, %scan3A_1067 : i32
      %add3A_1294 = arith.constant 2 : i32
      %add3A_1295 = arith.addi %mul3A_1293, %add3A_1294 : i32
      %mul3A_1296 = arith.constant 13 : i32
      %mul3A_1297 = arith.muli %arg1, %mul3A_1296 : i32
      %add3A_1298 = arith.addi %add3A_1295, %mul3A_1297 : i32
      %rem3A_1299 = arith.constant 200 : i32
      %rem3A_1300 = arith.remsi %add3A_1298, %rem3A_1299 : i32
      %dma_wait3A_1301 = arith.constant 0 : i32
      %dma_wait3A_1302 = arith.constant 0 : i32
      %dma_wait3A_1303 = tpu.memref_slice %arg10[%dma_wait3A_1301, %dma_wait3A_1302] : memref<128x128xf32, #tpu.memory_space<vmem>> -> memref<64x128xf32, #tpu.memory_space<vmem>>
      %dma_wait3A_1304 = arith.constant 0 : i32
      %dma_wait3A_1305 = tpu.memref_slice %arg6[%rem3A_1300, %dma_wait3A_1304] : memref<200x128xi32, #tpu.memory_space<vmem>> -> memref<1x64xi32, #tpu.memory_space<vmem>>
      %dma_wait3A_1306 = tpu.memref_squeeze %dma_wait3A_1305 : memref<1x64xi32, #tpu.memory_space<vmem>> -> memref<64xi32, #tpu.memory_space<vmem>>
      %dma_wait3A_1307 = arith.constant 0 : i32
      %dma_wait3A_1308 = arith.constant 0 : i32
      %dma_wait3A_1309 = tpu.memref_slice %arg3[%dma_wait3A_1307, %dma_wait3A_1308] : memref<100000x128xf32, #tpu.memory_space<hbm>> -> memref<100000x128xf32, #tpu.memory_space<hbm>>
      tpu.wait_indirect_dma semaphore(%arg15 : memref<!tpu.dma_semaphore, #tpu.memory_space<semaphore_mem>>) src(%dma_wait3A_1309 : memref<100000x128xf32, #tpu.memory_space<hbm>>) dst(%dma_wait3A_1303 : memref<64x128xf32, #tpu.memory_space<vmem>>)
      %dma_wait3A_1310 = arith.constant 64 : i32
      %dma_wait3A_1311 = arith.constant 0 : i32
      %dma_wait3A_1312 = tpu.memref_slice %arg10[%dma_wait3A_1310, %dma_wait3A_1311] : memref<128x128xf32, #tpu.memory_space<vmem>> -> memref<64x128xf32, #tpu.memory_space<vmem>>
      %dma_wait3A_1313 = arith.constant 64 : i32
      %dma_wait3A_1314 = tpu.memref_slice %arg6[%rem3A_1300, %dma_wait3A_1313] : memref<200x128xi32, #tpu.memory_space<vmem>> -> memref<1x64xi32, #tpu.memory_space<vmem>>
      %dma_wait3A_1315 = tpu.memref_squeeze %dma_wait3A_1314 : memref<1x64xi32, #tpu.memory_space<vmem>> -> memref<64xi32, #tpu.memory_space<vmem>>
      %dma_wait3A_1316 = arith.constant 0 : i32
      %dma_wait3A_1317 = arith.constant 0 : i32
      %dma_wait3A_1318 = tpu.memref_slice %arg3[%dma_wait3A_1316, %dma_wait3A_1317] : memref<100000x128xf32, #tpu.memory_space<hbm>> -> memref<100000x128xf32, #tpu.memory_space<hbm>>
      tpu.wait_indirect_dma semaphore(%arg15 : memref<!tpu.dma_semaphore, #tpu.memory_space<semaphore_mem>>) src(%dma_wait3A_1318 : memref<100000x128xf32, #tpu.memory_space<hbm>>) dst(%dma_wait3A_1312 : memref<64x128xf32, #tpu.memory_space<vmem>>)
      %add3A_1319 = arith.constant 2 : i32
      %add3A_1320 = arith.addi %add3A_1295, %add3A_1319 : i32
      %mul3A_1321 = arith.constant 13 : i32
      %mul3A_1322 = arith.muli %arg1, %mul3A_1321 : i32
      %add3A_1323 = arith.addi %add3A_1320, %mul3A_1322 : i32
      %rem3A_1324 = arith.constant 200 : i32
      %rem3A_1325 = arith.remsi %add3A_1323, %rem3A_1324 : i32
      %mul3A_1326 = arith.constant 128 : i32
      %mul3A_1327 = arith.muli %rem3A_1325, %mul3A_1326 : i32
      %rem3A_1328 = arith.constant 200 : i32
      %rem3A_1329 = arith.remsi %mul3A_1327, %rem3A_1328 : i32
      %multiple_of3A_1330 = tpu.assume_multiple %rem3A_1329, 8 : i32
      %dma_wait3A_1331 = arith.constant 0 : i32
      %dma_wait3A_1332 = tpu.memref_slice %arg7[%multiple_of3A_1330, %dma_wait3A_1331] : memref<328x128xf32, #tpu.memory_space<vmem_shared>> -> memref<128x128xf32, #tpu.memory_space<vmem_shared>>
      %dma_wait3A_1333 = arith.constant 0 : i32
      %dma_wait3A_1334 = tpu.memref_slice %arg7[%multiple_of3A_1330, %dma_wait3A_1333] : memref<328x128xf32, #tpu.memory_space<vmem_shared>> -> memref<128x128xf32, #tpu.memory_space<vmem_shared>>
      tpu.wait_dma2 semaphore(%arg27 : memref<!tpu.dma_semaphore, #tpu.memory_space<semaphore_mem>>) src(%dma_wait3A_1334 : memref<128x128xf32, #tpu.memory_space<vmem_shared>>) dst(%arg12 : memref<128x128xf32, #tpu.memory_space<vmem>>)
      %add3A_1335 = arith.constant 2 : i32
      %add3A_1336 = arith.addi %add3A_1295, %add3A_1335 : i32
      %mul3A_1337 = arith.constant 13 : i32
      %mul3A_1338 = arith.muli %arg1, %mul3A_1337 : i32
      %add3A_1339 = arith.addi %add3A_1336, %mul3A_1338 : i32
      %rem3A_1340 = arith.constant 200 : i32
      %rem3A_1341 = arith.remsi %add3A_1339, %rem3A_1340 : i32
      %dma_start3A_1342 = arith.constant 0 : i32
      %dma_start3A_1343 = arith.constant 0 : i32
      %dma_start3A_1344 = tpu.memref_slice %arg12[%dma_start3A_1342, %dma_start3A_1343] : memref<128x128xf32, #tpu.memory_space<vmem>> -> memref<64x128xf32, #tpu.memory_space<vmem>>
      %dma_start3A_1345 = arith.constant 0 : i32
      %dma_start3A_1346 = tpu.memref_slice %arg6[%rem3A_1341, %dma_start3A_1345] : memref<200x128xi32, #tpu.memory_space<vmem>> -> memref<1x64xi32, #tpu.memory_space<vmem>>
      %dma_start3A_1347 = tpu.memref_squeeze %dma_start3A_1346 : memref<1x64xi32, #tpu.memory_space<vmem>> -> memref<64xi32, #tpu.memory_space<vmem>>
      %dma_start3A_1348 = arith.constant 0 : i32
      %dma_start3A_1349 = arith.constant 0 : i32
      %dma_start3A_1350 = tpu.memref_slice %arg3[%dma_start3A_1348, %dma_start3A_1349] : memref<100000x128xf32, #tpu.memory_space<hbm>> -> memref<100000x128xf32, #tpu.memory_space<hbm>>
      tpu.enqueue_indirect_dma source(%dma_start3A_1350 : memref<100000x128xf32, #tpu.memory_space<hbm>>) target(%dma_start3A_1344 : memref<64x128xf32, #tpu.memory_space<vmem>>) offsets(%dma_start3A_1347 : memref<64xi32, #tpu.memory_space<vmem>>) semaphore(%arg17 : memref<!tpu.dma_semaphore, #tpu.memory_space<semaphore_mem>>) {add = true}
      %dma_start3A_1351 = arith.constant 64 : i32
      %dma_start3A_1352 = arith.constant 0 : i32
      %dma_start3A_1353 = tpu.memref_slice %arg12[%dma_start3A_1351, %dma_start3A_1352] : memref<128x128xf32, #tpu.memory_space<vmem>> -> memref<64x128xf32, #tpu.memory_space<vmem>>
      %dma_start3A_1354 = arith.constant 64 : i32
      %dma_start3A_1355 = tpu.memref_slice %arg6[%rem3A_1341, %dma_start3A_1354] : memref<200x128xi32, #tpu.memory_space<vmem>> -> memref<1x64xi32, #tpu.memory_space<vmem>>
      %dma_start3A_1356 = tpu.memref_squeeze %dma_start3A_1355 : memref<1x64xi32, #tpu.memory_space<vmem>> -> memref<64xi32, #tpu.memory_space<vmem>>
      %dma_start3A_1357 = arith.constant 0 : i32
      %dma_start3A_1358 = arith.constant 0 : i32
      %dma_start3A_1359 = tpu.memref_slice %arg3[%dma_start3A_1357, %dma_start3A_1358] : memref<100000x128xf32, #tpu.memory_space<hbm>> -> memref<100000x128xf32, #tpu.memory_space<hbm>>
      tpu.enqueue_indirect_dma source(%dma_start3A_1359 : memref<100000x128xf32, #tpu.memory_space<hbm>>) target(%dma_start3A_1353 : memref<64x128xf32, #tpu.memory_space<vmem>>) offsets(%dma_start3A_1356 : memref<64xi32, #tpu.memory_space<vmem>>) semaphore(%arg17 : memref<!tpu.dma_semaphore, #tpu.memory_space<semaphore_mem>>) {add = true}
      %mul3A_1360 = arith.constant 13 : i32
      %mul3A_1361 = arith.muli %arg1, %mul3A_1360 : i32
      %add3A_1362 = arith.addi %add3A_1295, %mul3A_1361 : i32
      %rem3A_1363 = arith.constant 200 : i32
      %rem3A_1364 = arith.remsi %add3A_1362, %rem3A_1363 : i32
      %mul3A_1365 = arith.constant 128 : i32
      %mul3A_1366 = arith.muli %rem3A_1364, %mul3A_1365 : i32
      %add3A_1367 = arith.addi %mul3A_2, %mul3A_1366 : i32
      %multiple_of3A_1368 = tpu.assume_multiple %add3A_1367, 8 : i32
      %dma_start3A_1369 = arith.constant 0 : i32
      %dma_start3A_1370 = tpu.memref_slice %arg5[%multiple_of3A_1368, %dma_start3A_1369] : memref<819200x128xf32, #tpu.memory_space<hbm>> -> memref<128x128xf32, #tpu.memory_space<hbm>>
      %dma_start3A_1371 = arith.constant 0 : i32
      %dma_start3A_1372 = tpu.memref_slice %arg5[%multiple_of3A_1368, %dma_start3A_1371] : memref<819200x128xf32, #tpu.memory_space<hbm>> -> memref<128x128xf32, #tpu.memory_space<hbm>>
      tpu.enqueue_dma source(%arg10 : memref<128x128xf32, #tpu.memory_space<vmem>>) target(%dma_start3A_1372 : memref<128x128xf32, #tpu.memory_space<hbm>>) target_semaphore(%arg20 : memref<!tpu.dma_semaphore, #tpu.memory_space<semaphore_mem>>)
      %sub3A_1373 = arith.constant 2 : i32
      %sub3A_1374 = arith.subi %add3A_1295, %sub3A_1373 : i32
      %mul3A_1375 = arith.constant 13 : i32
      %mul3A_1376 = arith.muli %arg1, %mul3A_1375 : i32
      %add3A_1377 = arith.addi %sub3A_1374, %mul3A_1376 : i32
      %rem3A_1378 = arith.constant 200 : i32
      %rem3A_1379 = arith.remsi %add3A_1377, %rem3A_1378 : i32
      %mul3A_1380 = arith.constant 128 : i32
      %mul3A_1381 = arith.muli %rem3A_1379, %mul3A_1380 : i32
      %add3A_1382 = arith.addi %mul3A_2, %mul3A_1381 : i32
      %multiple_of3A_1383 = tpu.assume_multiple %add3A_1382, 8 : i32
      %dma_wait3A_1384 = arith.constant 0 : i32
      %dma_wait3A_1385 = tpu.memref_slice %arg5[%multiple_of3A_1383, %dma_wait3A_1384] : memref<819200x128xf32, #tpu.memory_space<hbm>> -> memref<128x128xf32, #tpu.memory_space<hbm>>
      %dma_wait3A_1386 = arith.constant 0 : i32
      %dma_wait3A_1387 = tpu.memref_slice %arg5[%multiple_of3A_1383, %dma_wait3A_1386] : memref<819200x128xf32, #tpu.memory_space<hbm>> -> memref<128x128xf32, #tpu.memory_space<hbm>>
      tpu.wait_dma2 semaphore(%arg18 : memref<!tpu.dma_semaphore, #tpu.memory_space<semaphore_mem>>) src(%arg8 : memref<128x128xf32, #tpu.memory_space<vmem>>) dst(%dma_wait3A_1387 : memref<128x128xf32, #tpu.memory_space<hbm>>)
      %add3A_1388 = arith.constant 3 : i32
      %add3A_1389 = arith.addi %add3A_1295, %add3A_1388 : i32
      %mul3A_1390 = arith.constant 13 : i32
      %mul3A_1391 = arith.muli %arg1, %mul3A_1390 : i32
      %add3A_1392 = arith.addi %add3A_1389, %mul3A_1391 : i32
      %rem3A_1393 = arith.constant 200 : i32
      %rem3A_1394 = arith.remsi %add3A_1392, %rem3A_1393 : i32
      %mul3A_1395 = arith.constant 128 : i32
      %mul3A_1396 = arith.muli %rem3A_1394, %mul3A_1395 : i32
      %rem3A_1397 = arith.constant 200 : i32
      %rem3A_1398 = arith.remsi %mul3A_1396, %rem3A_1397 : i32
      %multiple_of3A_1399 = tpu.assume_multiple %rem3A_1398, 8 : i32
      %dma_start3A_1400 = arith.constant 0 : i32
      %dma_start3A_1401 = tpu.memref_slice %arg7[%multiple_of3A_1399, %dma_start3A_1400] : memref<328x128xf32, #tpu.memory_space<vmem_shared>> -> memref<128x128xf32, #tpu.memory_space<vmem_shared>>
      %dma_start3A_1402 = arith.constant 0 : i32
      %dma_start3A_1403 = tpu.memref_slice %arg7[%multiple_of3A_1399, %dma_start3A_1402] : memref<328x128xf32, #tpu.memory_space<vmem_shared>> -> memref<128x128xf32, #tpu.memory_space<vmem_shared>>
      tpu.enqueue_dma source(%dma_start3A_1403 : memref<128x128xf32, #tpu.memory_space<vmem_shared>>) target(%arg8 : memref<128x128xf32, #tpu.memory_space<vmem>>) target_semaphore(%arg23 : memref<!tpu.dma_semaphore, #tpu.memory_space<semaphore_mem>>)
      %mul3A_1404 = arith.constant 5 : i32
      %mul3A_1405 = arith.muli %mul3A_1404, %scan3A_1067 : i32
      %add3A_1406 = arith.constant 3 : i32
      %add3A_1407 = arith.addi %mul3A_1405, %add3A_1406 : i32
      %mul3A_1408 = arith.constant 13 : i32
      %mul3A_1409 = arith.muli %arg1, %mul3A_1408 : i32
      %add3A_1410 = arith.addi %add3A_1407, %mul3A_1409 : i32
      %rem3A_1411 = arith.constant 200 : i32
      %rem3A_1412 = arith.remsi %add3A_1410, %rem3A_1411 : i32
      %dma_wait3A_1413 = arith.constant 0 : i32
      %dma_wait3A_1414 = arith.constant 0 : i32
      %dma_wait3A_1415 = tpu.memref_slice %arg11[%dma_wait3A_1413, %dma_wait3A_1414] : memref<128x128xf32, #tpu.memory_space<vmem>> -> memref<64x128xf32, #tpu.memory_space<vmem>>
      %dma_wait3A_1416 = arith.constant 0 : i32
      %dma_wait3A_1417 = tpu.memref_slice %arg6[%rem3A_1412, %dma_wait3A_1416] : memref<200x128xi32, #tpu.memory_space<vmem>> -> memref<1x64xi32, #tpu.memory_space<vmem>>
      %dma_wait3A_1418 = tpu.memref_squeeze %dma_wait3A_1417 : memref<1x64xi32, #tpu.memory_space<vmem>> -> memref<64xi32, #tpu.memory_space<vmem>>
      %dma_wait3A_1419 = arith.constant 0 : i32
      %dma_wait3A_1420 = arith.constant 0 : i32
      %dma_wait3A_1421 = tpu.memref_slice %arg3[%dma_wait3A_1419, %dma_wait3A_1420] : memref<100000x128xf32, #tpu.memory_space<hbm>> -> memref<100000x128xf32, #tpu.memory_space<hbm>>
      tpu.wait_indirect_dma semaphore(%arg16 : memref<!tpu.dma_semaphore, #tpu.memory_space<semaphore_mem>>) src(%dma_wait3A_1421 : memref<100000x128xf32, #tpu.memory_space<hbm>>) dst(%dma_wait3A_1415 : memref<64x128xf32, #tpu.memory_space<vmem>>)
      %dma_wait3A_1422 = arith.constant 64 : i32
      %dma_wait3A_1423 = arith.constant 0 : i32
      %dma_wait3A_1424 = tpu.memref_slice %arg11[%dma_wait3A_1422, %dma_wait3A_1423] : memref<128x128xf32, #tpu.memory_space<vmem>> -> memref<64x128xf32, #tpu.memory_space<vmem>>
      %dma_wait3A_1425 = arith.constant 64 : i32
      %dma_wait3A_1426 = tpu.memref_slice %arg6[%rem3A_1412, %dma_wait3A_1425] : memref<200x128xi32, #tpu.memory_space<vmem>> -> memref<1x64xi32, #tpu.memory_space<vmem>>
      %dma_wait3A_1427 = tpu.memref_squeeze %dma_wait3A_1426 : memref<1x64xi32, #tpu.memory_space<vmem>> -> memref<64xi32, #tpu.memory_space<vmem>>
      %dma_wait3A_1428 = arith.constant 0 : i32
      %dma_wait3A_1429 = arith.constant 0 : i32
      %dma_wait3A_1430 = tpu.memref_slice %arg3[%dma_wait3A_1428, %dma_wait3A_1429] : memref<100000x128xf32, #tpu.memory_space<hbm>> -> memref<100000x128xf32, #tpu.memory_space<hbm>>
      tpu.wait_indirect_dma semaphore(%arg16 : memref<!tpu.dma_semaphore, #tpu.memory_space<semaphore_mem>>) src(%dma_wait3A_1430 : memref<100000x128xf32, #tpu.memory_space<hbm>>) dst(%dma_wait3A_1424 : memref<64x128xf32, #tpu.memory_space<vmem>>)
      %add3A_1431 = arith.constant 2 : i32
      %add3A_1432 = arith.addi %add3A_1407, %add3A_1431 : i32
      %mul3A_1433 = arith.constant 13 : i32
      %mul3A_1434 = arith.muli %arg1, %mul3A_1433 : i32
      %add3A_1435 = arith.addi %add3A_1432, %mul3A_1434 : i32
      %rem3A_1436 = arith.constant 200 : i32
      %rem3A_1437 = arith.remsi %add3A_1435, %rem3A_1436 : i32
      %mul3A_1438 = arith.constant 128 : i32
      %mul3A_1439 = arith.muli %rem3A_1437, %mul3A_1438 : i32
      %rem3A_1440 = arith.constant 200 : i32
      %rem3A_1441 = arith.remsi %mul3A_1439, %rem3A_1440 : i32
      %multiple_of3A_1442 = tpu.assume_multiple %rem3A_1441, 8 : i32
      %dma_wait3A_1443 = arith.constant 0 : i32
      %dma_wait3A_1444 = tpu.memref_slice %arg7[%multiple_of3A_1442, %dma_wait3A_1443] : memref<328x128xf32, #tpu.memory_space<vmem_shared>> -> memref<128x128xf32, #tpu.memory_space<vmem_shared>>
      %dma_wait3A_1445 = arith.constant 0 : i32
      %dma_wait3A_1446 = tpu.memref_slice %arg7[%multiple_of3A_1442, %dma_wait3A_1445] : memref<328x128xf32, #tpu.memory_space<vmem_shared>> -> memref<128x128xf32, #tpu.memory_space<vmem_shared>>
      tpu.wait_dma2 semaphore(%arg23 : memref<!tpu.dma_semaphore, #tpu.memory_space<semaphore_mem>>) src(%dma_wait3A_1446 : memref<128x128xf32, #tpu.memory_space<vmem_shared>>) dst(%arg8 : memref<128x128xf32, #tpu.memory_space<vmem>>)
      %add3A_1447 = arith.constant 2 : i32
      %add3A_1448 = arith.addi %add3A_1407, %add3A_1447 : i32
      %mul3A_1449 = arith.constant 13 : i32
      %mul3A_1450 = arith.muli %arg1, %mul3A_1449 : i32
      %add3A_1451 = arith.addi %add3A_1448, %mul3A_1450 : i32
      %rem3A_1452 = arith.constant 200 : i32
      %rem3A_1453 = arith.remsi %add3A_1451, %rem3A_1452 : i32
      %dma_start3A_1454 = arith.constant 0 : i32
      %dma_start3A_1455 = arith.constant 0 : i32
      %dma_start3A_1456 = tpu.memref_slice %arg8[%dma_start3A_1454, %dma_start3A_1455] : memref<128x128xf32, #tpu.memory_space<vmem>> -> memref<64x128xf32, #tpu.memory_space<vmem>>
      %dma_start3A_1457 = arith.constant 0 : i32
      %dma_start3A_1458 = tpu.memref_slice %arg6[%rem3A_1453, %dma_start3A_1457] : memref<200x128xi32, #tpu.memory_space<vmem>> -> memref<1x64xi32, #tpu.memory_space<vmem>>
      %dma_start3A_1459 = tpu.memref_squeeze %dma_start3A_1458 : memref<1x64xi32, #tpu.memory_space<vmem>> -> memref<64xi32, #tpu.memory_space<vmem>>
      %dma_start3A_1460 = arith.constant 0 : i32
      %dma_start3A_1461 = arith.constant 0 : i32
      %dma_start3A_1462 = tpu.memref_slice %arg3[%dma_start3A_1460, %dma_start3A_1461] : memref<100000x128xf32, #tpu.memory_space<hbm>> -> memref<100000x128xf32, #tpu.memory_space<hbm>>
      tpu.enqueue_indirect_dma source(%dma_start3A_1462 : memref<100000x128xf32, #tpu.memory_space<hbm>>) target(%dma_start3A_1456 : memref<64x128xf32, #tpu.memory_space<vmem>>) offsets(%dma_start3A_1459 : memref<64xi32, #tpu.memory_space<vmem>>) semaphore(%arg13 : memref<!tpu.dma_semaphore, #tpu.memory_space<semaphore_mem>>) {add = true}
      %dma_start3A_1463 = arith.constant 64 : i32
      %dma_start3A_1464 = arith.constant 0 : i32
      %dma_start3A_1465 = tpu.memref_slice %arg8[%dma_start3A_1463, %dma_start3A_1464] : memref<128x128xf32, #tpu.memory_space<vmem>> -> memref<64x128xf32, #tpu.memory_space<vmem>>
      %dma_start3A_1466 = arith.constant 64 : i32
      %dma_start3A_1467 = tpu.memref_slice %arg6[%rem3A_1453, %dma_start3A_1466] : memref<200x128xi32, #tpu.memory_space<vmem>> -> memref<1x64xi32, #tpu.memory_space<vmem>>
      %dma_start3A_1468 = tpu.memref_squeeze %dma_start3A_1467 : memref<1x64xi32, #tpu.memory_space<vmem>> -> memref<64xi32, #tpu.memory_space<vmem>>
      %dma_start3A_1469 = arith.constant 0 : i32
      %dma_start3A_1470 = arith.constant 0 : i32
      %dma_start3A_1471 = tpu.memref_slice %arg3[%dma_start3A_1469, %dma_start3A_1470] : memref<100000x128xf32, #tpu.memory_space<hbm>> -> memref<100000x128xf32, #tpu.memory_space<hbm>>
      tpu.enqueue_indirect_dma source(%dma_start3A_1471 : memref<100000x128xf32, #tpu.memory_space<hbm>>) target(%dma_start3A_1465 : memref<64x128xf32, #tpu.memory_space<vmem>>) offsets(%dma_start3A_1468 : memref<64xi32, #tpu.memory_space<vmem>>) semaphore(%arg13 : memref<!tpu.dma_semaphore, #tpu.memory_space<semaphore_mem>>) {add = true}
      %mul3A_1472 = arith.constant 13 : i32
      %mul3A_1473 = arith.muli %arg1, %mul3A_1472 : i32
      %add3A_1474 = arith.addi %add3A_1407, %mul3A_1473 : i32
      %rem3A_1475 = arith.constant 200 : i32
      %rem3A_1476 = arith.remsi %add3A_1474, %rem3A_1475 : i32
      %mul3A_1477 = arith.constant 128 : i32
      %mul3A_1478 = arith.muli %rem3A_1476, %mul3A_1477 : i32
      %add3A_1479 = arith.addi %mul3A_2, %mul3A_1478 : i32
      %multiple_of3A_1480 = tpu.assume_multiple %add3A_1479, 8 : i32
      %dma_start3A_1481 = arith.constant 0 : i32
      %dma_start3A_1482 = tpu.memref_slice %arg5[%multiple_of3A_1480, %dma_start3A_1481] : memref<819200x128xf32, #tpu.memory_space<hbm>> -> memref<128x128xf32, #tpu.memory_space<hbm>>
      %dma_start3A_1483 = arith.constant 0 : i32
      %dma_start3A_1484 = tpu.memref_slice %arg5[%multiple_of3A_1480, %dma_start3A_1483] : memref<819200x128xf32, #tpu.memory_space<hbm>> -> memref<128x128xf32, #tpu.memory_space<hbm>>
      tpu.enqueue_dma source(%arg11 : memref<128x128xf32, #tpu.memory_space<vmem>>) target(%dma_start3A_1484 : memref<128x128xf32, #tpu.memory_space<hbm>>) target_semaphore(%arg21 : memref<!tpu.dma_semaphore, #tpu.memory_space<semaphore_mem>>)
      %sub3A_1485 = arith.constant 2 : i32
      %sub3A_1486 = arith.subi %add3A_1407, %sub3A_1485 : i32
      %mul3A_1487 = arith.constant 13 : i32
      %mul3A_1488 = arith.muli %arg1, %mul3A_1487 : i32
      %add3A_1489 = arith.addi %sub3A_1486, %mul3A_1488 : i32
      %rem3A_1490 = arith.constant 200 : i32
      %rem3A_1491 = arith.remsi %add3A_1489, %rem3A_1490 : i32
      %mul3A_1492 = arith.constant 128 : i32
      %mul3A_1493 = arith.muli %rem3A_1491, %mul3A_1492 : i32
      %add3A_1494 = arith.addi %mul3A_2, %mul3A_1493 : i32
      %multiple_of3A_1495 = tpu.assume_multiple %add3A_1494, 8 : i32
      %dma_wait3A_1496 = arith.constant 0 : i32
      %dma_wait3A_1497 = tpu.memref_slice %arg5[%multiple_of3A_1495, %dma_wait3A_1496] : memref<819200x128xf32, #tpu.memory_space<hbm>> -> memref<128x128xf32, #tpu.memory_space<hbm>>
      %dma_wait3A_1498 = arith.constant 0 : i32
      %dma_wait3A_1499 = tpu.memref_slice %arg5[%multiple_of3A_1495, %dma_wait3A_1498] : memref<819200x128xf32, #tpu.memory_space<hbm>> -> memref<128x128xf32, #tpu.memory_space<hbm>>
      tpu.wait_dma2 semaphore(%arg19 : memref<!tpu.dma_semaphore, #tpu.memory_space<semaphore_mem>>) src(%arg9 : memref<128x128xf32, #tpu.memory_space<vmem>>) dst(%dma_wait3A_1499 : memref<128x128xf32, #tpu.memory_space<hbm>>)
      %add3A_1500 = arith.constant 3 : i32
      %add3A_1501 = arith.addi %add3A_1407, %add3A_1500 : i32
      %mul3A_1502 = arith.constant 13 : i32
      %mul3A_1503 = arith.muli %arg1, %mul3A_1502 : i32
      %add3A_1504 = arith.addi %add3A_1501, %mul3A_1503 : i32
      %rem3A_1505 = arith.constant 200 : i32
      %rem3A_1506 = arith.remsi %add3A_1504, %rem3A_1505 : i32
      %mul3A_1507 = arith.constant 128 : i32
      %mul3A_1508 = arith.muli %rem3A_1506, %mul3A_1507 : i32
      %rem3A_1509 = arith.constant 200 : i32
      %rem3A_1510 = arith.remsi %mul3A_1508, %rem3A_1509 : i32
      %multiple_of3A_1511 = tpu.assume_multiple %rem3A_1510, 8 : i32
      %dma_start3A_1512 = arith.constant 0 : i32
      %dma_start3A_1513 = tpu.memref_slice %arg7[%multiple_of3A_1511, %dma_start3A_1512] : memref<328x128xf32, #tpu.memory_space<vmem_shared>> -> memref<128x128xf32, #tpu.memory_space<vmem_shared>>
      %dma_start3A_1514 = arith.constant 0 : i32
      %dma_start3A_1515 = tpu.memref_slice %arg7[%multiple_of3A_1511, %dma_start3A_1514] : memref<328x128xf32, #tpu.memory_space<vmem_shared>> -> memref<128x128xf32, #tpu.memory_space<vmem_shared>>
      tpu.enqueue_dma source(%dma_start3A_1515 : memref<128x128xf32, #tpu.memory_space<vmem_shared>>) target(%arg9 : memref<128x128xf32, #tpu.memory_space<vmem>>) target_semaphore(%arg24 : memref<!tpu.dma_semaphore, #tpu.memory_space<semaphore_mem>>)
      %mul3A_1516 = arith.constant 5 : i32
      %mul3A_1517 = arith.muli %mul3A_1516, %scan3A_1067 : i32
      %add3A_1518 = arith.constant 4 : i32
      %add3A_1519 = arith.addi %mul3A_1517, %add3A_1518 : i32
      %mul3A_1520 = arith.constant 13 : i32
      %mul3A_1521 = arith.muli %arg1, %mul3A_1520 : i32
      %add3A_1522 = arith.addi %add3A_1519, %mul3A_1521 : i32
      %rem3A_1523 = arith.constant 200 : i32
      %rem3A_1524 = arith.remsi %add3A_1522, %rem3A_1523 : i32
      %dma_wait3A_1525 = arith.constant 0 : i32
      %dma_wait3A_1526 = arith.constant 0 : i32
      %dma_wait3A_1527 = tpu.memref_slice %arg12[%dma_wait3A_1525, %dma_wait3A_1526] : memref<128x128xf32, #tpu.memory_space<vmem>> -> memref<64x128xf32, #tpu.memory_space<vmem>>
      %dma_wait3A_1528 = arith.constant 0 : i32
      %dma_wait3A_1529 = tpu.memref_slice %arg6[%rem3A_1524, %dma_wait3A_1528] : memref<200x128xi32, #tpu.memory_space<vmem>> -> memref<1x64xi32, #tpu.memory_space<vmem>>
      %dma_wait3A_1530 = tpu.memref_squeeze %dma_wait3A_1529 : memref<1x64xi32, #tpu.memory_space<vmem>> -> memref<64xi32, #tpu.memory_space<vmem>>
      %dma_wait3A_1531 = arith.constant 0 : i32
      %dma_wait3A_1532 = arith.constant 0 : i32
      %dma_wait3A_1533 = tpu.memref_slice %arg3[%dma_wait3A_1531, %dma_wait3A_1532] : memref<100000x128xf32, #tpu.memory_space<hbm>> -> memref<100000x128xf32, #tpu.memory_space<hbm>>
      tpu.wait_indirect_dma semaphore(%arg17 : memref<!tpu.dma_semaphore, #tpu.memory_space<semaphore_mem>>) src(%dma_wait3A_1533 : memref<100000x128xf32, #tpu.memory_space<hbm>>) dst(%dma_wait3A_1527 : memref<64x128xf32, #tpu.memory_space<vmem>>)
      %dma_wait3A_1534 = arith.constant 64 : i32
      %dma_wait3A_1535 = arith.constant 0 : i32
      %dma_wait3A_1536 = tpu.memref_slice %arg12[%dma_wait3A_1534, %dma_wait3A_1535] : memref<128x128xf32, #tpu.memory_space<vmem>> -> memref<64x128xf32, #tpu.memory_space<vmem>>
      %dma_wait3A_1537 = arith.constant 64 : i32
      %dma_wait3A_1538 = tpu.memref_slice %arg6[%rem3A_1524, %dma_wait3A_1537] : memref<200x128xi32, #tpu.memory_space<vmem>> -> memref<1x64xi32, #tpu.memory_space<vmem>>
      %dma_wait3A_1539 = tpu.memref_squeeze %dma_wait3A_1538 : memref<1x64xi32, #tpu.memory_space<vmem>> -> memref<64xi32, #tpu.memory_space<vmem>>
      %dma_wait3A_1540 = arith.constant 0 : i32
      %dma_wait3A_1541 = arith.constant 0 : i32
      %dma_wait3A_1542 = tpu.memref_slice %arg3[%dma_wait3A_1540, %dma_wait3A_1541] : memref<100000x128xf32, #tpu.memory_space<hbm>> -> memref<100000x128xf32, #tpu.memory_space<hbm>>
      tpu.wait_indirect_dma semaphore(%arg17 : memref<!tpu.dma_semaphore, #tpu.memory_space<semaphore_mem>>) src(%dma_wait3A_1542 : memref<100000x128xf32, #tpu.memory_space<hbm>>) dst(%dma_wait3A_1536 : memref<64x128xf32, #tpu.memory_space<vmem>>)
      %add3A_1543 = arith.constant 2 : i32
      %add3A_1544 = arith.addi %add3A_1519, %add3A_1543 : i32
      %mul3A_1545 = arith.constant 13 : i32
      %mul3A_1546 = arith.muli %arg1, %mul3A_1545 : i32
      %add3A_1547 = arith.addi %add3A_1544, %mul3A_1546 : i32
      %rem3A_1548 = arith.constant 200 : i32
      %rem3A_1549 = arith.remsi %add3A_1547, %rem3A_1548 : i32
      %mul3A_1550 = arith.constant 128 : i32
      %mul3A_1551 = arith.muli %rem3A_1549, %mul3A_1550 : i32
      %rem3A_1552 = arith.constant 200 : i32
      %rem3A_1553 = arith.remsi %mul3A_1551, %rem3A_1552 : i32
      %multiple_of3A_1554 = tpu.assume_multiple %rem3A_1553, 8 : i32
      %dma_wait3A_1555 = arith.constant 0 : i32
      %dma_wait3A_1556 = tpu.memref_slice %arg7[%multiple_of3A_1554, %dma_wait3A_1555] : memref<328x128xf32, #tpu.memory_space<vmem_shared>> -> memref<128x128xf32, #tpu.memory_space<vmem_shared>>
      %dma_wait3A_1557 = arith.constant 0 : i32
      %dma_wait3A_1558 = tpu.memref_slice %arg7[%multiple_of3A_1554, %dma_wait3A_1557] : memref<328x128xf32, #tpu.memory_space<vmem_shared>> -> memref<128x128xf32, #tpu.memory_space<vmem_shared>>
      tpu.wait_dma2 semaphore(%arg24 : memref<!tpu.dma_semaphore, #tpu.memory_space<semaphore_mem>>) src(%dma_wait3A_1558 : memref<128x128xf32, #tpu.memory_space<vmem_shared>>) dst(%arg9 : memref<128x128xf32, #tpu.memory_space<vmem>>)
      %add3A_1559 = arith.constant 2 : i32
      %add3A_1560 = arith.addi %add3A_1519, %add3A_1559 : i32
      %mul3A_1561 = arith.constant 13 : i32
      %mul3A_1562 = arith.muli %arg1, %mul3A_1561 : i32
      %add3A_1563 = arith.addi %add3A_1560, %mul3A_1562 : i32
      %rem3A_1564 = arith.constant 200 : i32
      %rem3A_1565 = arith.remsi %add3A_1563, %rem3A_1564 : i32
      %dma_start3A_1566 = arith.constant 0 : i32
      %dma_start3A_1567 = arith.constant 0 : i32
      %dma_start3A_1568 = tpu.memref_slice %arg9[%dma_start3A_1566, %dma_start3A_1567] : memref<128x128xf32, #tpu.memory_space<vmem>> -> memref<64x128xf32, #tpu.memory_space<vmem>>
      %dma_start3A_1569 = arith.constant 0 : i32
      %dma_start3A_1570 = tpu.memref_slice %arg6[%rem3A_1565, %dma_start3A_1569] : memref<200x128xi32, #tpu.memory_space<vmem>> -> memref<1x64xi32, #tpu.memory_space<vmem>>
      %dma_start3A_1571 = tpu.memref_squeeze %dma_start3A_1570 : memref<1x64xi32, #tpu.memory_space<vmem>> -> memref<64xi32, #tpu.memory_space<vmem>>
      %dma_start3A_1572 = arith.constant 0 : i32
      %dma_start3A_1573 = arith.constant 0 : i32
      %dma_start3A_1574 = tpu.memref_slice %arg3[%dma_start3A_1572, %dma_start3A_1573] : memref<100000x128xf32, #tpu.memory_space<hbm>> -> memref<100000x128xf32, #tpu.memory_space<hbm>>
      tpu.enqueue_indirect_dma source(%dma_start3A_1574 : memref<100000x128xf32, #tpu.memory_space<hbm>>) target(%dma_start3A_1568 : memref<64x128xf32, #tpu.memory_space<vmem>>) offsets(%dma_start3A_1571 : memref<64xi32, #tpu.memory_space<vmem>>) semaphore(%arg14 : memref<!tpu.dma_semaphore, #tpu.memory_space<semaphore_mem>>) {add = true}
      %dma_start3A_1575 = arith.constant 64 : i32
      %dma_start3A_1576 = arith.constant 0 : i32
      %dma_start3A_1577 = tpu.memref_slice %arg9[%dma_start3A_1575, %dma_start3A_1576] : memref<128x128xf32, #tpu.memory_space<vmem>> -> memref<64x128xf32, #tpu.memory_space<vmem>>
      %dma_start3A_1578 = arith.constant 64 : i32
      %dma_start3A_1579 = tpu.memref_slice %arg6[%rem3A_1565, %dma_start3A_1578] : memref<200x128xi32, #tpu.memory_space<vmem>> -> memref<1x64xi32, #tpu.memory_space<vmem>>
      %dma_start3A_1580 = tpu.memref_squeeze %dma_start3A_1579 : memref<1x64xi32, #tpu.memory_space<vmem>> -> memref<64xi32, #tpu.memory_space<vmem>>
      %dma_start3A_1581 = arith.constant 0 : i32
      %dma_start3A_1582 = arith.constant 0 : i32
      %dma_start3A_1583 = tpu.memref_slice %arg3[%dma_start3A_1581, %dma_start3A_1582] : memref<100000x128xf32, #tpu.memory_space<hbm>> -> memref<100000x128xf32, #tpu.memory_space<hbm>>
      tpu.enqueue_indirect_dma source(%dma_start3A_1583 : memref<100000x128xf32, #tpu.memory_space<hbm>>) target(%dma_start3A_1577 : memref<64x128xf32, #tpu.memory_space<vmem>>) offsets(%dma_start3A_1580 : memref<64xi32, #tpu.memory_space<vmem>>) semaphore(%arg14 : memref<!tpu.dma_semaphore, #tpu.memory_space<semaphore_mem>>) {add = true}
      %mul3A_1584 = arith.constant 13 : i32
      %mul3A_1585 = arith.muli %arg1, %mul3A_1584 : i32
      %add3A_1586 = arith.addi %add3A_1519, %mul3A_1585 : i32
      %rem3A_1587 = arith.constant 200 : i32
      %rem3A_1588 = arith.remsi %add3A_1586, %rem3A_1587 : i32
      %mul3A_1589 = arith.constant 128 : i32
      %mul3A_1590 = arith.muli %rem3A_1588, %mul3A_1589 : i32
      %add3A_1591 = arith.addi %mul3A_2, %mul3A_1590 : i32
      %multiple_of3A_1592 = tpu.assume_multiple %add3A_1591, 8 : i32
      %dma_start3A_1593 = arith.constant 0 : i32
      %dma_start3A_1594 = tpu.memref_slice %arg5[%multiple_of3A_1592, %dma_start3A_1593] : memref<819200x128xf32, #tpu.memory_space<hbm>> -> memref<128x128xf32, #tpu.memory_space<hbm>>
      %dma_start3A_1595 = arith.constant 0 : i32
      %dma_start3A_1596 = tpu.memref_slice %arg5[%multiple_of3A_1592, %dma_start3A_1595] : memref<819200x128xf32, #tpu.memory_space<hbm>> -> memref<128x128xf32, #tpu.memory_space<hbm>>
      tpu.enqueue_dma source(%arg12 : memref<128x128xf32, #tpu.memory_space<vmem>>) target(%dma_start3A_1596 : memref<128x128xf32, #tpu.memory_space<hbm>>) target_semaphore(%arg22 : memref<!tpu.dma_semaphore, #tpu.memory_space<semaphore_mem>>)
      %sub3A_1597 = arith.constant 2 : i32
      %sub3A_1598 = arith.subi %add3A_1519, %sub3A_1597 : i32
      %mul3A_1599 = arith.constant 13 : i32
      %mul3A_1600 = arith.muli %arg1, %mul3A_1599 : i32
      %add3A_1601 = arith.addi %sub3A_1598, %mul3A_1600 : i32
      %rem3A_1602 = arith.constant 200 : i32
      %rem3A_1603 = arith.remsi %add3A_1601, %rem3A_1602 : i32
      %mul3A_1604 = arith.constant 128 : i32
      %mul3A_1605 = arith.muli %rem3A_1603, %mul3A_1604 : i32
      %add3A_1606 = arith.addi %mul3A_2, %mul3A_1605 : i32
      %multiple_of3A_1607 = tpu.assume_multiple %add3A_1606, 8 : i32
      %dma_wait3A_1608 = arith.constant 0 : i32
      %dma_wait3A_1609 = tpu.memref_slice %arg5[%multiple_of3A_1607, %dma_wait3A_1608] : memref<819200x128xf32, #tpu.memory_space<hbm>> -> memref<128x128xf32, #tpu.memory_space<hbm>>
      %dma_wait3A_1610 = arith.constant 0 : i32
      %dma_wait3A_1611 = tpu.memref_slice %arg5[%multiple_of3A_1607, %dma_wait3A_1610] : memref<819200x128xf32, #tpu.memory_space<hbm>> -> memref<128x128xf32, #tpu.memory_space<hbm>>
      tpu.wait_dma2 semaphore(%arg20 : memref<!tpu.dma_semaphore, #tpu.memory_space<semaphore_mem>>) src(%arg10 : memref<128x128xf32, #tpu.memory_space<vmem>>) dst(%dma_wait3A_1611 : memref<128x128xf32, #tpu.memory_space<hbm>>)
      %add3A_1612 = arith.constant 3 : i32
      %add3A_1613 = arith.addi %add3A_1519, %add3A_1612 : i32
      %mul3A_1614 = arith.constant 13 : i32
      %mul3A_1615 = arith.muli %arg1, %mul3A_1614 : i32
      %add3A_1616 = arith.addi %add3A_1613, %mul3A_1615 : i32
      %rem3A_1617 = arith.constant 200 : i32
      %rem3A_1618 = arith.remsi %add3A_1616, %rem3A_1617 : i32
      %mul3A_1619 = arith.constant 128 : i32
      %mul3A_1620 = arith.muli %rem3A_1618, %mul3A_1619 : i32
      %rem3A_1621 = arith.constant 200 : i32
      %rem3A_1622 = arith.remsi %mul3A_1620, %rem3A_1621 : i32
      %multiple_of3A_1623 = tpu.assume_multiple %rem3A_1622, 8 : i32
      %dma_start3A_1624 = arith.constant 0 : i32
      %dma_start3A_1625 = tpu.memref_slice %arg7[%multiple_of3A_1623, %dma_start3A_1624] : memref<328x128xf32, #tpu.memory_space<vmem_shared>> -> memref<128x128xf32, #tpu.memory_space<vmem_shared>>
      %dma_start3A_1626 = arith.constant 0 : i32
      %dma_start3A_1627 = tpu.memref_slice %arg7[%multiple_of3A_1623, %dma_start3A_1626] : memref<328x128xf32, #tpu.memory_space<vmem_shared>> -> memref<128x128xf32, #tpu.memory_space<vmem_shared>>
      tpu.enqueue_dma source(%dma_start3A_1627 : memref<128x128xf32, #tpu.memory_space<vmem_shared>>) target(%arg10 : memref<128x128xf32, #tpu.memory_space<vmem>>) target_semaphore(%arg25 : memref<!tpu.dma_semaphore, #tpu.memory_space<semaphore_mem>>)
      %scan3A_1628 = arith.constant 0 : i32
      scf.yield %scan3A_1628 : i32
    }
    %scan3A_631 = arith.constant 38 : i32
    %mul3A_632 = arith.constant 13 : i32
    %mul3A_633 = arith.muli %arg1, %mul3A_632 : i32
    %add3A_634 = arith.constant 195 : i32
    %add3A_635 = arith.addi %add3A_634, %mul3A_633 : i32
    %rem3A_636 = arith.constant 200 : i32
    %rem3A_637 = arith.remsi %add3A_635, %rem3A_636 : i32
    %dma_wait3A_638 = arith.constant 0 : i32
    %dma_wait3A_639 = arith.constant 0 : i32
    %dma_wait3A_640 = tpu.memref_slice %arg8[%dma_wait3A_638, %dma_wait3A_639] : memref<128x128xf32, #tpu.memory_space<vmem>> -> memref<64x128xf32, #tpu.memory_space<vmem>>
    %dma_wait3A_641 = arith.constant 0 : i32
    %dma_wait3A_642 = tpu.memref_slice %arg6[%rem3A_637, %dma_wait3A_641] : memref<200x128xi32, #tpu.memory_space<vmem>> -> memref<1x64xi32, #tpu.memory_space<vmem>>
    %dma_wait3A_643 = tpu.memref_squeeze %dma_wait3A_642 : memref<1x64xi32, #tpu.memory_space<vmem>> -> memref<64xi32, #tpu.memory_space<vmem>>
    %dma_wait3A_644 = arith.constant 0 : i32
    %dma_wait3A_645 = arith.constant 0 : i32
    %dma_wait3A_646 = tpu.memref_slice %arg3[%dma_wait3A_644, %dma_wait3A_645] : memref<100000x128xf32, #tpu.memory_space<hbm>> -> memref<100000x128xf32, #tpu.memory_space<hbm>>
    tpu.wait_indirect_dma semaphore(%arg13 : memref<!tpu.dma_semaphore, #tpu.memory_space<semaphore_mem>>) src(%dma_wait3A_646 : memref<100000x128xf32, #tpu.memory_space<hbm>>) dst(%dma_wait3A_640 : memref<64x128xf32, #tpu.memory_space<vmem>>)
    %dma_wait3A_647 = arith.constant 64 : i32
    %dma_wait3A_648 = arith.constant 0 : i32
    %dma_wait3A_649 = tpu.memref_slice %arg8[%dma_wait3A_647, %dma_wait3A_648] : memref<128x128xf32, #tpu.memory_space<vmem>> -> memref<64x128xf32, #tpu.memory_space<vmem>>
    %dma_wait3A_650 = arith.constant 64 : i32
    %dma_wait3A_651 = tpu.memref_slice %arg6[%rem3A_637, %dma_wait3A_650] : memref<200x128xi32, #tpu.memory_space<vmem>> -> memref<1x64xi32, #tpu.memory_space<vmem>>
    %dma_wait3A_652 = tpu.memref_squeeze %dma_wait3A_651 : memref<1x64xi32, #tpu.memory_space<vmem>> -> memref<64xi32, #tpu.memory_space<vmem>>
    %dma_wait3A_653 = arith.constant 0 : i32
    %dma_wait3A_654 = arith.constant 0 : i32
    %dma_wait3A_655 = tpu.memref_slice %arg3[%dma_wait3A_653, %dma_wait3A_654] : memref<100000x128xf32, #tpu.memory_space<hbm>> -> memref<100000x128xf32, #tpu.memory_space<hbm>>
    tpu.wait_indirect_dma semaphore(%arg13 : memref<!tpu.dma_semaphore, #tpu.memory_space<semaphore_mem>>) src(%dma_wait3A_655 : memref<100000x128xf32, #tpu.memory_space<hbm>>) dst(%dma_wait3A_649 : memref<64x128xf32, #tpu.memory_space<vmem>>)
    %mul3A_656 = arith.constant 13 : i32
    %mul3A_657 = arith.muli %arg1, %mul3A_656 : i32
    %add3A_658 = arith.constant 197 : i32
    %add3A_659 = arith.addi %add3A_658, %mul3A_657 : i32
    %rem3A_660 = arith.constant 200 : i32
    %rem3A_661 = arith.remsi %add3A_659, %rem3A_660 : i32
    %mul3A_662 = arith.constant 128 : i32
    %mul3A_663 = arith.muli %rem3A_661, %mul3A_662 : i32
    %rem3A_664 = arith.constant 200 : i32
    %rem3A_665 = arith.remsi %mul3A_663, %rem3A_664 : i32
    %multiple_of3A_666 = tpu.assume_multiple %rem3A_665, 8 : i32
    %dma_wait3A_667 = arith.constant 0 : i32
    %dma_wait3A_668 = tpu.memref_slice %arg7[%multiple_of3A_666, %dma_wait3A_667] : memref<328x128xf32, #tpu.memory_space<vmem_shared>> -> memref<128x128xf32, #tpu.memory_space<vmem_shared>>
    %dma_wait3A_669 = arith.constant 0 : i32
    %dma_wait3A_670 = tpu.memref_slice %arg7[%multiple_of3A_666, %dma_wait3A_669] : memref<328x128xf32, #tpu.memory_space<vmem_shared>> -> memref<128x128xf32, #tpu.memory_space<vmem_shared>>
    tpu.wait_dma2 semaphore(%arg25 : memref<!tpu.dma_semaphore, #tpu.memory_space<semaphore_mem>>) src(%dma_wait3A_670 : memref<128x128xf32, #tpu.memory_space<vmem_shared>>) dst(%arg10 : memref<128x128xf32, #tpu.memory_space<vmem>>)
    %mul3A_671 = arith.constant 13 : i32
    %mul3A_672 = arith.muli %arg1, %mul3A_671 : i32
    %add3A_673 = arith.constant 197 : i32
    %add3A_674 = arith.addi %add3A_673, %mul3A_672 : i32
    %rem3A_675 = arith.constant 200 : i32
    %rem3A_676 = arith.remsi %add3A_674, %rem3A_675 : i32
    %dma_start3A_677 = arith.constant 0 : i32
    %dma_start3A_678 = arith.constant 0 : i32
    %dma_start3A_679 = tpu.memref_slice %arg10[%dma_start3A_677, %dma_start3A_678] : memref<128x128xf32, #tpu.memory_space<vmem>> -> memref<64x128xf32, #tpu.memory_space<vmem>>
    %dma_start3A_680 = arith.constant 0 : i32
    %dma_start3A_681 = tpu.memref_slice %arg6[%rem3A_676, %dma_start3A_680] : memref<200x128xi32, #tpu.memory_space<vmem>> -> memref<1x64xi32, #tpu.memory_space<vmem>>
    %dma_start3A_682 = tpu.memref_squeeze %dma_start3A_681 : memref<1x64xi32, #tpu.memory_space<vmem>> -> memref<64xi32, #tpu.memory_space<vmem>>
    %dma_start3A_683 = arith.constant 0 : i32
    %dma_start3A_684 = arith.constant 0 : i32
    %dma_start3A_685 = tpu.memref_slice %arg3[%dma_start3A_683, %dma_start3A_684] : memref<100000x128xf32, #tpu.memory_space<hbm>> -> memref<100000x128xf32, #tpu.memory_space<hbm>>
    tpu.enqueue_indirect_dma source(%dma_start3A_685 : memref<100000x128xf32, #tpu.memory_space<hbm>>) target(%dma_start3A_679 : memref<64x128xf32, #tpu.memory_space<vmem>>) offsets(%dma_start3A_682 : memref<64xi32, #tpu.memory_space<vmem>>) semaphore(%arg15 : memref<!tpu.dma_semaphore, #tpu.memory_space<semaphore_mem>>) {add = true}
    %dma_start3A_686 = arith.constant 64 : i32
    %dma_start3A_687 = arith.constant 0 : i32
    %dma_start3A_688 = tpu.memref_slice %arg10[%dma_start3A_686, %dma_start3A_687] : memref<128x128xf32, #tpu.memory_space<vmem>> -> memref<64x128xf32, #tpu.memory_space<vmem>>
    %dma_start3A_689 = arith.constant 64 : i32
    %dma_start3A_690 = tpu.memref_slice %arg6[%rem3A_676, %dma_start3A_689] : memref<200x128xi32, #tpu.memory_space<vmem>> -> memref<1x64xi32, #tpu.memory_space<vmem>>
    %dma_start3A_691 = tpu.memref_squeeze %dma_start3A_690 : memref<1x64xi32, #tpu.memory_space<vmem>> -> memref<64xi32, #tpu.memory_space<vmem>>
    %dma_start3A_692 = arith.constant 0 : i32
    %dma_start3A_693 = arith.constant 0 : i32
    %dma_start3A_694 = tpu.memref_slice %arg3[%dma_start3A_692, %dma_start3A_693] : memref<100000x128xf32, #tpu.memory_space<hbm>> -> memref<100000x128xf32, #tpu.memory_space<hbm>>
    tpu.enqueue_indirect_dma source(%dma_start3A_694 : memref<100000x128xf32, #tpu.memory_space<hbm>>) target(%dma_start3A_688 : memref<64x128xf32, #tpu.memory_space<vmem>>) offsets(%dma_start3A_691 : memref<64xi32, #tpu.memory_space<vmem>>) semaphore(%arg15 : memref<!tpu.dma_semaphore, #tpu.memory_space<semaphore_mem>>) {add = true}
    %mul3A_695 = arith.constant 13 : i32
    %mul3A_696 = arith.muli %arg1, %mul3A_695 : i32
    %add3A_697 = arith.constant 195 : i32
    %add3A_698 = arith.addi %add3A_697, %mul3A_696 : i32
    %rem3A_699 = arith.constant 200 : i32
    %rem3A_700 = arith.remsi %add3A_698, %rem3A_699 : i32
    %mul3A_701 = arith.constant 128 : i32
    %mul3A_702 = arith.muli %rem3A_700, %mul3A_701 : i32
    %add3A_703 = arith.addi %mul3A_2, %mul3A_702 : i32
    %multiple_of3A_704 = tpu.assume_multiple %add3A_703, 8 : i32
    %dma_start3A_705 = arith.constant 0 : i32
    %dma_start3A_706 = tpu.memref_slice %arg5[%multiple_of3A_704, %dma_start3A_705] : memref<819200x128xf32, #tpu.memory_space<hbm>> -> memref<128x128xf32, #tpu.memory_space<hbm>>
    %dma_start3A_707 = arith.constant 0 : i32
    %dma_start3A_708 = tpu.memref_slice %arg5[%multiple_of3A_704, %dma_start3A_707] : memref<819200x128xf32, #tpu.memory_space<hbm>> -> memref<128x128xf32, #tpu.memory_space<hbm>>
    tpu.enqueue_dma source(%arg8 : memref<128x128xf32, #tpu.memory_space<vmem>>) target(%dma_start3A_708 : memref<128x128xf32, #tpu.memory_space<hbm>>) target_semaphore(%arg18 : memref<!tpu.dma_semaphore, #tpu.memory_space<semaphore_mem>>)
    %mul3A_709 = arith.constant 13 : i32
    %mul3A_710 = arith.muli %arg1, %mul3A_709 : i32
    %add3A_711 = arith.constant 193 : i32
    %add3A_712 = arith.addi %add3A_711, %mul3A_710 : i32
    %rem3A_713 = arith.constant 200 : i32
    %rem3A_714 = arith.remsi %add3A_712, %rem3A_713 : i32
    %mul3A_715 = arith.constant 128 : i32
    %mul3A_716 = arith.muli %rem3A_714, %mul3A_715 : i32
    %add3A_717 = arith.addi %mul3A_2, %mul3A_716 : i32
    %multiple_of3A_718 = tpu.assume_multiple %add3A_717, 8 : i32
    %dma_wait3A_719 = arith.constant 0 : i32
    %dma_wait3A_720 = tpu.memref_slice %arg5[%multiple_of3A_718, %dma_wait3A_719] : memref<819200x128xf32, #tpu.memory_space<hbm>> -> memref<128x128xf32, #tpu.memory_space<hbm>>
    %dma_wait3A_721 = arith.constant 0 : i32
    %dma_wait3A_722 = tpu.memref_slice %arg5[%multiple_of3A_718, %dma_wait3A_721] : memref<819200x128xf32, #tpu.memory_space<hbm>> -> memref<128x128xf32, #tpu.memory_space<hbm>>
    tpu.wait_dma2 semaphore(%arg21 : memref<!tpu.dma_semaphore, #tpu.memory_space<semaphore_mem>>) src(%arg11 : memref<128x128xf32, #tpu.memory_space<vmem>>) dst(%dma_wait3A_722 : memref<128x128xf32, #tpu.memory_space<hbm>>)
    %mul3A_723 = arith.constant 13 : i32
    %mul3A_724 = arith.muli %arg1, %mul3A_723 : i32
    %add3A_725 = arith.constant 198 : i32
    %add3A_726 = arith.addi %add3A_725, %mul3A_724 : i32
    %rem3A_727 = arith.constant 200 : i32
    %rem3A_728 = arith.remsi %add3A_726, %rem3A_727 : i32
    %mul3A_729 = arith.constant 128 : i32
    %mul3A_730 = arith.muli %rem3A_728, %mul3A_729 : i32
    %rem3A_731 = arith.constant 200 : i32
    %rem3A_732 = arith.remsi %mul3A_730, %rem3A_731 : i32
    %multiple_of3A_733 = tpu.assume_multiple %rem3A_732, 8 : i32
    %dma_start3A_734 = arith.constant 0 : i32
    %dma_start3A_735 = tpu.memref_slice %arg7[%multiple_of3A_733, %dma_start3A_734] : memref<328x128xf32, #tpu.memory_space<vmem_shared>> -> memref<128x128xf32, #tpu.memory_space<vmem_shared>>
    %dma_start3A_736 = arith.constant 0 : i32
    %dma_start3A_737 = tpu.memref_slice %arg7[%multiple_of3A_733, %dma_start3A_736] : memref<328x128xf32, #tpu.memory_space<vmem_shared>> -> memref<128x128xf32, #tpu.memory_space<vmem_shared>>
    tpu.enqueue_dma source(%dma_start3A_737 : memref<128x128xf32, #tpu.memory_space<vmem_shared>>) target(%arg11 : memref<128x128xf32, #tpu.memory_space<vmem>>) target_semaphore(%arg26 : memref<!tpu.dma_semaphore, #tpu.memory_space<semaphore_mem>>)
    %mul3A_738 = arith.constant 13 : i32
    %mul3A_739 = arith.muli %arg1, %mul3A_738 : i32
    %add3A_740 = arith.constant 196 : i32
    %add3A_741 = arith.addi %add3A_740, %mul3A_739 : i32
    %rem3A_742 = arith.constant 200 : i32
    %rem3A_743 = arith.remsi %add3A_741, %rem3A_742 : i32
    %dma_wait3A_744 = arith.constant 0 : i32
    %dma_wait3A_745 = arith.constant 0 : i32
    %dma_wait3A_746 = tpu.memref_slice %arg9[%dma_wait3A_744, %dma_wait3A_745] : memref<128x128xf32, #tpu.memory_space<vmem>> -> memref<64x128xf32, #tpu.memory_space<vmem>>
    %dma_wait3A_747 = arith.constant 0 : i32
    %dma_wait3A_748 = tpu.memref_slice %arg6[%rem3A_743, %dma_wait3A_747] : memref<200x128xi32, #tpu.memory_space<vmem>> -> memref<1x64xi32, #tpu.memory_space<vmem>>
    %dma_wait3A_749 = tpu.memref_squeeze %dma_wait3A_748 : memref<1x64xi32, #tpu.memory_space<vmem>> -> memref<64xi32, #tpu.memory_space<vmem>>
    %dma_wait3A_750 = arith.constant 0 : i32
    %dma_wait3A_751 = arith.constant 0 : i32
    %dma_wait3A_752 = tpu.memref_slice %arg3[%dma_wait3A_750, %dma_wait3A_751] : memref<100000x128xf32, #tpu.memory_space<hbm>> -> memref<100000x128xf32, #tpu.memory_space<hbm>>
    tpu.wait_indirect_dma semaphore(%arg14 : memref<!tpu.dma_semaphore, #tpu.memory_space<semaphore_mem>>) src(%dma_wait3A_752 : memref<100000x128xf32, #tpu.memory_space<hbm>>) dst(%dma_wait3A_746 : memref<64x128xf32, #tpu.memory_space<vmem>>)
    %dma_wait3A_753 = arith.constant 64 : i32
    %dma_wait3A_754 = arith.constant 0 : i32
    %dma_wait3A_755 = tpu.memref_slice %arg9[%dma_wait3A_753, %dma_wait3A_754] : memref<128x128xf32, #tpu.memory_space<vmem>> -> memref<64x128xf32, #tpu.memory_space<vmem>>
    %dma_wait3A_756 = arith.constant 64 : i32
    %dma_wait3A_757 = tpu.memref_slice %arg6[%rem3A_743, %dma_wait3A_756] : memref<200x128xi32, #tpu.memory_space<vmem>> -> memref<1x64xi32, #tpu.memory_space<vmem>>
    %dma_wait3A_758 = tpu.memref_squeeze %dma_wait3A_757 : memref<1x64xi32, #tpu.memory_space<vmem>> -> memref<64xi32, #tpu.memory_space<vmem>>
    %dma_wait3A_759 = arith.constant 0 : i32
    %dma_wait3A_760 = arith.constant 0 : i32
    %dma_wait3A_761 = tpu.memref_slice %arg3[%dma_wait3A_759, %dma_wait3A_760] : memref<100000x128xf32, #tpu.memory_space<hbm>> -> memref<100000x128xf32, #tpu.memory_space<hbm>>
    tpu.wait_indirect_dma semaphore(%arg14 : memref<!tpu.dma_semaphore, #tpu.memory_space<semaphore_mem>>) src(%dma_wait3A_761 : memref<100000x128xf32, #tpu.memory_space<hbm>>) dst(%dma_wait3A_755 : memref<64x128xf32, #tpu.memory_space<vmem>>)
    %mul3A_762 = arith.constant 13 : i32
    %mul3A_763 = arith.muli %arg1, %mul3A_762 : i32
    %add3A_764 = arith.constant 198 : i32
    %add3A_765 = arith.addi %add3A_764, %mul3A_763 : i32
    %rem3A_766 = arith.constant 200 : i32
    %rem3A_767 = arith.remsi %add3A_765, %rem3A_766 : i32
    %mul3A_768 = arith.constant 128 : i32
    %mul3A_769 = arith.muli %rem3A_767, %mul3A_768 : i32
    %rem3A_770 = arith.constant 200 : i32
    %rem3A_771 = arith.remsi %mul3A_769, %rem3A_770 : i32
    %multiple_of3A_772 = tpu.assume_multiple %rem3A_771, 8 : i32
    %dma_wait3A_773 = arith.constant 0 : i32
    %dma_wait3A_774 = tpu.memref_slice %arg7[%multiple_of3A_772, %dma_wait3A_773] : memref<328x128xf32, #tpu.memory_space<vmem_shared>> -> memref<128x128xf32, #tpu.memory_space<vmem_shared>>
    %dma_wait3A_775 = arith.constant 0 : i32
    %dma_wait3A_776 = tpu.memref_slice %arg7[%multiple_of3A_772, %dma_wait3A_775] : memref<328x128xf32, #tpu.memory_space<vmem_shared>> -> memref<128x128xf32, #tpu.memory_space<vmem_shared>>
    tpu.wait_dma2 semaphore(%arg26 : memref<!tpu.dma_semaphore, #tpu.memory_space<semaphore_mem>>) src(%dma_wait3A_776 : memref<128x128xf32, #tpu.memory_space<vmem_shared>>) dst(%arg11 : memref<128x128xf32, #tpu.memory_space<vmem>>)
    %mul3A_777 = arith.constant 13 : i32
    %mul3A_778 = arith.muli %arg1, %mul3A_777 : i32
    %add3A_779 = arith.constant 198 : i32
    %add3A_780 = arith.addi %add3A_779, %mul3A_778 : i32
    %rem3A_781 = arith.constant 200 : i32
    %rem3A_782 = arith.remsi %add3A_780, %rem3A_781 : i32
    %dma_start3A_783 = arith.constant 0 : i32
    %dma_start3A_784 = arith.constant 0 : i32
    %dma_start3A_785 = tpu.memref_slice %arg11[%dma_start3A_783, %dma_start3A_784] : memref<128x128xf32, #tpu.memory_space<vmem>> -> memref<64x128xf32, #tpu.memory_space<vmem>>
    %dma_start3A_786 = arith.constant 0 : i32
    %dma_start3A_787 = tpu.memref_slice %arg6[%rem3A_782, %dma_start3A_786] : memref<200x128xi32, #tpu.memory_space<vmem>> -> memref<1x64xi32, #tpu.memory_space<vmem>>
    %dma_start3A_788 = tpu.memref_squeeze %dma_start3A_787 : memref<1x64xi32, #tpu.memory_space<vmem>> -> memref<64xi32, #tpu.memory_space<vmem>>
    %dma_start3A_789 = arith.constant 0 : i32
    %dma_start3A_790 = arith.constant 0 : i32
    %dma_start3A_791 = tpu.memref_slice %arg3[%dma_start3A_789, %dma_start3A_790] : memref<100000x128xf32, #tpu.memory_space<hbm>> -> memref<100000x128xf32, #tpu.memory_space<hbm>>
    tpu.enqueue_indirect_dma source(%dma_start3A_791 : memref<100000x128xf32, #tpu.memory_space<hbm>>) target(%dma_start3A_785 : memref<64x128xf32, #tpu.memory_space<vmem>>) offsets(%dma_start3A_788 : memref<64xi32, #tpu.memory_space<vmem>>) semaphore(%arg16 : memref<!tpu.dma_semaphore, #tpu.memory_space<semaphore_mem>>) {add = true}
    %dma_start3A_792 = arith.constant 64 : i32
    %dma_start3A_793 = arith.constant 0 : i32
    %dma_start3A_794 = tpu.memref_slice %arg11[%dma_start3A_792, %dma_start3A_793] : memref<128x128xf32, #tpu.memory_space<vmem>> -> memref<64x128xf32, #tpu.memory_space<vmem>>
    %dma_start3A_795 = arith.constant 64 : i32
    %dma_start3A_796 = tpu.memref_slice %arg6[%rem3A_782, %dma_start3A_795] : memref<200x128xi32, #tpu.memory_space<vmem>> -> memref<1x64xi32, #tpu.memory_space<vmem>>
    %dma_start3A_797 = tpu.memref_squeeze %dma_start3A_796 : memref<1x64xi32, #tpu.memory_space<vmem>> -> memref<64xi32, #tpu.memory_space<vmem>>
    %dma_start3A_798 = arith.constant 0 : i32
    %dma_start3A_799 = arith.constant 0 : i32
    %dma_start3A_800 = tpu.memref_slice %arg3[%dma_start3A_798, %dma_start3A_799] : memref<100000x128xf32, #tpu.memory_space<hbm>> -> memref<100000x128xf32, #tpu.memory_space<hbm>>
    tpu.enqueue_indirect_dma source(%dma_start3A_800 : memref<100000x128xf32, #tpu.memory_space<hbm>>) target(%dma_start3A_794 : memref<64x128xf32, #tpu.memory_space<vmem>>) offsets(%dma_start3A_797 : memref<64xi32, #tpu.memory_space<vmem>>) semaphore(%arg16 : memref<!tpu.dma_semaphore, #tpu.memory_space<semaphore_mem>>) {add = true}
    %mul3A_801 = arith.constant 13 : i32
    %mul3A_802 = arith.muli %arg1, %mul3A_801 : i32
    %add3A_803 = arith.constant 196 : i32
    %add3A_804 = arith.addi %add3A_803, %mul3A_802 : i32
    %rem3A_805 = arith.constant 200 : i32
    %rem3A_806 = arith.remsi %add3A_804, %rem3A_805 : i32
    %mul3A_807 = arith.constant 128 : i32
    %mul3A_808 = arith.muli %rem3A_806, %mul3A_807 : i32
    %add3A_809 = arith.addi %mul3A_2, %mul3A_808 : i32
    %multiple_of3A_810 = tpu.assume_multiple %add3A_809, 8 : i32
    %dma_start3A_811 = arith.constant 0 : i32
    %dma_start3A_812 = tpu.memref_slice %arg5[%multiple_of3A_810, %dma_start3A_811] : memref<819200x128xf32, #tpu.memory_space<hbm>> -> memref<128x128xf32, #tpu.memory_space<hbm>>
    %dma_start3A_813 = arith.constant 0 : i32
    %dma_start3A_814 = tpu.memref_slice %arg5[%multiple_of3A_810, %dma_start3A_813] : memref<819200x128xf32, #tpu.memory_space<hbm>> -> memref<128x128xf32, #tpu.memory_space<hbm>>
    tpu.enqueue_dma source(%arg9 : memref<128x128xf32, #tpu.memory_space<vmem>>) target(%dma_start3A_814 : memref<128x128xf32, #tpu.memory_space<hbm>>) target_semaphore(%arg19 : memref<!tpu.dma_semaphore, #tpu.memory_space<semaphore_mem>>)
    %mul3A_815 = arith.constant 13 : i32
    %mul3A_816 = arith.muli %arg1, %mul3A_815 : i32
    %add3A_817 = arith.constant 194 : i32
    %add3A_818 = arith.addi %add3A_817, %mul3A_816 : i32
    %rem3A_819 = arith.constant 200 : i32
    %rem3A_820 = arith.remsi %add3A_818, %rem3A_819 : i32
    %mul3A_821 = arith.constant 128 : i32
    %mul3A_822 = arith.muli %rem3A_820, %mul3A_821 : i32
    %add3A_823 = arith.addi %mul3A_2, %mul3A_822 : i32
    %multiple_of3A_824 = tpu.assume_multiple %add3A_823, 8 : i32
    %dma_wait3A_825 = arith.constant 0 : i32
    %dma_wait3A_826 = tpu.memref_slice %arg5[%multiple_of3A_824, %dma_wait3A_825] : memref<819200x128xf32, #tpu.memory_space<hbm>> -> memref<128x128xf32, #tpu.memory_space<hbm>>
    %dma_wait3A_827 = arith.constant 0 : i32
    %dma_wait3A_828 = tpu.memref_slice %arg5[%multiple_of3A_824, %dma_wait3A_827] : memref<819200x128xf32, #tpu.memory_space<hbm>> -> memref<128x128xf32, #tpu.memory_space<hbm>>
    tpu.wait_dma2 semaphore(%arg22 : memref<!tpu.dma_semaphore, #tpu.memory_space<semaphore_mem>>) src(%arg12 : memref<128x128xf32, #tpu.memory_space<vmem>>) dst(%dma_wait3A_828 : memref<128x128xf32, #tpu.memory_space<hbm>>)
    %mul3A_829 = arith.constant 13 : i32
    %mul3A_830 = arith.muli %arg1, %mul3A_829 : i32
    %add3A_831 = arith.constant 199 : i32
    %add3A_832 = arith.addi %add3A_831, %mul3A_830 : i32
    %rem3A_833 = arith.constant 200 : i32
    %rem3A_834 = arith.remsi %add3A_832, %rem3A_833 : i32
    %mul3A_835 = arith.constant 128 : i32
    %mul3A_836 = arith.muli %rem3A_834, %mul3A_835 : i32
    %rem3A_837 = arith.constant 200 : i32
    %rem3A_838 = arith.remsi %mul3A_836, %rem3A_837 : i32
    %multiple_of3A_839 = tpu.assume_multiple %rem3A_838, 8 : i32
    %dma_start3A_840 = arith.constant 0 : i32
    %dma_start3A_841 = tpu.memref_slice %arg7[%multiple_of3A_839, %dma_start3A_840] : memref<328x128xf32, #tpu.memory_space<vmem_shared>> -> memref<128x128xf32, #tpu.memory_space<vmem_shared>>
    %dma_start3A_842 = arith.constant 0 : i32
    %dma_start3A_843 = tpu.memref_slice %arg7[%multiple_of3A_839, %dma_start3A_842] : memref<328x128xf32, #tpu.memory_space<vmem_shared>> -> memref<128x128xf32, #tpu.memory_space<vmem_shared>>
    tpu.enqueue_dma source(%dma_start3A_843 : memref<128x128xf32, #tpu.memory_space<vmem_shared>>) target(%arg12 : memref<128x128xf32, #tpu.memory_space<vmem>>) target_semaphore(%arg27 : memref<!tpu.dma_semaphore, #tpu.memory_space<semaphore_mem>>)
    %mul3A_844 = arith.constant 13 : i32
    %mul3A_845 = arith.muli %arg1, %mul3A_844 : i32
    %add3A_846 = arith.constant 197 : i32
    %add3A_847 = arith.addi %add3A_846, %mul3A_845 : i32
    %rem3A_848 = arith.constant 200 : i32
    %rem3A_849 = arith.remsi %add3A_847, %rem3A_848 : i32
    %dma_wait3A_850 = arith.constant 0 : i32
    %dma_wait3A_851 = arith.constant 0 : i32
    %dma_wait3A_852 = tpu.memref_slice %arg10[%dma_wait3A_850, %dma_wait3A_851] : memref<128x128xf32, #tpu.memory_space<vmem>> -> memref<64x128xf32, #tpu.memory_space<vmem>>
    %dma_wait3A_853 = arith.constant 0 : i32
    %dma_wait3A_854 = tpu.memref_slice %arg6[%rem3A_849, %dma_wait3A_853] : memref<200x128xi32, #tpu.memory_space<vmem>> -> memref<1x64xi32, #tpu.memory_space<vmem>>
    %dma_wait3A_855 = tpu.memref_squeeze %dma_wait3A_854 : memref<1x64xi32, #tpu.memory_space<vmem>> -> memref<64xi32, #tpu.memory_space<vmem>>
    %dma_wait3A_856 = arith.constant 0 : i32
    %dma_wait3A_857 = arith.constant 0 : i32
    %dma_wait3A_858 = tpu.memref_slice %arg3[%dma_wait3A_856, %dma_wait3A_857] : memref<100000x128xf32, #tpu.memory_space<hbm>> -> memref<100000x128xf32, #tpu.memory_space<hbm>>
    tpu.wait_indirect_dma semaphore(%arg15 : memref<!tpu.dma_semaphore, #tpu.memory_space<semaphore_mem>>) src(%dma_wait3A_858 : memref<100000x128xf32, #tpu.memory_space<hbm>>) dst(%dma_wait3A_852 : memref<64x128xf32, #tpu.memory_space<vmem>>)
    %dma_wait3A_859 = arith.constant 64 : i32
    %dma_wait3A_860 = arith.constant 0 : i32
    %dma_wait3A_861 = tpu.memref_slice %arg10[%dma_wait3A_859, %dma_wait3A_860] : memref<128x128xf32, #tpu.memory_space<vmem>> -> memref<64x128xf32, #tpu.memory_space<vmem>>
    %dma_wait3A_862 = arith.constant 64 : i32
    %dma_wait3A_863 = tpu.memref_slice %arg6[%rem3A_849, %dma_wait3A_862] : memref<200x128xi32, #tpu.memory_space<vmem>> -> memref<1x64xi32, #tpu.memory_space<vmem>>
    %dma_wait3A_864 = tpu.memref_squeeze %dma_wait3A_863 : memref<1x64xi32, #tpu.memory_space<vmem>> -> memref<64xi32, #tpu.memory_space<vmem>>
    %dma_wait3A_865 = arith.constant 0 : i32
    %dma_wait3A_866 = arith.constant 0 : i32
    %dma_wait3A_867 = tpu.memref_slice %arg3[%dma_wait3A_865, %dma_wait3A_866] : memref<100000x128xf32, #tpu.memory_space<hbm>> -> memref<100000x128xf32, #tpu.memory_space<hbm>>
    tpu.wait_indirect_dma semaphore(%arg15 : memref<!tpu.dma_semaphore, #tpu.memory_space<semaphore_mem>>) src(%dma_wait3A_867 : memref<100000x128xf32, #tpu.memory_space<hbm>>) dst(%dma_wait3A_861 : memref<64x128xf32, #tpu.memory_space<vmem>>)
    %mul3A_868 = arith.constant 13 : i32
    %mul3A_869 = arith.muli %arg1, %mul3A_868 : i32
    %add3A_870 = arith.constant 199 : i32
    %add3A_871 = arith.addi %add3A_870, %mul3A_869 : i32
    %rem3A_872 = arith.constant 200 : i32
    %rem3A_873 = arith.remsi %add3A_871, %rem3A_872 : i32
    %mul3A_874 = arith.constant 128 : i32
    %mul3A_875 = arith.muli %rem3A_873, %mul3A_874 : i32
    %rem3A_876 = arith.constant 200 : i32
    %rem3A_877 = arith.remsi %mul3A_875, %rem3A_876 : i32
    %multiple_of3A_878 = tpu.assume_multiple %rem3A_877, 8 : i32
    %dma_wait3A_879 = arith.constant 0 : i32
    %dma_wait3A_880 = tpu.memref_slice %arg7[%multiple_of3A_878, %dma_wait3A_879] : memref<328x128xf32, #tpu.memory_space<vmem_shared>> -> memref<128x128xf32, #tpu.memory_space<vmem_shared>>
    %dma_wait3A_881 = arith.constant 0 : i32
    %dma_wait3A_882 = tpu.memref_slice %arg7[%multiple_of3A_878, %dma_wait3A_881] : memref<328x128xf32, #tpu.memory_space<vmem_shared>> -> memref<128x128xf32, #tpu.memory_space<vmem_shared>>
    tpu.wait_dma2 semaphore(%arg27 : memref<!tpu.dma_semaphore, #tpu.memory_space<semaphore_mem>>) src(%dma_wait3A_882 : memref<128x128xf32, #tpu.memory_space<vmem_shared>>) dst(%arg12 : memref<128x128xf32, #tpu.memory_space<vmem>>)
    %mul3A_883 = arith.constant 13 : i32
    %mul3A_884 = arith.muli %arg1, %mul3A_883 : i32
    %add3A_885 = arith.constant 199 : i32
    %add3A_886 = arith.addi %add3A_885, %mul3A_884 : i32
    %rem3A_887 = arith.constant 200 : i32
    %rem3A_888 = arith.remsi %add3A_886, %rem3A_887 : i32
    %dma_start3A_889 = arith.constant 0 : i32
    %dma_start3A_890 = arith.constant 0 : i32
    %dma_start3A_891 = tpu.memref_slice %arg12[%dma_start3A_889, %dma_start3A_890] : memref<128x128xf32, #tpu.memory_space<vmem>> -> memref<64x128xf32, #tpu.memory_space<vmem>>
    %dma_start3A_892 = arith.constant 0 : i32
    %dma_start3A_893 = tpu.memref_slice %arg6[%rem3A_888, %dma_start3A_892] : memref<200x128xi32, #tpu.memory_space<vmem>> -> memref<1x64xi32, #tpu.memory_space<vmem>>
    %dma_start3A_894 = tpu.memref_squeeze %dma_start3A_893 : memref<1x64xi32, #tpu.memory_space<vmem>> -> memref<64xi32, #tpu.memory_space<vmem>>
    %dma_start3A_895 = arith.constant 0 : i32
    %dma_start3A_896 = arith.constant 0 : i32
    %dma_start3A_897 = tpu.memref_slice %arg3[%dma_start3A_895, %dma_start3A_896] : memref<100000x128xf32, #tpu.memory_space<hbm>> -> memref<100000x128xf32, #tpu.memory_space<hbm>>
    tpu.enqueue_indirect_dma source(%dma_start3A_897 : memref<100000x128xf32, #tpu.memory_space<hbm>>) target(%dma_start3A_891 : memref<64x128xf32, #tpu.memory_space<vmem>>) offsets(%dma_start3A_894 : memref<64xi32, #tpu.memory_space<vmem>>) semaphore(%arg17 : memref<!tpu.dma_semaphore, #tpu.memory_space<semaphore_mem>>) {add = true}
    %dma_start3A_898 = arith.constant 64 : i32
    %dma_start3A_899 = arith.constant 0 : i32
    %dma_start3A_900 = tpu.memref_slice %arg12[%dma_start3A_898, %dma_start3A_899] : memref<128x128xf32, #tpu.memory_space<vmem>> -> memref<64x128xf32, #tpu.memory_space<vmem>>
    %dma_start3A_901 = arith.constant 64 : i32
    %dma_start3A_902 = tpu.memref_slice %arg6[%rem3A_888, %dma_start3A_901] : memref<200x128xi32, #tpu.memory_space<vmem>> -> memref<1x64xi32, #tpu.memory_space<vmem>>
    %dma_start3A_903 = tpu.memref_squeeze %dma_start3A_902 : memref<1x64xi32, #tpu.memory_space<vmem>> -> memref<64xi32, #tpu.memory_space<vmem>>
    %dma_start3A_904 = arith.constant 0 : i32
    %dma_start3A_905 = arith.constant 0 : i32
    %dma_start3A_906 = tpu.memref_slice %arg3[%dma_start3A_904, %dma_start3A_905] : memref<100000x128xf32, #tpu.memory_space<hbm>> -> memref<100000x128xf32, #tpu.memory_space<hbm>>
    tpu.enqueue_indirect_dma source(%dma_start3A_906 : memref<100000x128xf32, #tpu.memory_space<hbm>>) target(%dma_start3A_900 : memref<64x128xf32, #tpu.memory_space<vmem>>) offsets(%dma_start3A_903 : memref<64xi32, #tpu.memory_space<vmem>>) semaphore(%arg17 : memref<!tpu.dma_semaphore, #tpu.memory_space<semaphore_mem>>) {add = true}
    %mul3A_907 = arith.constant 13 : i32
    %mul3A_908 = arith.muli %arg1, %mul3A_907 : i32
    %add3A_909 = arith.constant 197 : i32
    %add3A_910 = arith.addi %add3A_909, %mul3A_908 : i32
    %rem3A_911 = arith.constant 200 : i32
    %rem3A_912 = arith.remsi %add3A_910, %rem3A_911 : i32
    %mul3A_913 = arith.constant 128 : i32
    %mul3A_914 = arith.muli %rem3A_912, %mul3A_913 : i32
    %add3A_915 = arith.addi %mul3A_2, %mul3A_914 : i32
    %multiple_of3A_916 = tpu.assume_multiple %add3A_915, 8 : i32
    %dma_start3A_917 = arith.constant 0 : i32
    %dma_start3A_918 = tpu.memref_slice %arg5[%multiple_of3A_916, %dma_start3A_917] : memref<819200x128xf32, #tpu.memory_space<hbm>> -> memref<128x128xf32, #tpu.memory_space<hbm>>
    %dma_start3A_919 = arith.constant 0 : i32
    %dma_start3A_920 = tpu.memref_slice %arg5[%multiple_of3A_916, %dma_start3A_919] : memref<819200x128xf32, #tpu.memory_space<hbm>> -> memref<128x128xf32, #tpu.memory_space<hbm>>
    tpu.enqueue_dma source(%arg10 : memref<128x128xf32, #tpu.memory_space<vmem>>) target(%dma_start3A_920 : memref<128x128xf32, #tpu.memory_space<hbm>>) target_semaphore(%arg20 : memref<!tpu.dma_semaphore, #tpu.memory_space<semaphore_mem>>)
    %mul3A_921 = arith.constant 13 : i32
    %mul3A_922 = arith.muli %arg1, %mul3A_921 : i32
    %add3A_923 = arith.constant 195 : i32
    %add3A_924 = arith.addi %add3A_923, %mul3A_922 : i32
    %rem3A_925 = arith.constant 200 : i32
    %rem3A_926 = arith.remsi %add3A_924, %rem3A_925 : i32
    %mul3A_927 = arith.constant 128 : i32
    %mul3A_928 = arith.muli %rem3A_926, %mul3A_927 : i32
    %add3A_929 = arith.addi %mul3A_2, %mul3A_928 : i32
    %multiple_of3A_930 = tpu.assume_multiple %add3A_929, 8 : i32
    %dma_wait3A_931 = arith.constant 0 : i32
    %dma_wait3A_932 = tpu.memref_slice %arg5[%multiple_of3A_930, %dma_wait3A_931] : memref<819200x128xf32, #tpu.memory_space<hbm>> -> memref<128x128xf32, #tpu.memory_space<hbm>>
    %dma_wait3A_933 = arith.constant 0 : i32
    %dma_wait3A_934 = tpu.memref_slice %arg5[%multiple_of3A_930, %dma_wait3A_933] : memref<819200x128xf32, #tpu.memory_space<hbm>> -> memref<128x128xf32, #tpu.memory_space<hbm>>
    tpu.wait_dma2 semaphore(%arg18 : memref<!tpu.dma_semaphore, #tpu.memory_space<semaphore_mem>>) src(%arg8 : memref<128x128xf32, #tpu.memory_space<vmem>>) dst(%dma_wait3A_934 : memref<128x128xf32, #tpu.memory_space<hbm>>)
    %mul3A_935 = arith.constant 13 : i32
    %mul3A_936 = arith.muli %arg1, %mul3A_935 : i32
    %add3A_937 = arith.constant 198 : i32
    %add3A_938 = arith.addi %add3A_937, %mul3A_936 : i32
    %rem3A_939 = arith.constant 200 : i32
    %rem3A_940 = arith.remsi %add3A_938, %rem3A_939 : i32
    %dma_wait3A_941 = arith.constant 0 : i32
    %dma_wait3A_942 = arith.constant 0 : i32
    %dma_wait3A_943 = tpu.memref_slice %arg11[%dma_wait3A_941, %dma_wait3A_942] : memref<128x128xf32, #tpu.memory_space<vmem>> -> memref<64x128xf32, #tpu.memory_space<vmem>>
    %dma_wait3A_944 = arith.constant 0 : i32
    %dma_wait3A_945 = tpu.memref_slice %arg6[%rem3A_940, %dma_wait3A_944] : memref<200x128xi32, #tpu.memory_space<vmem>> -> memref<1x64xi32, #tpu.memory_space<vmem>>
    %dma_wait3A_946 = tpu.memref_squeeze %dma_wait3A_945 : memref<1x64xi32, #tpu.memory_space<vmem>> -> memref<64xi32, #tpu.memory_space<vmem>>
    %dma_wait3A_947 = arith.constant 0 : i32
    %dma_wait3A_948 = arith.constant 0 : i32
    %dma_wait3A_949 = tpu.memref_slice %arg3[%dma_wait3A_947, %dma_wait3A_948] : memref<100000x128xf32, #tpu.memory_space<hbm>> -> memref<100000x128xf32, #tpu.memory_space<hbm>>
    tpu.wait_indirect_dma semaphore(%arg16 : memref<!tpu.dma_semaphore, #tpu.memory_space<semaphore_mem>>) src(%dma_wait3A_949 : memref<100000x128xf32, #tpu.memory_space<hbm>>) dst(%dma_wait3A_943 : memref<64x128xf32, #tpu.memory_space<vmem>>)
    %dma_wait3A_950 = arith.constant 64 : i32
    %dma_wait3A_951 = arith.constant 0 : i32
    %dma_wait3A_952 = tpu.memref_slice %arg11[%dma_wait3A_950, %dma_wait3A_951] : memref<128x128xf32, #tpu.memory_space<vmem>> -> memref<64x128xf32, #tpu.memory_space<vmem>>
    %dma_wait3A_953 = arith.constant 64 : i32
    %dma_wait3A_954 = tpu.memref_slice %arg6[%rem3A_940, %dma_wait3A_953] : memref<200x128xi32, #tpu.memory_space<vmem>> -> memref<1x64xi32, #tpu.memory_space<vmem>>
    %dma_wait3A_955 = tpu.memref_squeeze %dma_wait3A_954 : memref<1x64xi32, #tpu.memory_space<vmem>> -> memref<64xi32, #tpu.memory_space<vmem>>
    %dma_wait3A_956 = arith.constant 0 : i32
    %dma_wait3A_957 = arith.constant 0 : i32
    %dma_wait3A_958 = tpu.memref_slice %arg3[%dma_wait3A_956, %dma_wait3A_957] : memref<100000x128xf32, #tpu.memory_space<hbm>> -> memref<100000x128xf32, #tpu.memory_space<hbm>>
    tpu.wait_indirect_dma semaphore(%arg16 : memref<!tpu.dma_semaphore, #tpu.memory_space<semaphore_mem>>) src(%dma_wait3A_958 : memref<100000x128xf32, #tpu.memory_space<hbm>>) dst(%dma_wait3A_952 : memref<64x128xf32, #tpu.memory_space<vmem>>)
    %mul3A_959 = arith.constant 13 : i32
    %mul3A_960 = arith.muli %arg1, %mul3A_959 : i32
    %add3A_961 = arith.constant 198 : i32
    %add3A_962 = arith.addi %add3A_961, %mul3A_960 : i32
    %rem3A_963 = arith.constant 200 : i32
    %rem3A_964 = arith.remsi %add3A_962, %rem3A_963 : i32
    %mul3A_965 = arith.constant 128 : i32
    %mul3A_966 = arith.muli %rem3A_964, %mul3A_965 : i32
    %add3A_967 = arith.addi %mul3A_2, %mul3A_966 : i32
    %multiple_of3A_968 = tpu.assume_multiple %add3A_967, 8 : i32
    %dma_start3A_969 = arith.constant 0 : i32
    %dma_start3A_970 = tpu.memref_slice %arg5[%multiple_of3A_968, %dma_start3A_969] : memref<819200x128xf32, #tpu.memory_space<hbm>> -> memref<128x128xf32, #tpu.memory_space<hbm>>
    %dma_start3A_971 = arith.constant 0 : i32
    %dma_start3A_972 = tpu.memref_slice %arg5[%multiple_of3A_968, %dma_start3A_971] : memref<819200x128xf32, #tpu.memory_space<hbm>> -> memref<128x128xf32, #tpu.memory_space<hbm>>
    tpu.enqueue_dma source(%arg11 : memref<128x128xf32, #tpu.memory_space<vmem>>) target(%dma_start3A_972 : memref<128x128xf32, #tpu.memory_space<hbm>>) target_semaphore(%arg21 : memref<!tpu.dma_semaphore, #tpu.memory_space<semaphore_mem>>)
    %mul3A_973 = arith.constant 13 : i32
    %mul3A_974 = arith.muli %arg1, %mul3A_973 : i32
    %add3A_975 = arith.constant 196 : i32
    %add3A_976 = arith.addi %add3A_975, %mul3A_974 : i32
    %rem3A_977 = arith.constant 200 : i32
    %rem3A_978 = arith.remsi %add3A_976, %rem3A_977 : i32
    %mul3A_979 = arith.constant 128 : i32
    %mul3A_980 = arith.muli %rem3A_978, %mul3A_979 : i32
    %add3A_981 = arith.addi %mul3A_2, %mul3A_980 : i32
    %multiple_of3A_982 = tpu.assume_multiple %add3A_981, 8 : i32
    %dma_wait3A_983 = arith.constant 0 : i32
    %dma_wait3A_984 = tpu.memref_slice %arg5[%multiple_of3A_982, %dma_wait3A_983] : memref<819200x128xf32, #tpu.memory_space<hbm>> -> memref<128x128xf32, #tpu.memory_space<hbm>>
    %dma_wait3A_985 = arith.constant 0 : i32
    %dma_wait3A_986 = tpu.memref_slice %arg5[%multiple_of3A_982, %dma_wait3A_985] : memref<819200x128xf32, #tpu.memory_space<hbm>> -> memref<128x128xf32, #tpu.memory_space<hbm>>
    tpu.wait_dma2 semaphore(%arg19 : memref<!tpu.dma_semaphore, #tpu.memory_space<semaphore_mem>>) src(%arg9 : memref<128x128xf32, #tpu.memory_space<vmem>>) dst(%dma_wait3A_986 : memref<128x128xf32, #tpu.memory_space<hbm>>)
    %mul3A_987 = arith.constant 13 : i32
    %mul3A_988 = arith.muli %arg1, %mul3A_987 : i32
    %add3A_989 = arith.constant 199 : i32
    %add3A_990 = arith.addi %add3A_989, %mul3A_988 : i32
    %rem3A_991 = arith.constant 200 : i32
    %rem3A_992 = arith.remsi %add3A_990, %rem3A_991 : i32
    %dma_wait3A_993 = arith.constant 0 : i32
    %dma_wait3A_994 = arith.constant 0 : i32
    %dma_wait3A_995 = tpu.memref_slice %arg12[%dma_wait3A_993, %dma_wait3A_994] : memref<128x128xf32, #tpu.memory_space<vmem>> -> memref<64x128xf32, #tpu.memory_space<vmem>>
    %dma_wait3A_996 = arith.constant 0 : i32
    %dma_wait3A_997 = tpu.memref_slice %arg6[%rem3A_992, %dma_wait3A_996] : memref<200x128xi32, #tpu.memory_space<vmem>> -> memref<1x64xi32, #tpu.memory_space<vmem>>
    %dma_wait3A_998 = tpu.memref_squeeze %dma_wait3A_997 : memref<1x64xi32, #tpu.memory_space<vmem>> -> memref<64xi32, #tpu.memory_space<vmem>>
    %dma_wait3A_999 = arith.constant 0 : i32
    %dma_wait3A_1000 = arith.constant 0 : i32
    %dma_wait3A_1001 = tpu.memref_slice %arg3[%dma_wait3A_999, %dma_wait3A_1000] : memref<100000x128xf32, #tpu.memory_space<hbm>> -> memref<100000x128xf32, #tpu.memory_space<hbm>>
    tpu.wait_indirect_dma semaphore(%arg17 : memref<!tpu.dma_semaphore, #tpu.memory_space<semaphore_mem>>) src(%dma_wait3A_1001 : memref<100000x128xf32, #tpu.memory_space<hbm>>) dst(%dma_wait3A_995 : memref<64x128xf32, #tpu.memory_space<vmem>>)
    %dma_wait3A_1002 = arith.constant 64 : i32
    %dma_wait3A_1003 = arith.constant 0 : i32
    %dma_wait3A_1004 = tpu.memref_slice %arg12[%dma_wait3A_1002, %dma_wait3A_1003] : memref<128x128xf32, #tpu.memory_space<vmem>> -> memref<64x128xf32, #tpu.memory_space<vmem>>
    %dma_wait3A_1005 = arith.constant 64 : i32
    %dma_wait3A_1006 = tpu.memref_slice %arg6[%rem3A_992, %dma_wait3A_1005] : memref<200x128xi32, #tpu.memory_space<vmem>> -> memref<1x64xi32, #tpu.memory_space<vmem>>
    %dma_wait3A_1007 = tpu.memref_squeeze %dma_wait3A_1006 : memref<1x64xi32, #tpu.memory_space<vmem>> -> memref<64xi32, #tpu.memory_space<vmem>>
    %dma_wait3A_1008 = arith.constant 0 : i32
    %dma_wait3A_1009 = arith.constant 0 : i32
    %dma_wait3A_1010 = tpu.memref_slice %arg3[%dma_wait3A_1008, %dma_wait3A_1009] : memref<100000x128xf32, #tpu.memory_space<hbm>> -> memref<100000x128xf32, #tpu.memory_space<hbm>>
    tpu.wait_indirect_dma semaphore(%arg17 : memref<!tpu.dma_semaphore, #tpu.memory_space<semaphore_mem>>) src(%dma_wait3A_1010 : memref<100000x128xf32, #tpu.memory_space<hbm>>) dst(%dma_wait3A_1004 : memref<64x128xf32, #tpu.memory_space<vmem>>)
    %mul3A_1011 = arith.constant 13 : i32
    %mul3A_1012 = arith.muli %arg1, %mul3A_1011 : i32
    %add3A_1013 = arith.constant 199 : i32
    %add3A_1014 = arith.addi %add3A_1013, %mul3A_1012 : i32
    %rem3A_1015 = arith.constant 200 : i32
    %rem3A_1016 = arith.remsi %add3A_1014, %rem3A_1015 : i32
    %mul3A_1017 = arith.constant 128 : i32
    %mul3A_1018 = arith.muli %rem3A_1016, %mul3A_1017 : i32
    %add3A_1019 = arith.addi %mul3A_2, %mul3A_1018 : i32
    %multiple_of3A_1020 = tpu.assume_multiple %add3A_1019, 8 : i32
    %dma_start3A_1021 = arith.constant 0 : i32
    %dma_start3A_1022 = tpu.memref_slice %arg5[%multiple_of3A_1020, %dma_start3A_1021] : memref<819200x128xf32, #tpu.memory_space<hbm>> -> memref<128x128xf32, #tpu.memory_space<hbm>>
    %dma_start3A_1023 = arith.constant 0 : i32
    %dma_start3A_1024 = tpu.memref_slice %arg5[%multiple_of3A_1020, %dma_start3A_1023] : memref<819200x128xf32, #tpu.memory_space<hbm>> -> memref<128x128xf32, #tpu.memory_space<hbm>>
    tpu.enqueue_dma source(%arg12 : memref<128x128xf32, #tpu.memory_space<vmem>>) target(%dma_start3A_1024 : memref<128x128xf32, #tpu.memory_space<hbm>>) target_semaphore(%arg22 : memref<!tpu.dma_semaphore, #tpu.memory_space<semaphore_mem>>)
    %mul3A_1025 = arith.constant 13 : i32
    %mul3A_1026 = arith.muli %arg1, %mul3A_1025 : i32
    %add3A_1027 = arith.constant 197 : i32
    %add3A_1028 = arith.addi %add3A_1027, %mul3A_1026 : i32
    %rem3A_1029 = arith.constant 200 : i32
    %rem3A_1030 = arith.remsi %add3A_1028, %rem3A_1029 : i32
    %mul3A_1031 = arith.constant 128 : i32
    %mul3A_1032 = arith.muli %rem3A_1030, %mul3A_1031 : i32
    %add3A_1033 = arith.addi %mul3A_2, %mul3A_1032 : i32
    %multiple_of3A_1034 = tpu.assume_multiple %add3A_1033, 8 : i32
    %dma_wait3A_1035 = arith.constant 0 : i32
    %dma_wait3A_1036 = tpu.memref_slice %arg5[%multiple_of3A_1034, %dma_wait3A_1035] : memref<819200x128xf32, #tpu.memory_space<hbm>> -> memref<128x128xf32, #tpu.memory_space<hbm>>
    %dma_wait3A_1037 = arith.constant 0 : i32
    %dma_wait3A_1038 = tpu.memref_slice %arg5[%multiple_of3A_1034, %dma_wait3A_1037] : memref<819200x128xf32, #tpu.memory_space<hbm>> -> memref<128x128xf32, #tpu.memory_space<hbm>>
    tpu.wait_dma2 semaphore(%arg20 : memref<!tpu.dma_semaphore, #tpu.memory_space<semaphore_mem>>) src(%arg10 : memref<128x128xf32, #tpu.memory_space<vmem>>) dst(%dma_wait3A_1038 : memref<128x128xf32, #tpu.memory_space<hbm>>)
    %mul3A_1039 = arith.constant 13 : i32
    %mul3A_1040 = arith.muli %arg1, %mul3A_1039 : i32
    %add3A_1041 = arith.constant 198 : i32
    %add3A_1042 = arith.addi %add3A_1041, %mul3A_1040 : i32
    %rem3A_1043 = arith.constant 200 : i32
    %rem3A_1044 = arith.remsi %add3A_1042, %rem3A_1043 : i32
    %mul3A_1045 = arith.constant 128 : i32
    %mul3A_1046 = arith.muli %rem3A_1044, %mul3A_1045 : i32
    %add3A_1047 = arith.addi %mul3A_2, %mul3A_1046 : i32
    %multiple_of3A_1048 = tpu.assume_multiple %add3A_1047, 8 : i32
    %dma_wait3A_1049 = arith.constant 0 : i32
    %dma_wait3A_1050 = tpu.memref_slice %arg5[%multiple_of3A_1048, %dma_wait3A_1049] : memref<819200x128xf32, #tpu.memory_space<hbm>> -> memref<128x128xf32, #tpu.memory_space<hbm>>
    %dma_wait3A_1051 = arith.constant 0 : i32
    %dma_wait3A_1052 = tpu.memref_slice %arg5[%multiple_of3A_1048, %dma_wait3A_1051] : memref<819200x128xf32, #tpu.memory_space<hbm>> -> memref<128x128xf32, #tpu.memory_space<hbm>>
    tpu.wait_dma2 semaphore(%arg21 : memref<!tpu.dma_semaphore, #tpu.memory_space<semaphore_mem>>) src(%arg11 : memref<128x128xf32, #tpu.memory_space<vmem>>) dst(%dma_wait3A_1052 : memref<128x128xf32, #tpu.memory_space<hbm>>)
    %mul3A_1053 = arith.constant 13 : i32
    %mul3A_1054 = arith.muli %arg1, %mul3A_1053 : i32
    %add3A_1055 = arith.constant 199 : i32
    %add3A_1056 = arith.addi %add3A_1055, %mul3A_1054 : i32
    %rem3A_1057 = arith.constant 200 : i32
    %rem3A_1058 = arith.remsi %add3A_1056, %rem3A_1057 : i32
    %mul3A_1059 = arith.constant 128 : i32
    %mul3A_1060 = arith.muli %rem3A_1058, %mul3A_1059 : i32
    %add3A_1061 = arith.addi %mul3A_2, %mul3A_1060 : i32
    %multiple_of3A_1062 = tpu.assume_multiple %add3A_1061, 8 : i32
    %dma_wait3A_1063 = arith.constant 0 : i32
    %dma_wait3A_1064 = tpu.memref_slice %arg5[%multiple_of3A_1062, %dma_wait3A_1063] : memref<819200x128xf32, #tpu.memory_space<hbm>> -> memref<128x128xf32, #tpu.memory_space<hbm>>
    %dma_wait3A_1065 = arith.constant 0 : i32
    %dma_wait3A_1066 = tpu.memref_slice %arg5[%multiple_of3A_1062, %dma_wait3A_1065] : memref<819200x128xf32, #tpu.memory_space<hbm>> -> memref<128x128xf32, #tpu.memory_space<hbm>>
    tpu.wait_dma2 semaphore(%arg22 : memref<!tpu.dma_semaphore, #tpu.memory_space<semaphore_mem>>) src(%arg12 : memref<128x128xf32, #tpu.memory_space<vmem>>) dst(%dma_wait3A_1066 : memref<128x128xf32, #tpu.memory_space<hbm>>)
    return
  }
}

</mosaic_0001>

<sc_bundles>
// kernel: kernel.3.cloned.1.call-start
scs
__scs_entry_jumppad:
0x0: {  	(pc) =	sbr.rel $0x88, $3  }
0x1: {  	(tag) =	ssettag $0x0;
	lr =	simm.s32 $0x1  }
0x2: {  	[smem:$0x3F9E] =	sst lr;
	_ =	strace $0xD0000000  }
0x3: {  	_ = 	snop  }
0x4: {  	_ = 	snop  }
0x5: {  	_ = 	snop  }
0x6: {  	_ = 	snop  }
0x7: {  	_ = 	snop  }
__scs_overlays_trampoline_lowered:
0x8: {  	[smem:$0x3FAD] =	sst s0  }
0x9: {  	[smem:$0x3FAE] =	sst s1  }
0xa: {  	[smem:$0x3FAF] =	sst s2  }
0xb: {  	[smem:$0x3FB0] =	sst s3  }
0xc: {  	[smem:$0x3FB1] =	sst s4  }
0xd: {  	[smem:$0x3FB2] =	sst s5  }
0xe: {  	[smem:$0x3FB3] =	sst s6  }
0xf: {  	[smem:$0x3FB4] =	sst s7  }
0x10: {  	[smem:$0x3FB5] =	sst s8  }
0x11: {  	[smem:$0x3FB6] =	sst s9;
	s0 =	simm.s32 @!p0 $0x0  }
0x12: {  	s1 =	sld [smem:$0x3F9C];
	s0 =	simm.s32 @p0 $0x1  }
0x13: {  	[smem:$0x3FB7] =	sst s0;
	s0 =	simm.s32 @!p1 $0x0  }
0x14: {  	s2 =	sld [smem:$0x3F9B];
	s0 =	simm.s32 @p1 $0x1  }
0x15: {  	[smem:$0x3FB8] =	sst s0;
	s0 =	simm.s32 @!p2 $0x0  }
0x16: {  	s3 =	sld [smem:$0x3FDB];
	s0 =	simm.s32 @p2 $0x1  }
0x17: {  	s4 =	simm.s32 $0x1BF5;
	[smem:$0x3FBA] =	sst s0  }
0x18: {  	s0 =	sld [smem:$0x3F9D];
	_ =	swait.ge [sflag:s4], $0x0  }
0x19: {  	s7 =	sld [smem:$0x3F9E]  }
0x1a: {  	s8 =	sadd.s32 $0xFFFFE003, lr  }
0x1b: {  	s9 =	sadd.s32 $0xFFFFFEF7, lr;
	s5 =	simm.s32 $0xFFFFFFFF;
	p2 =	slt.u32 s8, $0xFFFFF086  }
0x1c: {  	p1 =	slt.u32 s9, $0xF7A;
	s5 =	simm.s32 @!p2 $0x0  }
0x1d: {  	s5 =	simm.s32 @p1 $0x1;
	p0 =	seq.s32 s7, s2  }
0x1e: {  	s7 =	smul.u32 @!p0 $0xF7A, s2;
	p2 =	seq.s32 @!p0 s5, $0x0  }
0x1f: {  	s9 =	smul.u32 $0xF7A, s1;
	s8 =	simm.s32 @!p0 $0x1BF5;
	p2 =	por !p2, p0  }
0x20: {  	[sflag:s8] =	ssyncset.s32 @!p0 $0xFFFFF086;
	s6 =	sadd.s32 @!p0 s3, s7;
	s7 =	simm.s32 @!p0 $0x108  }
0x21: {  	s3 =	sadd.s32 s3, s9;
	s6 =	sadd.s32 @!p0 $0x88, s6;
	s7 =	simm.s32 @p2 $0x1082  }
0x22: {  	[simem:s7], [sflag:s8] =	dma.local @!p0 [hbm:s6], $0xF7A  }
0x23: {  	s9 =	sor.u32 $0xD0000000, s2;
	s6 =	simm.s32 $0x108;
	_ =	swait.ge @!p0 [sflag:s8], $0x0  }
0x24: {  	s3 =	sadd.s32 $0x88, s3;
	s6 =	simm.s32 @!p1 $0x1082;
	[sflag:s4] =	ssyncset.s32 $0xFFFFF086  }
0x25: {  	[simem:s6], [sflag:s4] =	dma.local [hbm:s3], $0xF7A  }
0x26: {  	[smem:$0x3F9E] =	sst s1;
	(tag) =	ssettag s2;
	_ =	strace s9  }
0x27: {  	s1 =	sld [smem:$0x3FAE]  }
0x28: {  	s2 =	sld [smem:$0x3FAF]  }
0x29: {  	s4 =	sld [smem:$0x3FB1]  }
0x2a: {  	p0 =	seq.s32 s5, $0x0;
	s5 =	sld [smem:$0x3FB2]  }
0x2b: {  	s6 =	sld [smem:$0x3FB3]  }
0x2c: {  	s7 =	sld [smem:$0x3FB4]  }
0x2d: {  	s3 =	simm.s32 $0x108;
	s8 =	sld [smem:$0x3FB5]  }
0x2e: {  	s3 =	simm.s32 @!p0 $0x1082;
	s9 =	sld [smem:$0x3FB6]  }
0x2f: {  	lr =	sadd.s32 s0, s3;
	s0 =	sld [smem:$0x3FAD]  }
0x30: {  	s3 =	sld [smem:$0x3FB0]  }
0x31: {  	[smem:$0x3FB9] =	sst s10  }
0x32: {  	s10 =	sld [smem:$0x3FB7];
	_ =	sdelay $0x3  }
0x33: {  	p0 =	seq.s32 s10, $0x1;
	s10 =	sld [smem:$0x3FB9];
	_ =	sdelay $0x3  }
0x34: {  	[smem:$0x3FB9] =	sst s10  }
0x35: {  	s10 =	sld [smem:$0x3FB8];
	_ =	sdelay $0x3  }
0x36: {  	p1 =	seq.s32 s10, $0x1;
	s10 =	sld [smem:$0x3FB9];
	_ =	sdelay $0x3  }
0x37: {  	[smem:$0x3FB9] =	sst s10  }
0x38: {  	s10 =	sld [smem:$0x3FBA]  }
0x39: {  	_ = 	snop;
	(pc) =	sbr.ind lr, $3  }
0x3a: {  	_ = 	snop  }
0x3b: {  	_ = 	snop  }
0x3c: {  	p2 =	seq.s32 s10, $0x1;
	s10 =	sld [smem:$0x3FB9]  }
0x3d: {  	_ =	shalt  }
0x3e: {  	_ =	shalt  }
0x3f: {  	_ =	shalt  }
0x40: {  	_ =	shalt  }
0x41: {  	_ =	shalt  }
0x42: {  	_ =	shalt  }
0x43: {  	_ =	shalt  }
0x44: {  	_ =	shalt  }
0x45: {  	_ =	shalt  }
0x46: {  	_ =	shalt  }
0x47: {  	_ =	shalt  }
0x48: {  	_ =	shalt  }
0x49: {  	_ =	shalt  }
0x4a: {  	_ =	shalt  }
0x4b: {  	_ =	shalt  }
0x4c: {  	_ =	shalt  }
0x4d: {  	_ =	shalt  }
0x4e: {  	_ =	shalt  }
0x4f: {  	_ =	shalt  }
0x50: {  	_ =	shalt  }
0x51: {  	_ =	shalt  }
0x52: {  	_ =	shalt  }
0x53: {  	_ =	shalt  }
0x54: {  	_ =	shalt  }
0x55: {  	_ =	shalt  }
0x56: {  	_ =	shalt  }
0x57: {  	_ =	shalt  }
0x58: {  	_ =	shalt  }
0x59: {  	_ =	shalt  }
0x5a: {  	_ =	shalt  }
0x5b: {  	_ =	shalt  }
0x5c: {  	_ =	shalt  }
0x5d: {  	_ =	shalt  }
0x5e: {  	_ =	shalt  }
0x5f: {  	_ =	shalt  }
0x60: {  	_ =	shalt  }
0x61: {  	_ =	shalt  }
0x62: {  	_ =	shalt  }
0x63: {  	_ =	shalt  }
0x64: {  	_ =	shalt  }
0x65: {  	_ =	shalt  }
0x66: {  	_ =	shalt  }
0x67: {  	_ =	shalt  }
0x68: {  	_ =	shalt  }
0x69: {  	_ =	shalt  }
0x6a: {  	_ =	shalt  }
0x6b: {  	_ =	shalt  }
0x6c: {  	_ =	shalt  }
0x6d: {  	_ =	shalt  }
0x6e: {  	_ =	shalt  }
0x6f: {  	_ =	shalt  }
0x70: {  	_ =	shalt  }
0x71: {  	_ =	shalt  }
0x72: {  	_ =	shalt  }
0x73: {  	_ =	shalt  }
0x74: {  	_ =	shalt  }
0x75: {  	_ =	shalt  }
0x76: {  	_ =	shalt  }
0x77: {  	_ =	shalt  }
0x78: {  	_ =	shalt  }
0x79: {  	_ =	shalt  }
0x7a: {  	_ =	shalt  }
0x7b: {  	_ =	shalt  }
0x7c: {  	_ =	shalt  }
0x7d: {  	_ =	shalt  }
0x7e: {  	_ =	shalt  }
0x7f: {  	_ =	shalt  }
0x80: {  	_ =	shalt  }
0x81: {  	_ =	shalt  }
0x82: {  	_ =	shalt  }
0x83: {  	_ =	shalt  }
0x84: {  	_ =	shalt  }
0x85: {  	_ =	shalt  }
0x86: {  	_ =	shalt  }
0x87: {  	_ =	shalt  }
.Lfunc_end0:
.L_simem_size_0:
called_computation_lowered:
.L_overlay_start_0:
0x88: {  	s2 =	sld [smem:$0x3FD9]  }
0x89: {  	s3 =	sld [smem:$0x3FFE];
	_ =	sdelay $0x1  }
0x8a: {  	s1 =	srdreg.scid  }
0x8b: {  	s0 =	sand.u32 $0x1, s1  }
0x8c: {  	s17 =	sshll.u32 s0, $0xA;
	s2 =	sadd.s32 s3, s2  }
0x8d: {  	s2 =	sadd.s32 s2, s17  }
0x8e: {  	[smem:$0x3FC5] =	sst s2  }
0x8f: {  	_ = 	snop  }
0x90: {  	s2 =	sld [smem:$0x3FC8]  }
0x91: {  	s18 =	sld [smem:$0x3FD0];
	(tm) =	ssettm $0x1  }
0x92: {  	s4 =	sld [smem:$0x3FFB];
	_ =	sdelay $0x3  }
0x93: {  	_ =	strace s4  }
0x94: {  	s4 =	sld [smem:$0x3FFC];
	_ =	sdelay $0x3  }
0x95: {  	_ =	strace s4  }
0x96: {  	s4 =	sld [smem:$0x3FFD];
	_ =	sdelay $0x3  }
0x97: {  	_ =	strace s4  }
0x98: {  	_ =	strace $0x8FFFFFFF  }
0x99: {  	s19 =	sld [smem:$0x3FDB];
	_ =	sdelay $0x1  }
0x9a: {  	s5 =	simm.s32 $_scs_section_size  }
0x9b: {  	s6 =	simm.s32 $_size__tile_overlayer_lowered;
	s7 =	simm.s32 $_tile_overlayer_lowered  }
0x9c: {  	s22 =	simm.s32 $0x1BFF;
	s21 =	sshll.u32 s7, $0x1;
	s4 =	sadd.s32 s5, s19  }
0x9d: {  	s8 =	simm.s32 $0x0;
	s20 =	sshll.u32 s6, $0x1;
	s6 =	sadd.s32 s21, s4  }
0x9e: {  	[timem:s8], [sflag:s22] =	dma.local [hbm:s6], s20  }
0x9f: {  	_ =	swait.ge [sflag:s22], s20  }
0xa0: {  	s5 =	ssub.s32 $0x0, s20;
	[sflag:s22] =	ssyncset.done $0x0  }
0xa1: {  	[sflag:s22] =	ssyncadd.s32 s5;
	_ =	sdelay $0x1  }
0xa2: {  	s23 =	simm.s32 $0x1B8B  }
0xa3: {  	_ =	swait.ge [sflag:s23], $0x1  }
0xa4: {  	[sflag:s23] =	ssyncset.done $0x0  }
0xa5: {  	s25 =	simm.s32 $0x1B8E;
	s24 =	sld [smem:$0x3FFE];
	[sflag:s23] =	ssyncadd.s32 $0xFFFFFFFF  }
0xa6: {  	s26 =	simm.s32 $execute0_lowered;
	[smem:$0x3FD2] =	sst s25  }
0xa7: {  	s6 =	sshll.u32 s26, $0x1;
	_ =	strace $0x80000046;
	[dreg:$0x1] =	wrdreg $0xFFFFFFFF  }
0xa8: {  	s28 =	simm.s32 $_size_execute0_lowered;
	s4 =	sadd.s32 s4, s6;
	[dreg:$0x0] =	wrdreg $0x0  }
0xa9: {  	s6 =	sshll.u32 s28, $0x1;
	[dreg:$0x2] =	wrdreg s4  }
0xaa: {  	[dreg:$0x3] =	wrdreg s6  }
0xab: {  	[dreg:$0x4] =	wrdreg $0xC0  }
0xac: {  	_ =	task [dreg:s8], $0x5FFFF  }
0xad: {  	[dreg:$0x1] =	wrdreg $0xFFFFFFFF  }
0xae: {  	[dreg:$0x0] =	wrdreg $0x60  }
0xaf: {  	[dreg:$0x2] =	wrdreg s24  }
0xb0: {  	[dreg:$0x3] =	wrdreg s2  }
0xb1: {  	[dreg:$0x4] =	wrdreg s18  }
0xb2: {  	[dreg:$0x5] =	wrdreg $0x64000  }
0xb3: {  	[dreg:$0x6] =	wrdreg $0x9  }
0xb4: {  	_ =	task.clear_ibuf [dreg:s8], $0x7FFFF;
	_ =	strace $0x90000046  }
0xb5: {  	s29 =	simm.s32 $0x9;
	_ =	strace $0x80000048  }
0xb6: {  	_ =	swait.ge [sflag:s29], $0x1  }
0xb7: {  	[sflag:s29] =	ssyncadd.s32 $0xFFFFFFFF  }
0xb8: {  	_ =	strace $0x90000048  }
0xb9: {  	_ =	sfence  }
0xba: {  	s30 =	sld [smem:$0x0];
	_ =	sdelay $0x2  }
0xbb: {  	s31 =	sshll.u32 s1, $0xD;
	s1 =	sshrl.u32 s1, $0x2  }
0xbc: {  	s3 =	sand.u32 $0x4000, s31;
	s1 =	sadd.s32 s1, s30  }
0xbd: {  	s0 =	sor.u32 s3, s0;
	s1 =	sshll.u32 s1, $0x11  }
0xbe: {  	s0 =	sor.u32 s1, s0  }
0xbf: {  	s0 =	sadd.s32 $0x8F2B, s0  }
0xc0: {  	[sflag:s0] =	ssyncadd.remote.s32 $0x1  }
0xc1: {  	_ =	sfence.sel $0xFFFF  }
0xc2: {  	[dreg:$0x0] =	wrdreg $0xFFFFFFFF;
	(pc) =	sbr.abs _section_cstart, $3  }
0xc3: {  	[dreg:$0x1] =	wrdreg $0xFFFFFFFF  }
0xc4: {  	_ =	task.clear_ibuf [dreg:s8], $0x2FFFF;
	_ =	strace $0x9FFFFFFF  }
0xc5: {  	(tm) =	ssettm $0x7FFFFFFF  }
tec
execute0_lowered:
.L_overlay_start_1:
0x0: {  	(tag) =	ssettag $0x1  }
0x1: {  	s14 =	rddreg [dreg:$0x0]  }
0x2: {  	s2 =	stileid.u32;
	s24 =	rddreg [dreg:$0x2]  }
0x3: {  	s1 =	rddreg [dreg:$0x3];
	s0 =	smul.u32 $0xD, s2  }
0x4: {  	s4 =	srdreg.scid;
	s20 =	smul.u32 $0x680, s2  }
0x5: {  	s7 =	simm.s32 $0x0;
	s23 =	sand.u32 $0x1, s4;
	s31 =	smul.u32 $0xCE800, s2  }
0x6: {  	s25 =	sshll.u32 s2, $0x1;
	[smem:$0x7FF] =	sst s7;
	s19 =	smul.u32 $0x674000, s2  }
0x7: {  	s28 =	sor.u32 s23, s25;
	s8 =	ssub.s32 $0x2, s23;
	s17 =	smul.u32 $0x64000, s23  }
0x8: {  	s5 =	sadd.s32 $0x7, s0;
	s3 =	sadd.s32 $0xFF3F, s0;
	s9 =	sshrl.u32 s8, $0x1  }
0x9: {  	s10 =	sand.u32 $0xFF80, s20;
	s13 =	sshll.u32 s0, $0x7;
	s29 =	smul.u32 $0x320000, s28  }
0xa: {  	s7 =	sadd.s32 $0xFFFFFFFD, s0;
	s12 =	sadd.s32 $0xC6, s0;
	s16 =	sadd.s32 $0xFFFFFFFC, s0  }
0xb: {  	p0 =	slt.u32 s5, $0xC8;
	[dreg:$0xc] =	wrdreg s5;
	s10 =	sshrl.u32 s10, $0x3  }
0xc: {  	s21 =	sadd.s32 $0x80, s13;
	s3 =	smov.u32 @p0 s5;
	_ =	strace $0x80000047  }
0xd: {  	s15 =	smul.u32 $0x147B, s10;
	s10 =	sadd.s32 $0xC5, s0;
	s18 =	sand.u32 $0xFF80, s21  }
0xe: {  	s5 =	smul.u32 $0x320000, s23;
	[dreg:$0xe] =	wrdreg s21;
	s6 =	sshll.u32 s3, $0x7  }
0xf: {  	s3 =	smul.u32 $0x6400, s28;
	s18 =	sshrl.u32 s18, $0x3;
	s26 =	sand.u32 $0xFF80, s6  }
0x10: {  	s23 =	smul.u32 $0x147B, s18;
	s5 =	sadd.s32 s5, s19;
	s19 =	sadd.s32 $0x100, s13  }
0x11: {  	s15 =	sshrl.u32 s15, $0x11;
	s4 =	smul.u32 $0x147B, s26;
	s25 =	sand.u32 $0xFF80, s19  }
0x12: {  	[dreg:$0xd] =	wrdreg s20;
	s15 =	smul.u32 $0xC8, s15;
	s18 =	sshrl.u32 s25, $0x3  }
0x13: {  	s22 =	sshrl.u32 s3, $0x3;
	s4 =	sshrl.u32 s4, $0x14;
	s28 =	smul.u32 $0x147B, s18  }
0x14: {  	[dreg:$0xf] =	wrdreg s19;
	s25 =	sadd.s32 s20, s3;
	s11 =	smul.u32 $0xC8, s4  }
0x15: {  	s26 =	ssub.s32 s20, s15;
	s4 =	ssub.s32 s8, s9;
	s9 =	sadd.s32 $0xC3, s0  }
0x16: {  	p0 =	slt.u32 s9, $0xC8;
	s15 =	sshrl.u32 s28, $0x11;
	s8 =	ssub.s32 s6, s11  }
0x17: {  	s11 =	sadd.s32 $0xFFFFFFFB, s0;
	s6 =	sadd.s32 $0xC7, s0;
	s15 =	smul.u32 $0xC8, s15  }
0x18: {  	s11 =	smov.u32 @p0 s9;
	p0 =	slt.u32 s10, $0xC8;
	s8 =	sand.u32 $0xFFF8, s8  }
0x19: {  	s7 =	smov.u32 @p0 s10;
	s9 =	sshll.u32 s11, $0xE;
	s11 =	sadd.s32 $0xC4, s0  }
0x1a: {  	s10 =	sadd.s32 $0xFFFFFFFE, s0;
	s8 =	sshll.u32 s8, $0x7;
	p0 =	slt.u32 s11, $0xC8  }
0x1b: {  	s8 =	sadd.s32 s8, s1;
	s16 =	smov.u32 @p0 s11;
	p0 =	slt.u32 s12, $0xC8  }
0x1c: {  	s11 =	sadd.s32 s29, s9;
	[smem:$0x7E1] =	sst s8;
	s10 =	smov.u32 @p0 s12  }
0x1d: {  	s30 =	sshll.u32 s16, $0xE;
	s12 =	sadd.s32 $0xFFFFFFFF, s0;
	p0 =	slt.u32 s6, $0xC8  }
0x1e: {  	s16 =	sadd.s32 s31, s24;
	s9 =	sadd.s32 s29, s30;
	s12 =	smov.u32 @p0 s6  }
0x1f: {  	s6 =	sadd.s32 s17, s16;
	s17 =	sshrl.u32 s23, $0x11;
	s16 =	sadd.s32 s22, s14  }
0x20: {  	s14 =	sadd.s32 $0x19C00, s14;
	s22 =	sadd.s32 $0x180, s13;
	s23 =	sadd.s32 $0x200, s13  }
0x21: {  	s17 =	smul.u32 $0xC8, s17;
	[dreg:$0x10] =	wrdreg s14;
	s16 =	sadd.s32 $0xC00, s16  }
0x22: {  	s14 =	sand.u32 $0xFFF8, s26;
	s30 =	sand.u32 $0xFF80, s22;
	[dreg:$0x12] =	wrdreg s22  }
0x23: {  	s18 =	sand.u32 $0xFF80, s23;
	s26 =	sshll.u32 s25, $0x4;
	[dreg:$0x15] =	wrdreg s23  }
0x24: {  	s9 =	sshrl.u32 s9, $0x3;
	[dreg:$0x11] =	wrdreg s16;
	s14 =	sshll.u32 s14, $0x7  }
0x25: {  	s29 =	ssub.s32 s21, s17;
	s17 =	sshrl.u32 s30, $0x3;
	s14 =	sadd.s32 s14, s1  }
0x26: {  	s30 =	sadd.s32 s3, s21;
	s21 =	sadd.s32 $0x6, s0;
	s16 =	sand.u32 $0xFFF8, s29  }
0x27: {  	s17 =	smul.u32 $0x147B, s17;
	[dreg:$0x13] =	wrdreg s14;
	s16 =	sshll.u32 s16, $0x7  }
0x28: {  	[dreg:$0x1a] =	wrdreg s21;
	s31 =	sadd.s32 s16, s1;
	s16 =	ssub.s32 s19, s15  }
0x29: {  	s17 =	sshrl.u32 s17, $0x11;
	[dreg:$0x14] =	wrdreg s31;
	s14 =	sand.u32 $0xFFF8, s16  }
0x2a: {  	s15 =	smul.u32 $0xC8, s17;
	s16 =	sshrl.u32 s18, $0x3;
	s18 =	sadd.s32 $0x5, s0  }
0x2b: {  	s17 =	sadd.s32 $0xFFFFFF3D, s0;
	s31 =	sshll.u32 s30, $0x4;
	s30 =	sadd.s32 $0x140, s13  }
0x2c: {  	s14 =	sshll.u32 s14, $0x7;
	s16 =	smul.u32 $0x147B, s16;
	[dreg:$0x18] =	wrdreg s18  }
0x2d: {  	p0 =	slt.u32 s18, $0xC8;
	[dreg:$0x1e] =	wrdreg s30;
	s14 =	sadd.s32 s14, s1  }
0x2e: {  	s15 =	ssub.s32 s22, s15;
	s17 =	smov.u32 @p0 s18;
	p0 =	slt.u32 s21, $0xC8  }
0x2f: {  	[dreg:$0x16] =	wrdreg s14;
	s14 =	sadd.s32 s24, s26;
	s28 =	sand.u32 $0xFFF8, s15  }
0x30: {  	s29 =	sshrl.u32 s16, $0x11;
	s18 =	sshll.u32 s17, $0x4;
	[dreg:$0x17] =	wrdreg s14  }
0x31: {  	s14 =	sshll.u32 s28, $0x7;
	s15 =	smul.u32 $0xC8, s29;
	s16 =	sand.u32 $0x1FF0, s18  }
0x32: {  	s18 =	sadd.s32 $0xFFFFFF3E, s0;
	s29 =	sadd.s32 $0xC0, s13;
	s14 =	sadd.s32 s14, s1  }
0x33: {  	s16 =	smul.u32 $0x147B, s16;
	s18 =	smov.u32 @p0 s21;
	[dreg:$0x1d] =	wrdreg s29  }
0x34: {  	[dreg:$0x19] =	wrdreg s14;
	s15 =	ssub.s32 s23, s15;
	s14 =	sadd.s32 s24, s31  }
0x35: {  	s26 =	sshll.u32 s18, $0x4;
	s31 =	sadd.s32 $0x1C0, s13;
	[dreg:$0x1b] =	wrdreg s14  }
0x36: {  	s13 =	sadd.s32 $0x240, s13;
	s15 =	sand.u32 $0xFFF8, s15;
	[dreg:$0x1f] =	wrdreg s31  }
0x37: {  	s28 =	sshrl.u32 s16, $0x11;
	[smem:$0x7DB] =	sst s13;
	s16 =	sshll.u32 s17, $0x7  }
0x38: {  	s17 =	sshll.u32 s18, $0x7;
	s18 =	sshll.u32 s12, $0x4;
	s25 =	sshll.u32 s15, $0x7  }
0x39: {  	s15 =	sand.u32 $0x1FF0, s26;
	s21 =	smul.u32 $0xC8, s28;
	[smem:$0x7F3] =	sst s16  }
0x3a: {  	[smem:$0x7F5] =	sst s17;
	s14 =	sadd.s32 s25, s1;
	s15 =	smul.u32 $0x147B, s15  }
0x3b: {  	s26 =	sadd.s32 s3, s19;
	[dreg:$0x1c] =	wrdreg s14;
	s13 =	ssub.s32 s16, s21  }
0x3c: {  	s25 =	sshrl.u32 s15, $0x11;
	s15 =	sshll.u32 s26, $0x4;
	s26 =	sadd.s32 s24, s9  }
0x3d: {  	s9 =	sadd.s32 $0x4800, s6;
	s14 =	smul.u32 $0xC8, s25;
	[smem:$0x7E4] =	sst s26  }
0x3e: {  	s15 =	sadd.s32 s24, s15;
	s25 =	sshrl.u32 s11, $0x3;
	[smem:$0x7EA] =	sst s9  }
0x3f: {  	s11 =	sshll.u32 s12, $0x7;
	s12 =	sadd.s32 $0xB, s0;
	[smem:$0x7DC] =	sst s15  }
0x40: {  	s13 =	sand.u32 $0xFFF8, s13;
	s26 =	sor.u32 $0x40, s17;
	[smem:$0x7EC] =	sst s12  }
0x41: {  	s28 =	sadd.s32 s3, s22;
	s13 =	sshll.u32 s13, $0x7;
	[smem:$0x7F6] =	sst s26  }
0x42: {  	s29 =	sshll.u32 s28, $0x4;
	s13 =	sadd.s32 s13, s1;
	[smem:$0x7FB] =	sst s11  }
0x43: {  	s14 =	ssub.s32 s17, s14;
	[smem:$0x7DD] =	sst s13;
	s13 =	sadd.s32 s24, s29  }
0x44: {  	s31 =	sshll.u32 s10, $0x4;
	s14 =	sand.u32 $0xFFF8, s14;
	[smem:$0x7DE] =	sst s13  }
0x45: {  	s30 =	sshll.u32 s14, $0x7;
	s14 =	sand.u32 $0x1FF0, s18;
	s18 =	sshll.u32 s7, $0x7  }
0x46: {  	s19 =	sadd.s32 s3, s23;
	s13 =	sadd.s32 s30, s1;
	[smem:$0x7F7] =	sst s18  }
0x47: {  	s15 =	sand.u32 $0x1FF0, s31;
	s14 =	smul.u32 $0x147B, s14;
	[smem:$0x7DF] =	sst s13  }
0x48: {  	s13 =	smul.u32 $0x147B, s15;
	s15 =	sshll.u32 s19, $0x4;
	s19 =	sadd.s32 $0x9, s0  }
0x49: {  	s15 =	sadd.s32 s24, s15;
	s22 =	sshrl.u32 s14, $0x11;
	[smem:$0x7EE] =	sst s19  }
0x4a: {  	[smem:$0x7E0] =	sst s15;
	s15 =	sshll.u32 s10, $0x7;
	s10 =	sadd.s32 s24, s25  }
0x4b: {  	s23 =	smul.u32 $0xC8, s22;
	s22 =	sadd.s32 $0x14000, s5;
	[smem:$0x7E2] =	sst s10  }
0x4c: {  	p0 =	sne.s32 s2, $0x0;
	s25 =	sor.u32 $0x40, s16;
	[smem:$0x7F1] =	sst s22  }
0x4d: {  	s2 =	smul.u32 $0x1A00, s2;
	s28 =	sadd.s32 s3, s18;
	[smem:$0x7F4] =	sst s25  }
0x4e: {  	s13 =	sshrl.u32 s13, $0x11;
	s10 =	sadd.s32 $0xC, s0;
	[smem:$0x7F9] =	sst s15  }
0x4f: {  	s21 =	smul.u32 $0xC8, s13;
	s13 =	sadd.s32 $0xA, s0;
	[smem:$0x7EB] =	sst s10  }
0x50: {  	s29 =	sadd.s32 s3, s15;
	s0 =	sadd.s32 $0x8, s0;
	[smem:$0x7ED] =	sst s13  }
0x51: {  	s7 =	ssub.s32 s11, s23;
	[smem:$0x7EF] =	sst s0;
	s8 =	ssub.s32 s15, s21  }
0x52: {  	s23 =	sshra.s32 s2, $0x2;
	s7 =	sand.u32 $0xFFF8, s7;
	s8 =	sand.u32 $0xFFF8, s8  }
0x53: {  	s21 =	sadd.s32 $0x18000, s5;
	[dreg:$0x5] =	wrdreg s23;
	s8 =	sshll.u32 s8, $0x7  }
0x54: {  	s7 =	sshll.u32 s7, $0x7;
	[smem:$0x7F0] =	sst s21;
	s8 =	sadd.s32 s8, s1  }
0x55: {  	s3 =	sadd.s32 s3, s11;
	s1 =	sadd.s32 s7, s1;
	[smem:$0x7E3] =	sst s8  }
0x56: {  	s7 =	sshll.u32 s28, $0x4;
	s28 =	sor.u32 $0x40, s18;
	[smem:$0x7E5] =	sst s1  }
0x57: {  	s3 =	sshll.u32 s3, $0x4;
	s30 =	sadd.s32 s24, s7;
	[smem:$0x7F8] =	sst s28  }
0x58: {  	s7 =	sadd.s32 s24, s3;
	[smem:$0x7E6] =	sst s30  }
0x59: {  	s8 =	sshll.u32 s29, $0x4;
	s29 =	sor.u32 $0x40, s15;
	[smem:$0x7E8] =	sst s7  }
0x5a: {  	s31 =	sadd.s32 s24, s8;
	[smem:$0x7FA] =	sst s29  }
0x5b: {  	s8 =	smax.u32 s4, $0x1;
	[smem:$0x7E7] =	sst s31  }
0x5c: {  	s14 =	smov.u32 s24;
	s24 =	sor.u32 $0x40, s20;
	[smem:$0x7E9] =	sst s8  }
0x5d: {  	s30 =	sor.u32 $0x40, s11;
	[smem:$0x7F2] =	sst s24  }
0x5e: {  	[smem:$0x7FC] =	sst s30;
	s31 =	sadd.s32 $0x580, s20  }
0x5f: {  	s2 =	simm.s32 $0x0;
	[smem:$0x7FD] =	sst s31  }
.LBB2_1:
0x60: {  	[smem:$0x7DA] =	sst s2  }
0x61: {  	s31 =	simm.s32 $0x0;
	s0 =	rddreg [dreg:$0x11];
	s17 =	simm.s32 $0x10  }
0x62: {  	[tilespmem:s31], [sflag:$0x10] =	stream.linear.gather [hbm4b:s0+s31], $0x6400, $0x38;
	[tilespmem:$0x1AE40] =	vst v63  }
0x63: {  	_ =	swait.ge [sflag:s17], $0x6400  }
0x64: {  	[sflag:s17] =	ssyncset.done $0x0  }
0x65: {  	[sflag:s17] =	ssyncadd.s32 $0xFFFF9C00  }
0x66: {  	s6 =	rddreg [dreg:$0x3]  }
0x67: {  	s2 =	simm.s32 @!p0 $0x1C10;
	s1 =	rddreg [dreg:$0x10];
	s0 =	sshrl.u32 @!p0 s6, $0x3  }
0x68: {  	[spmem:s0], [sflag:s2] =	dma.local @!p0 [hbm:s1], $0x1480  }
0x69: {  	s0 =	simm.s32 @!p0 $0x10  }
0x6a: {  	_ =	swait.ge @!p0 [sflag:s0], $0x1480  }
0x6b: {  	[sflag:s0] =	ssyncset.done @!p0 $0x0  }
0x6c: {  	[sflag:s0] =	ssyncadd.s32 @!p0 $0xFFFFEB80  }
0x6d: {  	[bflag:$0x0] =	sbarrier.arrive $0xFFFF  }
0x6e: {  	s28 =	simm.s32 $0x6E40;
	s18 =	rddreg [dreg:$0x13]  }
0x6f: {  	[tilespmem:s28], [sflag:$0xB] =	stream.linear.gather [spmem:s18], $0x4000, $0x38;
	[tilespmem:$0x1AE40] =	vst v63  }
0x70: {  	s20 =	simm.s32 $0xAE40;
	s19 =	rddreg [dreg:$0x14]  }
0x71: {  	[tilespmem:s20], [sflag:$0xC] =	stream.linear.gather [spmem:s19], $0x4000, $0x38;
	[tilespmem:$0x1AE40] =	vst v63  }
0x72: {  	s6 =	simm.s32 $0xEE40;
	s2 =	simm.s32 $0xB;
	s21 =	rddreg [dreg:$0x16]  }
0x73: {  	[tilespmem:s6], [sflag:$0xD] =	stream.linear.gather [spmem:s21], $0x4000, $0x38;
	[tilespmem:$0x1AE40] =	vst v63  }
0x74: {  	_ =	swait.ge [sflag:s2], $0x4000  }
0x75: {  	[sflag:s2] =	ssyncset.done $0x0;
	s22 =	rddreg [dreg:$0xd]  }
0x76: {  	s23 =	sld [smem:$0x7F2];
	[sflag:s2] =	ssyncadd.s32 $0xFFFFC000  }
0x77: {  	s19 =	simm.s32 $0x40;
	s1 =	rddreg [dreg:$0x1]  }
0x78: {  	[tilespmem:s28], [sflag:$0x1] =	stream.indirect.gather.add.f32 [hbm:s1], $0x80, s22, s19, $0xb8;
	[tilespmem:$0x1AE40] =	vst v63  }
0x79: {  	s3 =	simm.s32 $0x8E40;
	s4 =	simm.s32 $0xC  }
0x7a: {  	[tilespmem:s3], [sflag:$0x1] =	stream.indirect.gather.add.f32 [hbm:s1], $0x80, s23, s19, $0xb8;
	[tilespmem:$0x1AE40] =	vst v63  }
0x7b: {  	_ =	swait.ge [sflag:s4], $0x4000  }
0x7c: {  	[sflag:s4] =	ssyncset.done $0x0  }
0x7d: {  	s7 =	simm.s32 $0xAE40;
	s24 =	rddreg [dreg:$0xe];
	[sflag:s4] =	ssyncadd.s32 $0xFFFFC000  }
0x7e: {  	[tilespmem:s7], [sflag:$0x2] =	stream.indirect.gather.add.f32 [hbm:s1], $0x80, s24, s19, $0xb8;
	[tilespmem:$0x1AE40] =	vst v63  }
0x7f: {  	s5 =	simm.s32 $0xCE40;
	s12 =	simm.s32 $0x1;
	s25 =	rddreg [dreg:$0x1d]  }
0x80: {  	[tilespmem:s5], [sflag:$0x2] =	stream.indirect.gather.add.f32 [hbm:s1], $0x80, s25, s19, $0xb8;
	[tilespmem:$0x1AE40] =	vst v63  }
0x81: {  	_ =	swait.ge [sflag:s12], $0x2000  }
0x82: {  	[sflag:s12] =	ssyncset.done $0x0  }
0x83: {  	[sflag:s12] =	ssyncadd.s32 $0xFFFFE000  }
0x84: {  	_ =	swait.ge [sflag:s12], $0x2000  }
0x85: {  	[sflag:s12] =	ssyncset.done $0x0  }
0x86: {  	s15 =	simm.s32 $0xD;
	[sflag:s12] =	ssyncadd.s32 $0xFFFFE000  }
0x87: {  	_ =	swait.ge [sflag:s15], $0x4000  }
0x88: {  	[sflag:s15] =	ssyncset.done $0x0  }
0x89: {  	s26 =	rddreg [dreg:$0xf];
	[sflag:s15] =	ssyncadd.s32 $0xFFFFC000  }
0x8a: {  	[tilespmem:s6], [sflag:$0x3] =	stream.indirect.gather.add.f32 [hbm:s1], $0x80, s26, s19, $0xb8;
	[tilespmem:$0x1AE40] =	vst v63  }
0x8b: {  	s25 =	simm.s32 $0x10E40;
	s30 =	rddreg [dreg:$0x1e]  }
0x8c: {  	[tilespmem:s25], [sflag:$0x3] =	stream.indirect.gather.add.f32 [hbm:s1], $0x80, s30, s19, $0xb8;
	[tilespmem:$0x1AE40] =	vst v63  }
0x8d: {  	s8 =	rddreg [dreg:$0x17]  }
0x8e: {  	[hbm4b:s8+s31] =	stream.linear.scatter [tilespmem:s28], [sflag:$0x6], $0x4000, $0x38;
	[tilespmem:$0x1AE40] =	vst v63  }
0x8f: {  	s9 =	rddreg [dreg:$0x19];
	s8 =	simm.s32 $0x12E40  }
0x90: {  	[tilespmem:s8], [sflag:$0xE] =	stream.linear.gather [spmem:s9], $0x4000, $0x38;
	[tilespmem:$0x1AE40] =	vst v63  }
0x91: {  	s9 =	simm.s32 $0x2  }
0x92: {  	_ =	swait.ge [sflag:s9], $0x2000  }
0x93: {  	[sflag:s9] =	ssyncset.done $0x0  }
0x94: {  	[sflag:s9] =	ssyncadd.s32 $0xFFFFE000  }
0x95: {  	_ =	swait.ge [sflag:s9], $0x2000  }
0x96: {  	[sflag:s9] =	ssyncset.done $0x0  }
0x97: {  	s29 =	simm.s32 $0xE;
	[sflag:s9] =	ssyncadd.s32 $0xFFFFE000  }
0x98: {  	_ =	swait.ge [sflag:s29], $0x4000  }
0x99: {  	[sflag:s29] =	ssyncset.done $0x0  }
0x9a: {  	s10 =	simm.s32 $0x12E40;
	s11 =	rddreg [dreg:$0x12];
	[sflag:s29] =	ssyncadd.s32 $0xFFFFC000  }
0x9b: {  	[tilespmem:s10], [sflag:$0x4] =	stream.indirect.gather.add.f32 [hbm:s1], $0x80, s11, s19, $0xb8;
	[tilespmem:$0x1AE40] =	vst v63  }
0x9c: {  	s16 =	simm.s32 $0x14E40;
	s13 =	rddreg [dreg:$0x1f]  }
0x9d: {  	[tilespmem:s16], [sflag:$0x4] =	stream.indirect.gather.add.f32 [hbm:s1], $0x80, s13, s19, $0xb8;
	[tilespmem:$0x1AE40] =	vst v63  }
0x9e: {  	s17 =	rddreg [dreg:$0x1b]  }
0x9f: {  	[hbm4b:s17+s31] =	stream.linear.scatter [tilespmem:s7], [sflag:$0x7], $0x4000, $0x38;
	[tilespmem:$0x1AE40] =	vst v63  }
0xa0: {  	s20 =	simm.s32 $0x16E40;
	s22 =	simm.s32 $0x3;
	s18 =	rddreg [dreg:$0x1c]  }
0xa1: {  	[tilespmem:s20], [sflag:$0xF] =	stream.linear.gather [spmem:s18], $0x4000, $0x38;
	[tilespmem:$0x1AE40] =	vst v63  }
0xa2: {  	_ =	swait.ge [sflag:s22], $0x2000  }
0xa3: {  	[sflag:s22] =	ssyncset.done $0x0  }
0xa4: {  	[sflag:s22] =	ssyncadd.s32 $0xFFFFE000  }
0xa5: {  	_ =	swait.ge [sflag:s22], $0x2000  }
0xa6: {  	[sflag:s22] =	ssyncset.done $0x0  }
0xa7: {  	s23 =	simm.s32 $0xF;
	[sflag:s22] =	ssyncadd.s32 $0xFFFFE000  }
0xa8: {  	_ =	swait.ge [sflag:s23], $0x4000  }
0xa9: {  	[sflag:s23] =	ssyncset.done $0x0;
	s24 =	rddreg [dreg:$0x15]  }
0xaa: {  	s21 =	simm.s32 $0x16E40;
	s26 =	sld [smem:$0x7DB];
	[sflag:s23] =	ssyncadd.s32 $0xFFFFC000  }
0xab: {  	[tilespmem:s21], [sflag:$0x5] =	stream.indirect.gather.add.f32 [hbm:s1], $0x80, s24, s19, $0xb8;
	[tilespmem:$0x1AE40] =	vst v63  }
0xac: {  	s30 =	simm.s32 $0x18E40;
	s11 =	sld [smem:$0x7DC]  }
0xad: {  	[tilespmem:s30], [sflag:$0x5] =	stream.indirect.gather.add.f32 [hbm:s1], $0x80, s26, s19, $0xb8;
	[tilespmem:$0x1AE40] =	vst v63  }
0xae: {  	s13 =	simm.s32 $0x6  }
0xaf: {  	[hbm4b:s11+s31] =	stream.linear.scatter [tilespmem:s6], [sflag:$0x8], $0x4000, $0x38;
	[tilespmem:$0x1AE40] =	vst v63  }
0xb0: {  	_ =	swait.ge [sflag:s13], $0x4000  }
0xb1: {  	s16 =	sld [smem:$0x7DD]  }
0xb2: {  	[sflag:s13] =	ssyncset.done $0x0  }
0xb3: {  	s17 =	simm.s32 $0x4;
	[sflag:s13] =	ssyncadd.s32 $0xFFFFC000  }
0xb4: {  	[tilespmem:s28], [sflag:$0xB] =	stream.linear.gather [spmem:s16], $0x4000, $0x38;
	[tilespmem:$0x1AE40] =	vst v63  }
0xb5: {  	_ =	swait.ge [sflag:s17], $0x2000  }
0xb6: {  	[sflag:s17] =	ssyncset.done $0x0  }
0xb7: {  	[sflag:s17] =	ssyncadd.s32 $0xFFFFE000  }
0xb8: {  	_ =	swait.ge [sflag:s17], $0x2000  }
0xb9: {  	[sflag:s17] =	ssyncset.done $0x0  }
0xba: {  	[sflag:s17] =	ssyncadd.s32 $0xFFFFE000  }
0xbb: {  	_ =	swait.ge [sflag:s2], $0x4000  }
0xbc: {  	s18 =	sld [smem:$0x7F3]  }
0xbd: {  	[sflag:s2] =	ssyncset.done $0x0  }
0xbe: {  	s20 =	sld [smem:$0x7F4];
	[sflag:s2] =	ssyncadd.s32 $0xFFFFC000  }
0xbf: {  	[tilespmem:s28], [sflag:$0x1] =	stream.indirect.gather.add.f32 [hbm:s1], $0x80, s18, s19, $0xb8;
	[tilespmem:$0x1AE40] =	vst v63  }
0xc0: {  	s21 =	sld [smem:$0x7DE]  }
0xc1: {  	[tilespmem:s3], [sflag:$0x1] =	stream.indirect.gather.add.f32 [hbm:s1], $0x80, s20, s19, $0xb8;
	[tilespmem:$0x1AE40] =	vst v63  }
0xc2: {  	s10 =	simm.s32 $0x12E40;
	s22 =	simm.s32 $0x7  }
0xc3: {  	[hbm4b:s21+s31] =	stream.linear.scatter [tilespmem:s10], [sflag:$0x9], $0x4000, $0x38;
	[tilespmem:$0x1AE40] =	vst v63  }
0xc4: {  	_ =	swait.ge [sflag:s22], $0x4000  }
0xc5: {  	s23 =	sld [smem:$0x7DF]  }
0xc6: {  	[sflag:s22] =	ssyncset.done $0x0  }
0xc7: {  	s24 =	simm.s32 $0xAE40;
	s26 =	simm.s32 $0x5;
	[sflag:s22] =	ssyncadd.s32 $0xFFFFC000  }
0xc8: {  	[tilespmem:s24], [sflag:$0xC] =	stream.linear.gather [spmem:s23], $0x4000, $0x38;
	[tilespmem:$0x1AE40] =	vst v63  }
0xc9: {  	_ =	swait.ge [sflag:s26], $0x2000  }
0xca: {  	[sflag:s26] =	ssyncset.done $0x0  }
0xcb: {  	[sflag:s26] =	ssyncadd.s32 $0xFFFFE000  }
0xcc: {  	_ =	swait.ge [sflag:s26], $0x2000  }
0xcd: {  	[sflag:s26] =	ssyncset.done $0x0  }
0xce: {  	[sflag:s26] =	ssyncadd.s32 $0xFFFFE000  }
0xcf: {  	_ =	swait.ge [sflag:s4], $0x4000  }
0xd0: {  	s30 =	sld [smem:$0x7F5]  }
0xd1: {  	[sflag:s4] =	ssyncset.done $0x0;
	s3 =	sld [smem:$0x7EF]  }
0xd2: {  	[sflag:s4] =	ssyncadd.s32 $0xFFFFC000;
	s4 =	sld [smem:$0x7F6]  }
0xd3: {  	[tilespmem:s24], [sflag:$0x2] =	stream.indirect.gather.add.f32 [hbm:s1], $0x80, s30, s19, $0xb8;
	[tilespmem:$0x1AE40] =	vst v63  }
0xd4: {  	s10 =	sld [smem:$0x7E0];
	s0 =	smulhi.u32 $0x51EB851F, s3  }
0xd5: {  	[tilespmem:s5], [sflag:$0x2] =	stream.indirect.gather.add.f32 [hbm:s1], $0x80, s4, s19, $0xb8;
	[tilespmem:$0x1AE40] =	vst v63  }
0xd6: {  	s23 =	sld [smem:$0x7FD];
	s7 =	sshrl.u32 s0, $0x6  }
0xd7: {  	s8 =	simm.s32 $0x16E40;
	s13 =	simm.s32 $0x8;
	s0 =	smul.u32 $0xFFFF9C00, s7  }
0xd8: {  	[hbm4b:s10+s31] =	stream.linear.scatter [tilespmem:s8], [sflag:$0xA], $0x4000, $0x38;
	[tilespmem:$0x1AE40] =	vst v63  }
0xd9: {  	s17 =	smul.u32 $0xFFFE7000, s7;
	s0 =	sadd.s32 s0, s23;
	_ =	swait.ge [sflag:s13], $0x4000  }
0xda: {  	s2 =	smul.u32 $0xFFF9C000, s7;
	s11 =	sadd.s32 $0xFFFFFE80, s0;
	s16 =	sld [smem:$0x7E1]  }
0xdb: {  	[sflag:s13] =	ssyncset.done $0x0;
	s22 =	rddreg [dreg:$0xc];
	s0 =	sand.u32 $0xFFF8, s11  }
0xdc: {  	s24 =	sld [smem:$0x7ED];
	s20 =	smulhi.u32 $0x51EB851F, s22;
	s0 =	sshrl.u32 s0, $0x3  }
0xdd: {  	[sflag:s13] =	ssyncadd.s32 $0xFFFFC000;
	s0 =	smul.u32 $0x147B, s0  }
0xde: {  	[tilespmem:s6], [sflag:$0xD] =	stream.linear.gather [spmem:s16], $0x4000, $0x38;
	[tilespmem:$0x1AE40] =	vst v63  }
0xdf: {  	s3 =	simm.s32 $0xA00;
	s21 =	smulhi.u32 $0x51EB851F, s24;
	s26 =	sshrl.u32 s20, $0x6  }
0xe0: {  	s16 =	simm.s32 $0x0;
	s8 =	smul.u32 $0xFFFE7000, s26;
	_ =	swait.ge [sflag:s12], $0x2000  }
0xe1: {  	s7 =	smul.u32 $0xFFF9C000, s26;
	s0 =	sshrl.u32 s0, $0x11;
	s5 =	sshrl.u32 s21, $0x6  }
0xe2: {  	s18 =	smul.u32 $0xC8, s0;
	s0 =	sshra.s32 s17, $0x2;
	s17 =	sld [smem:$0x7EA]  }
0xe3: {  	[sflag:s12] =	ssyncset.done $0x0;
	s21 =	rddreg [dreg:$0x5];
	s20 =	smul.u32 $0xFFFE7000, s5  }
0xe4: {  	s30 =	sshra.s32 s8, $0x2;
	[sflag:s12] =	ssyncadd.s32 $0xFFFFE000;
	s5 =	smul.u32 $0xFFFF9C00, s5  }
0xe5: {  	s8 =	sadd.s32 s21, s30;
	s30 =	sld [smem:$0x7EE];
	s2 =	sadd.s32 s2, s17  }
0xe6: {  	s0 =	sadd.s32 s21, s0;
	s4 =	ssub.s32 s11, s18;
	[dreg:$0x6] =	wrdreg s2  }
0xe7: {  	s8 =	sadd.s32 $0x0, s8;
	s5 =	sadd.s32 s5, s23;
	_ =	swait.ge [sflag:s12], $0x2000  }
0xe8: {  	s0 =	sadd.s32 $0x0, s0;
	s2 =	smulhi.u32 $0x51EB851F, s30;
	[sflag:s12] =	ssyncset.done $0x0  }
0xe9: {  	s4 =	sand.u32 $0xFFFF, s4;
	s18 =	rddreg [dreg:$0x18];
	[sflag:s12] =	ssyncadd.s32 $0xFFFFE000  }
0xea: {  	s26 =	sshrl.u32 s2, $0x6;
	s11 =	smulhi.u32 $0x51EB851F, s18;
	_ =	swait.ge [sflag:s15], $0x4000  }
0xeb: {  	s7 =	sadd.s32 s7, s17;
	s2 =	smul.u32 $0xFFFE7000, s26;
	[sflag:s15] =	ssyncset.done $0x0  }
0xec: {  	s10 =	sshrl.u32 s11, $0x6;
	s11 =	sadd.s32 $0x380, s8;
	[sflag:s15] =	ssyncadd.s32 $0xFFFFC000  }
0xed: {  	[tilespmem:s6], [sflag:$0x3] =	stream.indirect.gather.add.f32 [hbm:s1], $0x80, s11, s19, $0xb8;
	[tilespmem:$0x1AE40] =	vst v63  }
0xee: {  	s5 =	sadd.s32 $0xFFFFFF80, s5;
	s13 =	smul.u32 $0xFFFF9C00, s26;
	s11 =	sld [smem:$0x7F1]  }
0xef: {  	s4 =	sshll.u32 s4, $0x7;
	s8 =	sadd.s32 $0x3C0, s8;
	s10 =	smul.u32 $0x320000, s10  }
0xf0: {  	[tilespmem:s25], [sflag:$0x3] =	stream.indirect.gather.add.f32 [hbm:s1], $0x80, s8, s19, $0xb8;
	[tilespmem:$0x1AE40] =	vst v63  }
0xf1: {  	s12 =	simm.s32 $0x14E40;
	s13 =	sadd.s32 s13, s23;
	s10 =	ssub.s32 s11, s10  }
0xf2: {  	[dreg:$0x8] =	wrdreg s7;
	s25 =	sadd.s32 $0xFFFFFF00, s13;
	s10 =	sshrl.u32 s10, $0x3  }
0xf3: {  	s6 =	simm.s32 $0x9;
	s13 =	sand.u32 $0xFFF8, s25;
	s10 =	sadd.s32 s14, s10  }
0xf4: {  	[hbm4b:s10+s31] =	stream.linear.scatter [tilespmem:s28], [sflag:$0x6], $0x4000, $0x38;
	[tilespmem:$0x1AE40] =	vst v63  }
0xf5: {  	s15 =	sshra.s32 s2, $0x2;
	s2 =	sshrl.u32 s13, $0x3;
	_ =	swait.ge [sflag:s6], $0x4000  }
0xf6: {  	s8 =	sadd.s32 s21, s15;
	s7 =	smul.u32 $0x147B, s2;
	[sflag:s6] =	ssyncset.done $0x0  }
0xf7: {  	s2 =	simm.s32 $0x12E40;
	s10 =	sand.u32 $0xFFF8, s5;
	s13 =	rddreg [dreg:$0x3]  }
0xf8: {  	s7 =	sshrl.u32 s7, $0x11;
	[sflag:s6] =	ssyncadd.s32 $0xFFFFC000;
	s4 =	sadd.s32 s4, s13  }
0xf9: {  	[tilespmem:s2], [sflag:$0xE] =	stream.linear.gather [spmem:s4], $0x4000, $0x38;
	[tilespmem:$0x1AE40] =	vst v63  }
0xfa: {  	s4 =	smul.u32 $0xC8, s7;
	s7 =	sshrl.u32 s10, $0x3;
	_ =	swait.ge [sflag:s9], $0x2000  }
0xfb: {  	s10 =	simm.s32 $0xA;
	s7 =	smul.u32 $0x147B, s7;
	[sflag:s9] =	ssyncset.done $0x0  }
0xfc: {  	s4 =	ssub.s32 s25, s4;
	s28 =	rddreg [dreg:$0x1a];
	s25 =	sadd.s32 $0x0, s8  }
0xfd: {  	[sflag:s9] =	ssyncadd.s32 $0xFFFFE000;
	s15 =	smulhi.u32 $0x51EB851F, s28;
	s4 =	sand.u32 $0xFFFF, s4  }
0xfe: {  	s7 =	sshrl.u32 s7, $0x11;
	_ =	swait.ge [sflag:s9], $0x2000;
	s4 =	sshll.u32 s4, $0x7  }
0xff: {  	s7 =	smul.u32 $0xC8, s7;
	[sflag:s9] =	ssyncset.done $0x0;
	s6 =	sshrl.u32 s15, $0x6  }
0x100: {  	s4 =	sadd.s32 s4, s13;
	s13 =	sadd.s32 $0x480, s25;
	[sflag:s9] =	ssyncadd.s32 $0xFFFFE000  }
0x101: {  	s8 =	smul.u32 $0x320000, s6;
	s9 =	sadd.s32 $0x400, s0;
	_ =	swait.ge [sflag:s29], $0x4000  }
0x102: {  	s5 =	ssub.s32 s5, s7;
	[sflag:s29] =	ssyncset.done $0x0;
	s15 =	sld [smem:$0x7F0]  }
0x103: {  	s0 =	sadd.s32 $0x440, s0;
	s5 =	sand.u32 $0xFFFF, s5;
	[sflag:s29] =	ssyncadd.s32 $0xFFFFC000  }
0x104: {  	[tilespmem:s2], [sflag:$0x4] =	stream.indirect.gather.add.f32 [hbm:s1], $0x80, s9, s19, $0xb8;
	[tilespmem:$0x1AE40] =	vst v63  }
0x105: {  	s5 =	sshll.u32 s5, $0x7;
	s2 =	sshra.s32 s20, $0x2;
	s8 =	ssub.s32 s15, s8  }
0x106: {  	[tilespmem:s12], [sflag:$0x4] =	stream.indirect.gather.add.f32 [hbm:s1], $0x80, s0, s19, $0xb8;
	[tilespmem:$0x1AE40] =	vst v63  }
0x107: {  	s9 =	simm.s32 $0xAE40;
	s8 =	sshrl.u32 s8, $0x3;
	s19 =	sld [smem:$0x7EC]  }
0x108: {  	s0 =	sadd.s32 s21, s2;
	s21 =	simm.s32 $0x16E40;
	s8 =	sadd.s32 s14, s8  }
0x109: {  	[hbm4b:s8+s31] =	stream.linear.scatter [tilespmem:s9], [sflag:$0x7], $0x4000, $0x38;
	[tilespmem:$0x1AE40] =	vst v63  }
0x10a: {  	s20 =	sadd.s32 $0x0, s0;
	s31 =	sadd.s32 $0x5, s22;
	s6 =	smulhi.u32 $0x51EB851F, s19  }
0x10b: {  	s8 =	smov.u32 s23;
	s23 =	smov.u32 s17;
	_ =	swait.ge [sflag:s10], $0x4000  }
0x10c: {  	[sflag:s10] =	ssyncset.done $0x0;
	s29 =	sld [smem:$0x7EF];
	s2 =	sshrl.u32 s6, $0x6  }
0x10d: {  	[sflag:s10] =	ssyncadd.s32 $0xFFFFC000;
	s10 =	smov.u32 s11;
	s12 =	smul.u32 $0xFFFE7000, s2  }
0x10e: {  	[tilespmem:s21], [sflag:$0xF] =	stream.linear.gather [spmem:s4], $0x4000, $0x38;
	[tilespmem:$0x1AE40] =	vst v63  }
0x10f: {  	s7 =	smul.u32 $0xFFFF9C00, s2;
	s21 =	sld [smem:$0x7EB];
	s2 =	smov.u32 s17  }
0x110: {  	s4 =	smov.u32 s28;
	s0 =	sshra.s32 s12, $0x2;
	s12 =	smov.u32 s30  }
.LBB2_2:
0x111: {  	s1 =	simm.s32 $0x3;
	s6 =	sadd.s32 $0xA00, s3;
	s29 =	sadd.s32 $0x5, s29  }
0x112: {  	p1 =	sne.s32 s3, $0x17200;
	s23 =	sadd.s32 $0x2800, s23;
	s24 =	sadd.s32 $0x5, s24  }
0x113: {  	s11 =	smulhi.u32 $0x51EB851F, s21;
	s25 =	sadd.s32 $0x4C0, s25;
	s10 =	sadd.s32 $0x14000, s10  }
0x114: {  	s26 =	smul.u32 $0xFFF9C000, s26;
	s18 =	sadd.s32 $0x5, s18;
	s12 =	sadd.s32 $0x5, s12  }
0x115: {  	s4 =	sadd.s32 $0x5, s4;
	_ =	swait.ge [sflag:s1], $0x2000;
	s17 =	sadd.s32 s7, s8  }
0x116: {  	s7 =	smov.u32 s3;
	[dreg:$0x7] =	wrdreg s6;
	s28 =	smulhi.u32 $0x51EB851F, s29  }
0x117: {  	s8 =	sadd.s32 $0x280, s8;
	[sflag:s1] =	ssyncset.done $0x0;
	s30 =	sand.u32 $0xFFF8, s17  }
0x118: {  	s11 =	sshrl.u32 s11, $0x6;
	[sflag:s1] =	ssyncadd.s32 $0xFFFFE000;
	s22 =	sshrl.u32 s30, $0x3  }
0x119: {  	s30 =	sshrl.u32 s28, $0x6;
	_ =	swait.ge [sflag:s1], $0x2000;
	s3 =	smul.u32 $0x147B, s22  }
0x11a: {  	s2 =	sadd.s32 s26, s2;
	s6 =	smul.u32 $0xFFFE7000, s30;
	[sflag:s1] =	ssyncset.done $0x0  }
0x11b: {  	s11 =	smul.u32 $0xC8, s11;
	s22 =	simm.s32 $0xF;
	[sflag:s1] =	ssyncadd.s32 $0xFFFFE000  }
0x11c: {  	s9 =	sshrl.u32 s3, $0x11;
	s1 =	sshra.s32 s6, $0x2;
	_ =	swait.ge [sflag:s22], $0x4000  }
0x11d: {  	[dreg:$0x9] =	wrdreg s1;
	s1 =	smul.u32 $0xC8, s9;
	[sflag:s22] =	ssyncset.done $0x0  }
0x11e: {  	s28 =	smul.u32 $0xFFFF9C00, s30;
	s9 =	simm.s32 $0x16E40;
	[sflag:s22] =	ssyncadd.s32 $0xFFFFC000  }
0x11f: {  	s22 =	simm.s32 $0x40;
	s1 =	ssub.s32 s17, s1;
	s6 =	rddreg [dreg:$0x1]  }
0x120: {  	[tilespmem:s9], [sflag:$0x5] =	stream.indirect.gather.add.f32 [hbm:s6], $0x80, s13, s22, $0xb8;
	[tilespmem:$0x1AE40] =	vst v63  }
0x121: {  	s17 =	rddreg [dreg:$0x8];
	s9 =	sadd.s32 s28, s8;
	s28 =	simm.s32 $0x18E40  }
0x122: {  	[tilespmem:s28], [sflag:$0x5] =	stream.indirect.gather.add.f32 [hbm:s6], $0x80, s25, s22, $0xb8;
	[tilespmem:$0x1AE40] =	vst v63  }
0x123: {  	s22 =	sadd.s32 $0xFFFFF000, s17;
	s25 =	simm.s32 $0x0;
	s28 =	simm.s32 $0xEE40  }
0x124: {  	[hbm4b:s22+s25] =	stream.linear.scatter [tilespmem:s28], [sflag:$0x8], $0x4000, $0x38;
	[tilespmem:$0x1AE40] =	vst v63  }
0x125: {  	s30 =	smul.u32 $0xFFF9C000, s30;
	s9 =	sadd.s32 $0xFFFFFE80, s9;
	s25 =	simm.s32 $0x6  }
0x126: {  	s11 =	ssub.s32 s21, s11;
	s22 =	sand.u32 $0xFFF8, s9;
	_ =	swait.ge [sflag:s25], $0x4000  }
0x127: {  	s1 =	sand.u32 $0xFFFF, s1;
	s13 =	sshrl.u32 s22, $0x3;
	[sflag:s25] =	ssyncset.done $0x0  }
0x128: {  	s1 =	sshll.u32 s1, $0x7;
	s13 =	smul.u32 $0x147B, s13;
	[sflag:s25] =	ssyncadd.s32 $0xFFFFC000  }
0x129: {  	s17 =	smulhi.u32 $0x51EB851F, s24;
	s28 =	simm.s32 $0x6E40;
	s3 =	rddreg [dreg:$0x3]  }
0x12a: {  	s25 =	simm.s32 $0x4;
	s22 =	sshrl.u32 s13, $0x11;
	s5 =	sadd.s32 s5, s3  }
0x12b: {  	[tilespmem:s28], [sflag:$0xB] =	stream.linear.gather [spmem:s5], $0x4000, $0x38;
	[tilespmem:$0x1AE40] =	vst v63  }
0x12c: {  	s17 =	sshrl.u32 s17, $0x6;
	s5 =	smul.u32 $0xC8, s22;
	_ =	swait.ge [sflag:s25], $0x2000  }
0x12d: {  	s13 =	sadd.s32 s30, s23;
	s30 =	smulhi.u32 $0x51EB851F, s31;
	[sflag:s25] =	ssyncset.done $0x0  }
0x12e: {  	s5 =	ssub.s32 s9, s5;
	s9 =	sshll.u32 s11, $0x7;
	[sflag:s25] =	ssyncadd.s32 $0xFFFFE000  }
0x12f: {  	s5 =	sand.u32 $0xFFFF, s5;
	s11 =	sand.u32 $0xFF80, s9;
	_ =	swait.ge [sflag:s25], $0x2000  }
0x130: {  	s5 =	sshll.u32 s5, $0x7;
	s11 =	smul.u32 $0x147B, s11;
	[sflag:s25] =	ssyncset.done $0x0  }
0x131: {  	[dreg:$0xa] =	wrdreg s5;
	s5 =	simm.s32 $0xB;
	[sflag:s25] =	ssyncadd.s32 $0xFFFFE000  }
0x132: {  	s1 =	sadd.s32 s1, s3;
	s11 =	sshrl.u32 s11, $0x14;
	_ =	swait.ge [sflag:s5], $0x4000  }
0x133: {  	s28 =	simm.s32 $0x6E40;
	s11 =	smul.u32 $0xC8, s11;
	s22 =	rddreg [dreg:$0x6]  }
0x134: {  	[dreg:$0x6] =	wrdreg s13;
	[sflag:s5] =	ssyncset.done $0x0;
	s25 =	sadd.s32 $0xFFFFF800, s22  }
0x135: {  	[sflag:s5] =	ssyncadd.s32 $0xFFFFC000;
	s5 =	sadd.s32 $0x500, s20;
	s22 =	simm.s32 $0x40  }
0x136: {  	[tilespmem:s28], [sflag:$0x1] =	stream.indirect.gather.add.f32 [hbm:s6], $0x80, s5, s22, $0xb8;
	[tilespmem:$0x1AE40] =	vst v63  }
0x137: {  	s28 =	sshrl.u32 s30, $0x6;
	s30 =	sadd.s32 $0x540, s20;
	s5 =	simm.s32 $0x8E40  }
0x138: {  	[tilespmem:s5], [sflag:$0x1] =	stream.indirect.gather.add.f32 [hbm:s6], $0x80, s30, s22, $0xb8;
	[tilespmem:$0x1AE40] =	vst v63  }
0x139: {  	s9 =	ssub.s32 s9, s11;
	s13 =	smul.u32 $0xFFFE7000, s28;
	s5 =	smov.u32 s3  }
0x13a: {  	s22 =	simm.s32 $0x12E40;
	s30 =	simm.s32 $0x0;
	s3 =	simm.s32 $0x7  }
0x13b: {  	[hbm4b:s25+s30] =	stream.linear.scatter [tilespmem:s22], [sflag:$0x9], $0x4000, $0x38;
	[tilespmem:$0x1AE40] =	vst v63  }
0x13c: {  	s11 =	smul.u32 $0xFFFE7000, s17;
	s20 =	simm.s32 $0xAE40;
	_ =	swait.ge [sflag:s3], $0x4000  }
0x13d: {  	s13 =	sshra.s32 s13, $0x2;
	s25 =	simm.s32 $0xAE40;
	s30 =	rddreg [dreg:$0x5]  }
0x13e: {  	[sflag:s3] =	ssyncset.done $0x0;
	s22 =	sadd.s32 s30, s13;
	s13 =	sshra.s32 s7, $0x2  }
0x13f: {  	[sflag:s3] =	ssyncadd.s32 $0xFFFFC000;
	s3 =	sand.u32 $0xFFF8, s9;
	s9 =	smul.u32 $0xFFF9C000, s28  }
0x140: {  	[tilespmem:s25], [sflag:$0xC] =	stream.linear.gather [spmem:s1], $0x4000, $0x38;
	[tilespmem:$0x1AE40] =	vst v63  }
0x141: {  	s0 =	sadd.s32 s30, s0;
	s28 =	simm.s32 $0x40;
	s25 =	simm.s32 $0x5  }
0x142: {  	s7 =	sadd.s32 s13, s22;
	s22 =	smov.u32 s14;
	_ =	swait.ge [sflag:s25], $0x2000  }
0x143: {  	s1 =	sshll.u32 s3, $0x7;
	s14 =	smulhi.u32 $0x51EB851F, s12;
	[sflag:s25] =	ssyncset.done $0x0  }
0x144: {  	s0 =	sadd.s32 s16, s0;
	[dreg:$0xb] =	wrdreg s11;
	[sflag:s25] =	ssyncadd.s32 $0xFFFFE000  }
0x145: {  	s3 =	simm.s32 $0xEE40;
	s16 =	sadd.s32 $0x580, s0;
	_ =	swait.ge [sflag:s25], $0x2000  }
0x146: {  	s0 =	sadd.s32 $0x5C0, s0;
	s26 =	sshrl.u32 s14, $0x6;
	[sflag:s25] =	ssyncset.done $0x0  }
0x147: {  	s11 =	smul.u32 $0xFFFE7000, s26;
	[sflag:s25] =	ssyncadd.s32 $0xFFFFE000;
	s25 =	simm.s32 $0xC  }
0x148: {  	s9 =	sadd.s32 s9, s23;
	s1 =	sadd.s32 s1, s5;
	_ =	swait.ge [sflag:s25], $0x4000  }
0x149: {  	s14 =	simm.s32 $0xCE40;
	s11 =	sshra.s32 s11, $0x2;
	[sflag:s25] =	ssyncset.done $0x0  }
0x14a: {  	[dreg:$0x8] =	wrdreg s9;
	[sflag:s25] =	ssyncadd.s32 $0xFFFFC000;
	s25 =	smul.u32 $0xFFFF9C00, s26  }
0x14b: {  	[tilespmem:s20], [sflag:$0x2] =	stream.indirect.gather.add.f32 [hbm:s6], $0x80, s16, s28, $0xb8;
	[tilespmem:$0x1AE40] =	vst v63  }
0x14c: {  	s20 =	simm.s32 $0x16E40;
	s16 =	sadd.s32 s25, s8;
	s25 =	simm.s32 $0x0  }
0x14d: {  	[tilespmem:s14], [sflag:$0x2] =	stream.indirect.gather.add.f32 [hbm:s6], $0x80, s0, s28, $0xb8;
	[tilespmem:$0x1AE40] =	vst v63  }
0x14e: {  	s28 =	simm.s32 $0x40;
	s0 =	sadd.s32 s30, s11;
	s9 =	sadd.s32 $0xFFFFFF00, s16  }
0x14f: {  	[hbm4b:s2+s25] =	stream.linear.scatter [tilespmem:s20], [sflag:$0xA], $0x4000, $0x38;
	[tilespmem:$0x1AE40] =	vst v63  }
0x150: {  	s14 =	simm.s32 $0x8;
	s16 =	sand.u32 $0xFFF8, s9;
	s20 =	smul.u32 $0xFFFF9C00, s17  }
0x151: {  	s25 =	sadd.s32 s13, s0;
	s2 =	sshrl.u32 s16, $0x3;
	_ =	swait.ge [sflag:s14], $0x4000  }
0x152: {  	s16 =	smul.u32 $0x147B, s2;
	[sflag:s14] =	ssyncset.done $0x0;
	s0 =	sadd.s32 s20, s8  }
0x153: {  	s20 =	smulhi.u32 $0x51EB851F, s18;
	[sflag:s14] =	ssyncadd.s32 $0xFFFFC000;
	s14 =	simm.s32 $0x1  }
0x154: {  	[tilespmem:s3], [sflag:$0xD] =	stream.linear.gather [spmem:s1], $0x4000, $0x38;
	[tilespmem:$0x1AE40] =	vst v63  }
0x155: {  	s0 =	sadd.s32 $0xFFFFFF80, s0;
	s1 =	sshrl.u32 s16, $0x11;
	_ =	swait.ge [sflag:s14], $0x2000  }
0x156: {  	s17 =	sand.u32 $0xFFF8, s0;
	s16 =	smov.u32 s13;
	[sflag:s14] =	ssyncset.done $0x0  }
0x157: {  	s1 =	smul.u32 $0xC8, s1;
	s11 =	sshrl.u32 s17, $0x3;
	[sflag:s14] =	ssyncadd.s32 $0xFFFFE000  }
0x158: {  	s17 =	sshrl.u32 s20, $0x6;
	s11 =	smul.u32 $0x147B, s11;
	_ =	swait.ge [sflag:s14], $0x2000  }
0x159: {  	s20 =	smul.u32 $0x320000, s17;
	s17 =	sadd.s32 $0x380, s7;
	[sflag:s14] =	ssyncset.done $0x0  }
0x15a: {  	s1 =	ssub.s32 s9, s1;
	[sflag:s14] =	ssyncadd.s32 $0xFFFFE000;
	s14 =	simm.s32 $0xD  }
0x15b: {  	s7 =	sadd.s32 $0x3C0, s7;
	s1 =	sand.u32 $0xFFFF, s1;
	_ =	swait.ge [sflag:s14], $0x4000  }
0x15c: {  	s13 =	sshll.u32 s1, $0x7;
	s1 =	ssub.s32 s10, s20;
	[sflag:s14] =	ssyncset.done $0x0  }
0x15d: {  	s9 =	sshrl.u32 s11, $0x11;
	s1 =	sshrl.u32 s1, $0x3;
	[sflag:s14] =	ssyncadd.s32 $0xFFFFC000  }
0x15e: {  	[tilespmem:s3], [sflag:$0x3] =	stream.indirect.gather.add.f32 [hbm:s6], $0x80, s17, s28, $0xb8;
	[tilespmem:$0x1AE40] =	vst v63  }
0x15f: {  	s20 =	simm.s32 $0x10E40;
	s1 =	sadd.s32 s22, s1;
	s17 =	rddreg [dreg:$0x9]  }
0x160: {  	s11 =	rddreg [dreg:$0xb];
	s14 =	smulhi.u32 $0x51EB851F, s4;
	s3 =	sadd.s32 s30, s17  }
0x161: {  	[tilespmem:s20], [sflag:$0x3] =	stream.indirect.gather.add.f32 [hbm:s6], $0x80, s7, s28, $0xb8;
	[tilespmem:$0x1AE40] =	vst v63  }
0x162: {  	s17 =	simm.s32 $0x0;
	s7 =	sshra.s32 s11, $0x2;
	s20 =	simm.s32 $0x6E40  }
0x163: {  	[hbm4b:s1+s17] =	stream.linear.scatter [tilespmem:s20], [sflag:$0x6], $0x4000, $0x38;
	[tilespmem:$0x1AE40] =	vst v63  }
0x164: {  	s14 =	sshrl.u32 s14, $0x6;
	s11 =	simm.s32 $0x9;
	s1 =	sadd.s32 s30, s7  }
0x165: {  	s30 =	smov.u32 s5;
	s7 =	smul.u32 $0x320000, s14;
	_ =	swait.ge [sflag:s11], $0x4000  }
0x166: {  	s14 =	simm.s32 $0x2;
	[sflag:s11] =	ssyncset.done $0x0;
	s20 =	rddreg [dreg:$0xa]  }
0x167: {  	s5 =	sadd.s32 s20, s30;
	[sflag:s11] =	ssyncadd.s32 $0xFFFFC000;
	s11 =	simm.s32 $0x12E40  }
0x168: {  	[tilespmem:s11], [sflag:$0xE] =	stream.linear.gather [spmem:s5], $0x4000, $0x38;
	[tilespmem:$0x1AE40] =	vst v63  }
0x169: {  	_ =	swait.ge [sflag:s14], $0x2000  }
0x16a: {  	s15 =	sadd.s32 $0x14000, s15;
	s9 =	smul.u32 $0xC8, s9;
	[sflag:s14] =	ssyncset.done $0x0  }
0x16b: {  	s19 =	sadd.s32 $0x5, s19;
	s21 =	sadd.s32 $0x5, s21;
	[sflag:s14] =	ssyncadd.s32 $0xFFFFE000  }
0x16c: {  	s0 =	ssub.s32 s0, s9;
	s3 =	sadd.s32 s16, s3;
	_ =	swait.ge [sflag:s14], $0x2000  }
0x16d: {  	s0 =	sand.u32 $0xFFFF, s0;
	s9 =	sadd.s32 $0x400, s3;
	[sflag:s14] =	ssyncset.done $0x0  }
0x16e: {  	s5 =	sshll.u32 s0, $0x7;
	s0 =	simm.s32 $0xE;
	[sflag:s14] =	ssyncadd.s32 $0xFFFFE000  }
0x16f: {  	s3 =	sadd.s32 $0x440, s3;
	s7 =	ssub.s32 s15, s7;
	_ =	swait.ge [sflag:s0], $0x4000  }
0x170: {  	s20 =	sadd.s32 s16, s1;
	s1 =	sshrl.u32 s7, $0x3;
	[sflag:s0] =	ssyncset.done $0x0  }
0x171: {  	s1 =	sadd.s32 s22, s1;
	s14 =	smulhi.u32 $0x51EB851F, s19;
	[sflag:s0] =	ssyncadd.s32 $0xFFFFC000  }
0x172: {  	[tilespmem:s11], [sflag:$0x4] =	stream.indirect.gather.add.f32 [hbm:s6], $0x80, s9, s28, $0xb8;
	[tilespmem:$0x1AE40] =	vst v63  }
0x173: {  	s0 =	sshrl.u32 s14, $0x6;
	s14 =	smov.u32 s22;
	s22 =	simm.s32 $0x14E40  }
0x174: {  	[tilespmem:s22], [sflag:$0x4] =	stream.indirect.gather.add.f32 [hbm:s6], $0x80, s3, s28, $0xb8;
	[tilespmem:$0x1AE40] =	vst v63  }
0x175: {  	s31 =	sadd.s32 $0x5, s31;
	s9 =	smul.u32 $0xFFFE7000, s0;
	s11 =	simm.s32 $0xAE40  }
0x176: {  	[hbm4b:s1+s17] =	stream.linear.scatter [tilespmem:s11], [sflag:$0x7], $0x4000, $0x38;
	[tilespmem:$0x1AE40] =	vst v63  }
.Ltmp0:
0x177: {  	s2 =	smov.u32 s23;
	s22 =	simm.s32 $0xA;
	(pc) =	sbr.rel @p1 .LBB2_2-.Ltmp0, $4  }
0x178: {  	s7 =	smul.u32 $0xFFFF9C00, s0;
	s0 =	sshra.s32 s9, $0x2;
	_ =	swait.ge [sflag:s22], $0x4000  }
0x179: {  	s28 =	sadd.s32 s13, s30;
	s13 =	sadd.s32 $0x480, s25;
	[sflag:s22] =	ssyncset.done $0x0  }
0x17a: {  	s30 =	simm.s32 $0x16E40;
	s3 =	rddreg [dreg:$0x7];
	[sflag:s22] =	ssyncadd.s32 $0xFFFFC000  }
0x17b: {  	[tilespmem:s30], [sflag:$0xF] =	stream.linear.gather [spmem:s28], $0x4000, $0x38;
	[tilespmem:$0x1AE40] =	vst v63  }
0x17c: {  	s15 =	simm.s32 $0x3  }
0x17d: {  	_ =	swait.ge [sflag:s15], $0x2000  }
0x17e: {  	[sflag:s15] =	ssyncset.done $0x0  }
0x17f: {  	[sflag:s15] =	ssyncadd.s32 $0xFFFFE000  }
0x180: {  	_ =	swait.ge [sflag:s15], $0x2000  }
0x181: {  	[sflag:s15] =	ssyncset.done $0x0  }
0x182: {  	s17 =	simm.s32 $0xF;
	[sflag:s15] =	ssyncadd.s32 $0xFFFFE000  }
0x183: {  	_ =	swait.ge [sflag:s17], $0x4000  }
0x184: {  	[sflag:s17] =	ssyncset.done $0x0  }
0x185: {  	s12 =	simm.s32 $0x40;
	[sflag:s17] =	ssyncadd.s32 $0xFFFFC000  }
0x186: {  	s24 =	simm.s32 $0x16E40;
	s1 =	sadd.s32 $0x4C0, s25;
	s6 =	rddreg [dreg:$0x1]  }
0x187: {  	[tilespmem:s24], [sflag:$0x5] =	stream.indirect.gather.add.f32 [hbm:s6], $0x80, s13, s12, $0xb8;
	[tilespmem:$0x1AE40] =	vst v63  }
0x188: {  	s18 =	simm.s32 $0x18E40;
	s10 =	simm.s32 $0x0;
	s23 =	rddreg [dreg:$0x8]  }
0x189: {  	[tilespmem:s18], [sflag:$0x5] =	stream.indirect.gather.add.f32 [hbm:s6], $0x80, s1, s12, $0xb8;
	[tilespmem:$0x1AE40] =	vst v63  }
0x18a: {  	s11 =	simm.s32 $0xEE40;
	s19 =	simm.s32 $0x6;
	s1 =	sadd.s32 $0xFFFFF000, s23  }
0x18b: {  	[hbm4b:s1+s10] =	stream.linear.scatter [tilespmem:s11], [sflag:$0x8], $0x4000, $0x38;
	[tilespmem:$0x1AE40] =	vst v63  }
0x18c: {  	_ =	swait.ge [sflag:s19], $0x4000  }
0x18d: {  	[sflag:s19] =	ssyncset.done $0x0  }
0x18e: {  	[sflag:s19] =	ssyncadd.s32 $0xFFFFC000  }
0x18f: {  	s9 =	rddreg [dreg:$0x3]  }
0x190: {  	s22 =	simm.s32 $0x4;
	s25 =	sadd.s32 s5, s9;
	s5 =	simm.s32 $0x6E40  }
0x191: {  	[tilespmem:s5], [sflag:$0xB] =	stream.linear.gather [spmem:s25], $0x4000, $0x38;
	[tilespmem:$0x1AE40] =	vst v63  }
0x192: {  	_ =	swait.ge [sflag:s22], $0x2000  }
0x193: {  	[sflag:s22] =	ssyncset.done $0x0  }
0x194: {  	[sflag:s22] =	ssyncadd.s32 $0xFFFFE000  }
0x195: {  	s28 =	sadd.s32 s7, s8;
	_ =	swait.ge [sflag:s22], $0x2000  }
0x196: {  	s3 =	sand.u32 $0xFFF8, s28;
	[sflag:s22] =	ssyncset.done $0x0  }
0x197: {  	s4 =	simm.s32 $0xB;
	s3 =	sshrl.u32 s3, $0x3;
	[sflag:s22] =	ssyncadd.s32 $0xFFFFE000  }
0x198: {  	s3 =	smul.u32 $0x147B, s3;
	_ =	swait.ge [sflag:s4], $0x4000  }
0x199: {  	s29 =	sadd.s32 $0x500, s20;
	s30 =	sadd.s32 $0x540, s20;
	[sflag:s4] =	ssyncset.done $0x0  }
0x19a: {  	s31 =	simm.s32 $0x8E40;
	s3 =	sshrl.u32 s3, $0x11;
	[sflag:s4] =	ssyncadd.s32 $0xFFFFC000  }
0x19b: {  	[tilespmem:s5], [sflag:$0x1] =	stream.indirect.gather.add.f32 [hbm:s6], $0x80, s29, s12, $0xb8;
	[tilespmem:$0x1AE40] =	vst v63  }
0x19c: {  	s20 =	simm.s32 $0x7;
	s3 =	smul.u32 $0xC8, s3;
	s7 =	rddreg [dreg:$0x6]  }
0x19d: {  	[tilespmem:s31], [sflag:$0x1] =	stream.indirect.gather.add.f32 [hbm:s6], $0x80, s30, s12, $0xb8;
	[tilespmem:$0x1AE40] =	vst v63  }
0x19e: {  	s13 =	simm.s32 $0x12E40;
	s1 =	ssub.s32 s28, s3;
	s3 =	sadd.s32 $0xFFFFF800, s7  }
0x19f: {  	[hbm4b:s3+s10] =	stream.linear.scatter [tilespmem:s13], [sflag:$0x9], $0x4000, $0x38;
	[tilespmem:$0x1AE40] =	vst v63  }
0x1a0: {  	s8 =	smulhi.u32 $0x51EB851F, s21;
	s1 =	sand.u32 $0xFFFF, s1;
	_ =	swait.ge [sflag:s20], $0x4000  }
0x1a1: {  	s23 =	simm.s32 $0x5;
	s1 =	sshll.u32 s1, $0x7;
	[sflag:s20] =	ssyncset.done $0x0  }
0x1a2: {  	s1 =	sadd.s32 s1, s9;
	s7 =	simm.s32 $0xAE40;
	[sflag:s20] =	ssyncadd.s32 $0xFFFFC000  }
0x1a3: {  	[tilespmem:s7], [sflag:$0xC] =	stream.linear.gather [spmem:s1], $0x4000, $0x38;
	[tilespmem:$0x1AE40] =	vst v63  }
0x1a4: {  	s1 =	sshrl.u32 s8, $0x6;
	_ =	swait.ge [sflag:s23], $0x2000  }
0x1a5: {  	s1 =	smul.u32 $0xC8, s1;
	[sflag:s23] =	ssyncset.done $0x0  }
0x1a6: {  	[sflag:s23] =	ssyncadd.s32 $0xFFFFE000  }
0x1a7: {  	s1 =	ssub.s32 s21, s1;
	_ =	swait.ge [sflag:s23], $0x2000  }
0x1a8: {  	s25 =	simm.s32 $0xC;
	s1 =	sshll.u32 s1, $0x7;
	[sflag:s23] =	ssyncset.done $0x0  }
0x1a9: {  	s21 =	rddreg [dreg:$0x5];
	s28 =	sand.u32 $0xFF80, s1;
	[sflag:s23] =	ssyncadd.s32 $0xFFFFE000  }
0x1aa: {  	s0 =	sadd.s32 s21, s0;
	s3 =	smul.u32 $0x147B, s28;
	_ =	swait.ge [sflag:s25], $0x4000  }
0x1ab: {  	s30 =	smul.u32 $0xFFF9C000, s26;
	s0 =	sadd.s32 s16, s0;
	[sflag:s25] =	ssyncset.done $0x0  }
0x1ac: {  	s29 =	sadd.s32 $0x580, s0;
	s3 =	sshrl.u32 s3, $0x14;
	[sflag:s25] =	ssyncadd.s32 $0xFFFFC000  }
0x1ad: {  	[tilespmem:s7], [sflag:$0x2] =	stream.indirect.gather.add.f32 [hbm:s6], $0x80, s29, s12, $0xb8;
	[tilespmem:$0x1AE40] =	vst v63  }
0x1ae: {  	s31 =	simm.s32 $0xCE40;
	s0 =	sadd.s32 $0x5C0, s0;
	s3 =	smul.u32 $0xC8, s3  }
0x1af: {  	[tilespmem:s31], [sflag:$0x2] =	stream.indirect.gather.add.f32 [hbm:s6], $0x80, s0, s12, $0xb8;
	[tilespmem:$0x1AE40] =	vst v63  }
0x1b0: {  	s8 =	sadd.s32 s30, s2;
	s2 =	simm.s32 $0x8;
	s3 =	ssub.s32 s1, s3  }
0x1b1: {  	[hbm4b:s8+s10] =	stream.linear.scatter [tilespmem:s24], [sflag:$0xA], $0x4000, $0x38;
	[tilespmem:$0x1AE40] =	vst v63  }
0x1b2: {  	s0 =	sand.u32 $0xFFF8, s3;
	_ =	swait.ge [sflag:s2], $0x4000  }
0x1b3: {  	s0 =	sshll.u32 s0, $0x7;
	[sflag:s2] =	ssyncset.done $0x0  }
0x1b4: {  	s0 =	sadd.s32 s0, s9;
	s9 =	simm.s32 $0x1;
	[sflag:s2] =	ssyncadd.s32 $0xFFFFC000  }
0x1b5: {  	[tilespmem:s11], [sflag:$0xD] =	stream.linear.gather [spmem:s0], $0x4000, $0x38;
	[tilespmem:$0x1AE40] =	vst v63  }
0x1b6: {  	_ =	swait.ge [sflag:s9], $0x2000  }
0x1b7: {  	[sflag:s9] =	ssyncset.done $0x0  }
0x1b8: {  	[sflag:s9] =	ssyncadd.s32 $0xFFFFE000  }
0x1b9: {  	_ =	swait.ge [sflag:s9], $0x2000  }
0x1ba: {  	[sflag:s9] =	ssyncset.done $0x0  }
0x1bb: {  	s16 =	simm.s32 $0xD;
	[sflag:s9] =	ssyncadd.s32 $0xFFFFE000  }
0x1bc: {  	_ =	swait.ge [sflag:s16], $0x4000  }
0x1bd: {  	s21 =	sld [smem:$0x7F7]  }
0x1be: {  	[sflag:s16] =	ssyncset.done $0x0  }
0x1bf: {  	s25 =	sld [smem:$0x7F8];
	[sflag:s16] =	ssyncadd.s32 $0xFFFFC000  }
0x1c0: {  	[tilespmem:s11], [sflag:$0x3] =	stream.indirect.gather.add.f32 [hbm:s6], $0x80, s21, s12, $0xb8;
	[tilespmem:$0x1AE40] =	vst v63  }
0x1c1: {  	s26 =	simm.s32 $0x10E40;
	s28 =	sld [smem:$0x7E2]  }
0x1c2: {  	[tilespmem:s26], [sflag:$0x3] =	stream.indirect.gather.add.f32 [hbm:s6], $0x80, s25, s12, $0xb8;
	[tilespmem:$0x1AE40] =	vst v63  }
0x1c3: {  	s3 =	simm.s32 $0x9  }
0x1c4: {  	[hbm4b:s28+s10] =	stream.linear.scatter [tilespmem:s5], [sflag:$0x6], $0x4000, $0x38;
	[tilespmem:$0x1AE40] =	vst v63  }
0x1c5: {  	_ =	swait.ge [sflag:s3], $0x4000  }
0x1c6: {  	s29 =	sld [smem:$0x7E3]  }
0x1c7: {  	[sflag:s3] =	ssyncset.done $0x0  }
0x1c8: {  	s30 =	simm.s32 $0x2;
	[sflag:s3] =	ssyncadd.s32 $0xFFFFC000  }
0x1c9: {  	[tilespmem:s13], [sflag:$0xE] =	stream.linear.gather [spmem:s29], $0x4000, $0x38;
	[tilespmem:$0x1AE40] =	vst v63  }
0x1ca: {  	_ =	swait.ge [sflag:s30], $0x2000  }
0x1cb: {  	[sflag:s30] =	ssyncset.done $0x0  }
0x1cc: {  	[sflag:s30] =	ssyncadd.s32 $0xFFFFE000  }
0x1cd: {  	_ =	swait.ge [sflag:s30], $0x2000  }
0x1ce: {  	[sflag:s30] =	ssyncset.done $0x0  }
0x1cf: {  	s31 =	simm.s32 $0xE;
	[sflag:s30] =	ssyncadd.s32 $0xFFFFE000  }
0x1d0: {  	_ =	swait.ge [sflag:s31], $0x4000  }
0x1d1: {  	s1 =	sld [smem:$0x7F9]  }
0x1d2: {  	[sflag:s31] =	ssyncset.done $0x0  }
0x1d3: {  	s4 =	sld [smem:$0x7FA];
	[sflag:s31] =	ssyncadd.s32 $0xFFFFC000  }
0x1d4: {  	[tilespmem:s13], [sflag:$0x4] =	stream.indirect.gather.add.f32 [hbm:s6], $0x80, s1, s12, $0xb8;
	[tilespmem:$0x1AE40] =	vst v63  }
0x1d5: {  	s5 =	simm.s32 $0x14E40;
	s8 =	sld [smem:$0x7E4]  }
0x1d6: {  	[tilespmem:s5], [sflag:$0x4] =	stream.indirect.gather.add.f32 [hbm:s6], $0x80, s4, s12, $0xb8;
	[tilespmem:$0x1AE40] =	vst v63  }
0x1d7: {  	s9 =	simm.s32 $0xA  }
0x1d8: {  	[hbm4b:s8+s10] =	stream.linear.scatter [tilespmem:s7], [sflag:$0x7], $0x4000, $0x38;
	[tilespmem:$0x1AE40] =	vst v63  }
0x1d9: {  	_ =	swait.ge [sflag:s9], $0x4000  }
0x1da: {  	s16 =	sld [smem:$0x7E5]  }
0x1db: {  	[sflag:s9] =	ssyncset.done $0x0  }
0x1dc: {  	[sflag:s9] =	ssyncadd.s32 $0xFFFFC000  }
0x1dd: {  	[tilespmem:s24], [sflag:$0xF] =	stream.linear.gather [spmem:s16], $0x4000, $0x38;
	[tilespmem:$0x1AE40] =	vst v63  }
0x1de: {  	_ =	swait.ge [sflag:s15], $0x2000  }
0x1df: {  	[sflag:s15] =	ssyncset.done $0x0  }
0x1e0: {  	[sflag:s15] =	ssyncadd.s32 $0xFFFFE000  }
0x1e1: {  	_ =	swait.ge [sflag:s15], $0x2000  }
0x1e2: {  	[sflag:s15] =	ssyncset.done $0x0  }
0x1e3: {  	[sflag:s15] =	ssyncadd.s32 $0xFFFFE000  }
0x1e4: {  	_ =	swait.ge [sflag:s17], $0x4000  }
0x1e5: {  	s21 =	sld [smem:$0x7FB]  }
0x1e6: {  	[sflag:s17] =	ssyncset.done $0x0  }
0x1e7: {  	s25 =	sld [smem:$0x7FC];
	[sflag:s17] =	ssyncadd.s32 $0xFFFFC000  }
0x1e8: {  	[tilespmem:s24], [sflag:$0x5] =	stream.indirect.gather.add.f32 [hbm:s6], $0x80, s21, s12, $0xb8;
	[tilespmem:$0x1AE40] =	vst v63  }
0x1e9: {  	s26 =	sld [smem:$0x7E6]  }
0x1ea: {  	[tilespmem:s18], [sflag:$0x5] =	stream.indirect.gather.add.f32 [hbm:s6], $0x80, s25, s12, $0xb8;
	[tilespmem:$0x1AE40] =	vst v63  }
0x1eb: {  	_ = 	snop  }
0x1ec: {  	[hbm4b:s26+s10] =	stream.linear.scatter [tilespmem:s11], [sflag:$0x8], $0x4000, $0x38;
	[tilespmem:$0x1AE40] =	vst v63  }
0x1ed: {  	_ =	swait.ge [sflag:s19], $0x4000  }
0x1ee: {  	[sflag:s19] =	ssyncset.done $0x0  }
0x1ef: {  	[sflag:s19] =	ssyncadd.s32 $0xFFFFC000  }
0x1f0: {  	_ =	swait.ge [sflag:s22], $0x2000  }
0x1f1: {  	[sflag:s22] =	ssyncset.done $0x0  }
0x1f2: {  	[sflag:s22] =	ssyncadd.s32 $0xFFFFE000  }
0x1f3: {  	_ =	swait.ge [sflag:s22], $0x2000  }
0x1f4: {  	s28 =	sld [smem:$0x7E7]  }
0x1f5: {  	[sflag:s22] =	ssyncset.done $0x0  }
0x1f6: {  	[sflag:s22] =	ssyncadd.s32 $0xFFFFE000  }
0x1f7: {  	[hbm4b:s28+s10] =	stream.linear.scatter [tilespmem:s13], [sflag:$0x9], $0x4000, $0x38;
	[tilespmem:$0x1AE40] =	vst v63  }
0x1f8: {  	_ =	swait.ge [sflag:s20], $0x4000  }
0x1f9: {  	[sflag:s20] =	ssyncset.done $0x0  }
0x1fa: {  	[sflag:s20] =	ssyncadd.s32 $0xFFFFC000  }
0x1fb: {  	_ =	swait.ge [sflag:s23], $0x2000  }
0x1fc: {  	[sflag:s23] =	ssyncset.done $0x0  }
0x1fd: {  	[sflag:s23] =	ssyncadd.s32 $0xFFFFE000  }
0x1fe: {  	_ =	swait.ge [sflag:s23], $0x2000  }
0x1ff: {  	s29 =	sld [smem:$0x7E8]  }
0x200: {  	[sflag:s23] =	ssyncset.done $0x0  }
0x201: {  	[sflag:s23] =	ssyncadd.s32 $0xFFFFE000  }
0x202: {  	[hbm4b:s29+s10] =	stream.linear.scatter [tilespmem:s24], [sflag:$0xA], $0x4000, $0x38;
	[tilespmem:$0x1AE40] =	vst v63  }
0x203: {  	_ =	swait.ge [sflag:s2], $0x4000  }
0x204: {  	[sflag:s2] =	ssyncset.done $0x0  }
0x205: {  	[sflag:s2] =	ssyncadd.s32 $0xFFFFC000  }
0x206: {  	_ =	swait.ge [sflag:s3], $0x4000  }
0x207: {  	[sflag:s3] =	ssyncset.done $0x0  }
0x208: {  	[sflag:s3] =	ssyncadd.s32 $0xFFFFC000  }
0x209: {  	_ =	swait.ge [sflag:s9], $0x4000  }
0x20a: {  	s30 =	sld [smem:$0x7DA]  }
0x20b: {  	s31 =	sld [smem:$0x7E9];
	_ =	sdelay $0x1  }
0x20c: {  	s2 =	sadd.s32 $0x1, s30  }
0x20d: {  	p1 =	sne.s32 s2, s31  }
.Ltmp1:
0x20e: {  	_ = 	snop;
	(pc) =	sbr.rel @p1 .LBB2_1-.Ltmp1, $3  }
0x20f: {  	_ =	sdelay $0x1  }
0x210: {  	[sflag:s9] =	ssyncset.done $0x0  }
0x211: {  	[sflag:s9] =	ssyncadd.s32 $0xFFFFC000  }
0x212: {  	_ =	sfence.sel $0x180000  }
0x213: {  	[bflag:$0x0] =	sbarrier.arrive $0xFFFF  }
0x214: {  	_ =	strace $0x90000047  }
0x215: {  	[bflag:$0x2] =	sbarrier.arrive $0xFFFF  }
0x216: {  	s0 =	rddreg [dreg:$0x4]  }
0x217: {  	s0 =	sadd.s32 @!p0 $0x100000, s0  }
0x218: {  	[sflag:s0] =	ssyncadd.tile.s32 @!p0 $0x1;
	_ =	shalt  }
.Lfunc_end2:
_tile_overlayer_lowered:
.L_overlay_start_2:
0x219: {  	(tag) =	ssettag $0x2  }
0x21a: {  	s0 =	rddreg [dreg:$0x0];
	s2 =	stileid.u32  }
0x21b: {  	s1 =	rddreg [dreg:$0x1];
	p0 =	sne.s32 s2, $0x0  }
0x21c: {  	s3 =	rddreg [dreg:$0x2];
	[bflag:$0x3] =	sbarrier.arrive $0xFFFF;
	s2 =	simm.s32 @!p0 $0x1C10  }
0x21d: {  	[timem:s3], [sflag:s2] =	dma.local @!p0 [hbm:s0], s1  }
0x21e: {  	s0 =	simm.s32 @!p0 $0x10  }
0x21f: {  	_ =	swait.ge @!p0 [sflag:s0], s1  }
0x220: {  	s1 =	ssub.s32 @!p0 $0x0, s1;
	[sflag:s0] =	ssyncset.done @!p0 $0x0  }
0x221: {  	[sflag:s0] =	ssyncadd.s32 @!p0 s1  }
0x222: {  	[bflag:$0x3] =	sbarrier.arrive $0xFFFF  }
0x223: {  	_ =	shalt  }

</sc_bundles>
